<compile_context>
chip_gen: v7x
topology: tpu7x:2x2x1
jax: 0.10.2.dev20260603
libtpu: 0.0.44.dev20260713+nightly
codegen_flags: <defaults>
</compile_context>

<pallas_src>
import functools

import jax
import jax.numpy as jnp
from jax import lax
from jax.experimental import pallas as pl
from jax.experimental.pallas import tpu as pltpu
from jax.experimental.pallas import tpu_sc as plsc

N = 10000
E = 320000
D_IN = 128
H = 128
HC = 32

NC = 2
NS = 16
NW = NC * NS
EDGES_PER_W = E // NW
CHUNK = 80
STEPS = EDGES_PER_W // CHUNK
NACC = 10240
RPT = NACC // NS
RCOPY = RPT // CHUNK
LASTC = (N - (NS - 1) * RPT) // CHUNK

KBUF = 5
ROUNDS = STEPS // KBUF
KS = 3
ROUNDS_S = 40

_mesh = plsc.VectorSubcoreMesh(
    core_axis_name="c", subcore_axis_name="s", num_cores=NC, num_subcores=NS
)


@functools.partial(
    pl.kernel,
    out_type=jax.ShapeDtypeStruct((NC * N,), jnp.float32),
    mesh=_mesh,
    scratch_types=(
        [pltpu.VMEM((CHUNK,), jnp.float32), pltpu.VMEM((RPT,), jnp.float32)]
        + [pltpu.VMEM((CHUNK,), jnp.int32)] * KBUF
        + [pltpu.SemaphoreType.DMA] * (2 * KBUF)
        + [pltpu.VMEM_SHARED((NACC,), jnp.float32)]
    ),
)
def _sc_deg(dst_hbm, out_hbm, ones_v, buf_v, *rest):
    dstb = rest[:KBUF]
    lsem = rest[KBUF:2 * KBUF]
    ssem = rest[2 * KBUF:3 * KBUF]
    deg_sh = rest[3 * KBUF]

    c = lax.axis_index("c")
    s = lax.axis_index("s")
    w = s * NC + c
    base0 = w * EDGES_PER_W

    for j in range(CHUNK // 16):
        ones_v[pl.ds(j * 16, 16)] = jnp.ones((16,), jnp.float32)

    def zbody(r, _):
        buf_v[pl.ds(r * 16, 16)] = jnp.zeros((16,), jnp.float32)
        return 0

    lax.fori_loop(0, RPT // 16, zbody, 0)
    pltpu.sync_copy(buf_v, deg_sh.at[pl.ds(s * RPT, RPT)])
    plsc.subcore_barrier()

    for b in range(KBUF):
        pltpu.async_copy(dst_hbm.at[pl.ds(base0 + b * CHUNK, CHUNK)],
                         dstb[b], lsem[b])

    def body(j, _):
        i0 = j * KBUF
        for b in range(KBUF):
            pltpu.make_async_copy(dst_hbm.at[pl.ds(base0, CHUNK)], dstb[b],
                                  lsem[b]).wait()
            pltpu.async_copy(ones_v, deg_sh.at[dstb[b]], ssem[b], add=True)
        for b in range(KBUF):
            i = i0 + b

            @pl.when(j < ROUNDS - 1)
            def _():
                pltpu.make_async_copy(ones_v, deg_sh.at[dstb[b]],
                                      ssem[b]).wait()
                pltpu.async_copy(
                    dst_hbm.at[pl.ds(base0 + (i + KBUF) * CHUNK, CHUNK)],
                    dstb[b], lsem[b])
        return 0

    lax.fori_loop(0, ROUNDS, body, 0)
    for b in range(KBUF):
        pltpu.make_async_copy(ones_v, deg_sh.at[dstb[b]], ssem[b]).wait()
    plsc.subcore_barrier()

    pltpu.sync_copy(deg_sh.at[pl.ds(s * RPT, RPT)], buf_v)

    @pl.when(s < NS - 1)
    def _():
        pltpu.sync_copy(buf_v, out_hbm.at[pl.ds(c * N + s * RPT, RPT)])

    @pl.when(s == NS - 1)
    def _():
        pltpu.sync_copy(buf_v.at[pl.ds(0, LASTC * CHUNK)],
                        out_hbm.at[pl.ds(c * N + (NS - 1) * RPT,
                                         LASTC * CHUNK)])


@functools.partial(
    pl.kernel,
    out_type=jax.ShapeDtypeStruct((NC * N, H), jnp.float32),
    mesh=_mesh,
    scratch_types=(
        [pltpu.VMEM((EDGES_PER_W,), jnp.int32)]
        + [pltpu.VMEM((CHUNK,), jnp.int32)] * KS
        + [pltpu.VMEM((CHUNK, H), jnp.float32)] * KS
        + [pltpu.SemaphoreType.DMA] * (3 * KS)
        + [pltpu.VMEM_SHARED((NACC, H), jnp.float32)]
    ),
)
def _sc_scatter(g_hbm, src_hbm, dst_hbm, out_hbm, src_all, *rest):
    dstb = rest[:KS]
    rows = rest[KS:2 * KS]
    gsem = rest[2 * KS:3 * KS]
    lsem = rest[3 * KS:4 * KS]
    ssem = rest[4 * KS:5 * KS]
    acc_sh = rest[5 * KS]

    c = lax.axis_index("c")
    s = lax.axis_index("s")
    w = s * NC + c
    base0 = w * EDGES_PER_W

    pltpu.sync_copy(src_hbm.at[pl.ds(base0, EDGES_PER_W)], src_all)

    def zbody(r, _):
        for j in range(H // 16):
            rows[0][r, pl.ds(j * 16, 16)] = jnp.zeros((16,), jnp.float32)
        return 0

    lax.fori_loop(0, CHUNK, zbody, 0)
    for k in range(RCOPY):
        pltpu.async_copy(rows[0],
                         acc_sh.at[pl.ds(s * RPT + k * CHUNK, CHUNK)],
                         gsem[0])
    for k in range(RCOPY):
        pltpu.make_async_copy(rows[0], acc_sh.at[pl.ds(s * RPT, CHUNK)],
                              gsem[0]).wait()
    plsc.subcore_barrier()

    for b in range(KS):
        pltpu.async_copy(g_hbm.at[src_all.at[pl.ds(b * CHUNK, CHUNK)]],
                         rows[b], gsem[b])
        pltpu.async_copy(dst_hbm.at[pl.ds(base0 + b * CHUNK, CHUNK)],
                         dstb[b], lsem[b])

    def body(j, _):
        i0 = j * KS
        for b in range(KS):
            i = i0 + b
            pltpu.make_async_copy(g_hbm.at[src_all.at[pl.ds(0, CHUNK)]],
                                  rows[b], gsem[b]).wait()
            pltpu.make_async_copy(dst_hbm.at[pl.ds(base0, CHUNK)], dstb[b],
                                  lsem[b]).wait()
            pltpu.async_copy(rows[b], acc_sh.at[dstb[b]], ssem[b], add=True)
        for b in range(KS):
            i = i0 + b

            @pl.when(j < ROUNDS_S - 1)
            def _():
                pltpu.make_async_copy(rows[b], acc_sh.at[dstb[b]],
                                      ssem[b]).wait()
                pltpu.async_copy(
                    g_hbm.at[src_all.at[pl.ds((i + KS) * CHUNK, CHUNK)]],
                    rows[b], gsem[b])
                pltpu.async_copy(
                    dst_hbm.at[pl.ds(base0 + (i + KS) * CHUNK, CHUNK)],
                    dstb[b], lsem[b])
        return 0

    lax.fori_loop(0, ROUNDS_S, body, 0)

    for i in range(KS * ROUNDS_S, STEPS):
        b = (i - KS * ROUNDS_S) % KS
        pltpu.make_async_copy(rows[b], acc_sh.at[dstb[b]], ssem[b]).wait()
        pltpu.async_copy(g_hbm.at[src_all.at[pl.ds(i * CHUNK, CHUNK)]],
                         rows[b], gsem[b])
        pltpu.async_copy(dst_hbm.at[pl.ds(base0 + i * CHUNK, CHUNK)],
                         dstb[b], lsem[b])
        pltpu.make_async_copy(g_hbm.at[src_all.at[pl.ds(0, CHUNK)]],
                              rows[b], gsem[b]).wait()
        pltpu.make_async_copy(dst_hbm.at[pl.ds(base0, CHUNK)], dstb[b],
                              lsem[b]).wait()
        pltpu.async_copy(rows[b], acc_sh.at[dstb[b]], ssem[b], add=True)

    for b in range(KS):
        pltpu.make_async_copy(rows[b], acc_sh.at[dstb[b]], ssem[b]).wait()
    plsc.subcore_barrier()

    for k in range(RCOPY):
        b = k % KS

        def _wb(k=k, b=b):
            if k >= KS:
                pltpu.make_async_copy(
                    rows[b], out_hbm.at[pl.ds(c * N + s * RPT, CHUNK)],
                    lsem[b]).wait()
            pltpu.sync_copy(acc_sh.at[pl.ds(s * RPT + k * CHUNK, CHUNK)],
                            rows[b])
            pltpu.async_copy(
                rows[b],
                out_hbm.at[pl.ds(c * N + s * RPT + k * CHUNK, CHUNK)],
                lsem[b])

        if k < LASTC:
            _wb()
        else:
            pl.when(s < NS - 1)(_wb)

    for b in range(KS):
        pltpu.make_async_copy(rows[b],
                              out_hbm.at[pl.ds(c * N + s * RPT, CHUNK)],
                              lsem[b]).wait()


_BN = 2000
_NB = N // _BN


_BE = 32000


def _tc_split_body(ei_ref, s_ref, d_ref):
    s_ref[...] = ei_ref[0]
    d_ref[...] = ei_ref[1]


def _tc_hw_body(x_ref, co_ref, wn_ref, bn_ref, wc_ref, bc_ref,
                wg1_ref, wg2_ref, hw_ref):
    hn = jnp.dot(x_ref[...], wn_ref[...], preferred_element_type=jnp.float32)
    hn = hn + bn_ref[...]
    hc = jnp.dot(co_ref[...], wc_ref[...], preferred_element_type=jnp.float32)
    hc = hc + bc_ref[...]
    hw_ref[...] = (jnp.dot(hn, wg1_ref[...], preferred_element_type=jnp.float32)
                   + jnp.dot(hc, wg2_ref[...], preferred_element_type=jnp.float32))


def _tc_scale_body(hw_ref, d0_ref, d1_ref, g_ref):
    dinv = lax.rsqrt(d0_ref[...] + d1_ref[...] + 1.0)
    g_ref[...] = dinv * hw_ref[...]


def _tc_final_body(a0_ref, a1_ref, g_ref, d0_ref, d1_ref, bg_ref, wf_ref,
                   bf_ref, out_ref):
    ssum = a0_ref[...] + a1_ref[...] + g_ref[...]
    dinv = lax.rsqrt(d0_ref[...] + d1_ref[...] + 1.0)
    h = jnp.maximum(dinv * ssum + bg_ref[...], 0.0)
    out_ref[...] = (jnp.dot(h, wf_ref[...], preferred_element_type=jnp.float32)
                    + bf_ref[...])


def _row_block(cols, off=0):
    return pl.BlockSpec((_BN, cols), lambda i, o=off: (i + o, 0))


def _whole(shape):
    return pl.BlockSpec(shape, lambda i: tuple(0 for _ in shape))


def kernel(x, edge_index, initial_coords, W_node, b_node, W_coord, b_coord,
           W_gcn, b_gcn, W_force, b_force):
    src, dst = pl.pallas_call(
        _tc_split_body,
        grid=(1,),
        in_specs=[
            pl.BlockSpec((2, E), lambda i: (0, 0)),
        ],
        out_specs=[
            pl.BlockSpec((E,), lambda i: (0,)),
            pl.BlockSpec((E,), lambda i: (0,)),
        ],
        out_shape=[
            jax.ShapeDtypeStruct((E,), jnp.int32),
            jax.ShapeDtypeStruct((E,), jnp.int32),
        ],
    )(edge_index)

    deg_p = _sc_deg(dst).reshape(NC * N, 1)

    hw = pl.pallas_call(
        _tc_hw_body,
        grid=(_NB,),
        in_specs=[
            _row_block(D_IN),
            _row_block(2),
            _whole((D_IN, H)),
            _whole((1, H)),
            _whole((2, HC)),
            _whole((1, HC)),
            _whole((H, H)),
            _whole((HC, H)),
        ],
        out_specs=_row_block(H),
        out_shape=jax.ShapeDtypeStruct((N, H), jnp.float32),
    )(x, initial_coords, W_node, b_node.reshape(1, H),
      W_coord, b_coord.reshape(1, HC), W_gcn[:H], W_gcn[H:])

    g = pl.pallas_call(
        _tc_scale_body,
        grid=(_NB,),
        in_specs=[
            _row_block(H),
            _row_block(1),
            _row_block(1, off=_NB),
        ],
        out_specs=_row_block(H),
        out_shape=jax.ShapeDtypeStruct((N, H), jnp.float32),
    )(hw, deg_p, deg_p)

    acc_p = _sc_scatter(g, src, dst)

    out = pl.pallas_call(
        _tc_final_body,
        grid=(_NB,),
        in_specs=[
            _row_block(H),
            _row_block(H, off=_NB),
            _row_block(H),
            _row_block(1),
            _row_block(1, off=_NB),
            _whole((1, H)),
            _whole((H, 2)),
            _whole((1, 2)),
        ],
        out_specs=_row_block(2),
        out_shape=jax.ShapeDtypeStruct((N, 2), jnp.float32),
    )(acc_p, acc_p, g, deg_p, deg_p, b_gcn.reshape(1, H), W_force,
      b_force.reshape(1, 2))

    return out

# --- scband reference (transcript-rebuilt; emitter-appended) ---
"""Pipeline reference for scband-local-force-net-37082747634270 (READ-ONLY COPY).

The authoritative reference and input builder live on the scoring server;
editing this copy changes nothing except your own understanding.
"""

import jax, jax.numpy as jnp
import numpy as np

N = 10000
E = 320000
D_IN = 128
H = 128
HC = H // 4  # 32


def setup_inputs(seed: int = 0) -> dict:
    key = jax.random.key(seed)
    ks = jax.random.split(key, 10)
    x = jax.random.normal(ks[0], (N, D_IN), dtype=jnp.float32)
    edge_index = jax.random.randint(ks[1], (2, E), 0, N, dtype=jnp.int32)
    initial_coords = jax.random.normal(ks[2], (N, 2), dtype=jnp.float32)
    W_node = jax.random.normal(ks[3], (D_IN, H), dtype=jnp.float32) * 0.02
    b_node = jnp.zeros((H,), dtype=jnp.float32)
    W_coord = jax.random.normal(ks[4], (2, HC), dtype=jnp.float32) * 0.02
    b_coord = jnp.zeros((HC,), dtype=jnp.float32)
    W_gcn = jax.random.normal(ks[5], (H + HC, H), dtype=jnp.float32) * 0.02
    b_gcn = jnp.zeros((H,), dtype=jnp.float32)
    W_force = jax.random.normal(ks[6], (H, 2), dtype=jnp.float32) * 0.02
    b_force = jnp.zeros((2,), dtype=jnp.float32)
    return {
        "x": x,
        "edge_index": edge_index,
        "initial_coords": initial_coords,
        "W_node": W_node, "b_node": b_node,
        "W_coord": W_coord, "b_coord": b_coord,
        "W_gcn": W_gcn, "b_gcn": b_gcn,
        "W_force": W_force, "b_force": b_force,
    }


def _gcn_conv(h, src, dst, W, b, n_nodes):
    # PyG GCNConv defaults: add self-loops, symmetric normalization, bias.
    loop = jnp.arange(n_nodes, dtype=src.dtype)
    src = jnp.concatenate([src, loop])
    dst = jnp.concatenate([dst, loop])
    hW = h @ W  # transform first (PyG lin before propagate)
    deg = jnp.zeros((n_nodes,), dtype=hW.dtype).at[dst].add(1.0)
    dinv = jnp.where(deg > 0, 1.0 / jnp.sqrt(deg), 0.0)
    norm = dinv[src] * dinv[dst]
    msg = hW[src] * norm[:, None]
    out = jax.ops.segment_sum(msg, dst, num_segments=n_nodes)
    return out + b


def reference(x, edge_index, initial_coords, W_node, b_node, W_coord, b_coord, W_gcn, b_gcn, W_force, b_force):
    h_node = x.astype(jnp.float32) @ W_node + b_node
    h_coord = initial_coords.astype(jnp.float32) @ W_coord + b_coord
    h_combined = jnp.concatenate([h_node, h_coord], axis=-1)
    h = _gcn_conv(h_combined, edge_index[0], edge_index[1], W_gcn, b_gcn, x.shape[0])
    h = jax.nn.relu(h)
    # dropout is identity in eval mode (training=False)
    local_force = h @ W_force + b_force
    return local_force

if __name__ == "__main__":
    import jax
    _d = setup_inputs()
    print(jax.jit(kernel)(*tuple(_d.values())))

</pallas_src>

<mosaic_0001>
#map = affine_map<(d0, d1) -> (0)>
module attributes {stable_mosaic.version = 14 : i64} {
  func.func @_sc_deg(%arg0: i32, %arg1: i32, %arg2: memref<320000xi32, #tpu.memory_space<hbm>>, %arg3: memref<20000xf32, #tpu.memory_space<hbm>>, %arg4: memref<80xf32, #tpu.memory_space<vmem>>, %arg5: memref<640xf32, #tpu.memory_space<vmem>>, %arg6: memref<80xi32, #tpu.memory_space<vmem>>, %arg7: memref<80xi32, #tpu.memory_space<vmem>>, %arg8: memref<80xi32, #tpu.memory_space<vmem>>, %arg9: memref<80xi32, #tpu.memory_space<vmem>>, %arg10: memref<80xi32, #tpu.memory_space<vmem>>, %arg11: memref<!tpu.dma_semaphore, #tpu.memory_space<semaphore_mem>>, %arg12: memref<!tpu.dma_semaphore, #tpu.memory_space<semaphore_mem>>, %arg13: memref<!tpu.dma_semaphore, #tpu.memory_space<semaphore_mem>>, %arg14: memref<!tpu.dma_semaphore, #tpu.memory_space<semaphore_mem>>, %arg15: memref<!tpu.dma_semaphore, #tpu.memory_space<semaphore_mem>>, %arg16: memref<!tpu.dma_semaphore, #tpu.memory_space<semaphore_mem>>, %arg17: memref<!tpu.dma_semaphore, #tpu.memory_space<semaphore_mem>>, %arg18: memref<!tpu.dma_semaphore, #tpu.memory_space<semaphore_mem>>, %arg19: memref<!tpu.dma_semaphore, #tpu.memory_space<semaphore_mem>>, %arg20: memref<!tpu.dma_semaphore, #tpu.memory_space<semaphore_mem>>, %arg21: memref<10240xf32, #tpu.memory_space<vmem_shared>>) attributes {dimension_semantics = [#tpu.dimension_semantics<core_parallel>, #tpu.dimension_semantics<subcore_parallel>], iteration_bounds = array<i64: 2, 16>, scalar_prefetch = 0 : i64, scratch_operands = 18 : i64, tpu.core_type = #tpu.core_type<sc_vector_subcore>, window_params = [{transform_indices = #map}, {transform_indices = #map}]} {
    %mul3A = arith.constant 2 : i32
    %mul3A_0 = arith.muli %arg1, %mul3A : i32
    %add3A = arith.addi %mul3A_0, %arg0 : i32
    %mul3A_1 = arith.constant 10000 : i32
    %mul3A_2 = arith.muli %add3A, %mul3A_1 : i32
    %broadcast_in_dim3A = arith.constant 1.000000e+00 : f32
    %broadcast_in_dim3A_3 = vector.broadcast %broadcast_in_dim3A : f32 to vector<16xf32>
    %swap3A = arith.constant 0 : index
    %swap3A_4 = tpu.vector_load %arg4[%swap3A] {strides = array<i32>} : memref<80xf32, #tpu.memory_space<vmem>>, vector<16xf32>,
    %swap3A_5 = vector.shape_cast %swap3A_4 : vector<16xf32> to vector<16xf32>
    %swap3A_6 = vector.shape_cast %broadcast_in_dim3A_3 : vector<16xf32> to vector<16xf32>
    tpu.vector_store %arg4[%swap3A], %swap3A_6 {strides = array<i32>} : memref<80xf32, #tpu.memory_space<vmem>>, vector<16xf32>,
    %broadcast_in_dim3A_7 = arith.constant 1.000000e+00 : f32
    %broadcast_in_dim3A_8 = vector.broadcast %broadcast_in_dim3A_7 : f32 to vector<16xf32>
    %swap3A_9 = arith.constant 16 : index
    %swap3A_10 = tpu.vector_load %arg4[%swap3A_9] {strides = array<i32>} : memref<80xf32, #tpu.memory_space<vmem>>, vector<16xf32>,
    %swap3A_11 = vector.shape_cast %swap3A_10 : vector<16xf32> to vector<16xf32>
    %swap3A_12 = vector.shape_cast %broadcast_in_dim3A_8 : vector<16xf32> to vector<16xf32>
    tpu.vector_store %arg4[%swap3A_9], %swap3A_12 {strides = array<i32>} : memref<80xf32, #tpu.memory_space<vmem>>, vector<16xf32>,
    %broadcast_in_dim3A_13 = arith.constant 1.000000e+00 : f32
    %broadcast_in_dim3A_14 = vector.broadcast %broadcast_in_dim3A_13 : f32 to vector<16xf32>
    %swap3A_15 = arith.constant 32 : index
    %swap3A_16 = tpu.vector_load %arg4[%swap3A_15] {strides = array<i32>} : memref<80xf32, #tpu.memory_space<vmem>>, vector<16xf32>,
    %swap3A_17 = vector.shape_cast %swap3A_16 : vector<16xf32> to vector<16xf32>
    %swap3A_18 = vector.shape_cast %broadcast_in_dim3A_14 : vector<16xf32> to vector<16xf32>
    tpu.vector_store %arg4[%swap3A_15], %swap3A_18 {strides = array<i32>} : memref<80xf32, #tpu.memory_space<vmem>>, vector<16xf32>,
    %broadcast_in_dim3A_19 = arith.constant 1.000000e+00 : f32
    %broadcast_in_dim3A_20 = vector.broadcast %broadcast_in_dim3A_19 : f32 to vector<16xf32>
    %swap3A_21 = arith.constant 48 : index
    %swap3A_22 = tpu.vector_load %arg4[%swap3A_21] {strides = array<i32>} : memref<80xf32, #tpu.memory_space<vmem>>, vector<16xf32>,
    %swap3A_23 = vector.shape_cast %swap3A_22 : vector<16xf32> to vector<16xf32>
    %swap3A_24 = vector.shape_cast %broadcast_in_dim3A_20 : vector<16xf32> to vector<16xf32>
    tpu.vector_store %arg4[%swap3A_21], %swap3A_24 {strides = array<i32>} : memref<80xf32, #tpu.memory_space<vmem>>, vector<16xf32>,
    %broadcast_in_dim3A_25 = arith.constant 1.000000e+00 : f32
    %broadcast_in_dim3A_26 = vector.broadcast %broadcast_in_dim3A_25 : f32 to vector<16xf32>
    %swap3A_27 = arith.constant 64 : index
    %swap3A_28 = tpu.vector_load %arg4[%swap3A_27] {strides = array<i32>} : memref<80xf32, #tpu.memory_space<vmem>>, vector<16xf32>,
    %swap3A_29 = vector.shape_cast %swap3A_28 : vector<16xf32> to vector<16xf32>
    %swap3A_30 = vector.shape_cast %broadcast_in_dim3A_26 : vector<16xf32> to vector<16xf32>
    tpu.vector_store %arg4[%swap3A_27], %swap3A_30 {strides = array<i32>} : memref<80xf32, #tpu.memory_space<vmem>>, vector<16xf32>,
    %scan3A = arith.constant 0 : i32
    %scan3A_31 = arith.constant 0 : i32
    %scan3A_32 = arith.constant 40 : i32
    %scan3A_33 = arith.addi %scan3A_31, %scan3A_32 : i32
    %scan3A_34 = arith.constant 1 : i32
    %scan3A_35 = scf.for %scan3A_83 = %scan3A_31 to %scan3A_33 step %scan3A_34 iter_args(%scan3A_84 = %scan3A) -> (i32)  : i32 {
      %broadcast_in_dim3A_85 = arith.constant 0.000000e+00 : f32
      %broadcast_in_dim3A_86 = vector.broadcast %broadcast_in_dim3A_85 : f32 to vector<16xf32>
      %mul3A_87 = arith.constant 16 : i32
      %mul3A_88 = arith.muli %scan3A_83, %mul3A_87 : i32
      %swap3A_89 = arith.index_cast %mul3A_88 : i32 to index
      %swap3A_90 = tpu.vector_load %arg5[%swap3A_89] {strides = array<i32>} : memref<640xf32, #tpu.memory_space<vmem>>, vector<16xf32>,
      %swap3A_91 = vector.shape_cast %swap3A_90 : vector<16xf32> to vector<16xf32>
      %swap3A_92 = vector.shape_cast %broadcast_in_dim3A_86 : vector<16xf32> to vector<16xf32>
      tpu.vector_store %arg5[%swap3A_89], %swap3A_92 {strides = array<i32>} : memref<640xf32, #tpu.memory_space<vmem>>, vector<16xf32>,
      %scan3A_93 = arith.constant 0 : i32
      scf.yield %scan3A_93 : i32
    }
    %scan3A_36 = arith.constant 40 : i32
    %mul3A_37 = arith.constant 640 : i32
    %mul3A_38 = arith.muli %arg1, %mul3A_37 : i32
    "tpu.region"() ({
      %run_scoped3A = tpu.sem_alloc : memref<!tpu.dma_semaphore, #tpu.memory_space<semaphore_mem>>
      %dma_start3A_83 = tpu.memref_slice %arg21[%mul3A_38] : memref<10240xf32, #tpu.memory_space<vmem_shared>> -> memref<640xf32, #tpu.memory_space<vmem_shared>>
      %dma_start3A_84 = tpu.memref_slice %arg21[%mul3A_38] : memref<10240xf32, #tpu.memory_space<vmem_shared>> -> memref<640xf32, #tpu.memory_space<vmem_shared>>
      tpu.enqueue_dma source(%arg5 : memref<640xf32, #tpu.memory_space<vmem>>) target(%dma_start3A_84 : memref<640xf32, #tpu.memory_space<vmem_shared>>) target_semaphore(%run_scoped3A : memref<!tpu.dma_semaphore, #tpu.memory_space<semaphore_mem>>)
      %dma_wait3A_85 = tpu.memref_slice %arg21[%mul3A_38] : memref<10240xf32, #tpu.memory_space<vmem_shared>> -> memref<640xf32, #tpu.memory_space<vmem_shared>>
      %dma_wait3A_86 = tpu.memref_slice %arg21[%mul3A_38] : memref<10240xf32, #tpu.memory_space<vmem_shared>> -> memref<640xf32, #tpu.memory_space<vmem_shared>>
      tpu.wait_dma2 semaphore(%run_scoped3A : memref<!tpu.dma_semaphore, #tpu.memory_space<semaphore_mem>>) src(%arg5 : memref<640xf32, #tpu.memory_space<vmem>>) dst(%dma_wait3A_86 : memref<640xf32, #tpu.memory_space<vmem_shared>>)
      tpu.yield
    }) : () -> ()
    %barrier3A = arith.constant 0 : index
    tpu.barrier barrier_id(%barrier3A)
    %add3A_39 = arith.constant 0 : i32
    %add3A_40 = arith.addi %mul3A_2, %add3A_39 : i32
    %dma_start3A = tpu.memref_slice %arg2[%add3A_40] : memref<320000xi32, #tpu.memory_space<hbm>> -> memref<80xi32, #tpu.memory_space<hbm>>
    %dma_start3A_41 = tpu.memref_slice %arg2[%add3A_40] : memref<320000xi32, #tpu.memory_space<hbm>> -> memref<80xi32, #tpu.memory_space<hbm>>
    tpu.enqueue_dma source(%dma_start3A_41 : memref<80xi32, #tpu.memory_space<hbm>>) target(%arg6 : memref<80xi32, #tpu.memory_space<vmem>>) target_semaphore(%arg11 : memref<!tpu.dma_semaphore, #tpu.memory_space<semaphore_mem>>)
    %add3A_42 = arith.constant 80 : i32
    %add3A_43 = arith.addi %mul3A_2, %add3A_42 : i32
    %dma_start3A_44 = tpu.memref_slice %arg2[%add3A_43] : memref<320000xi32, #tpu.memory_space<hbm>> -> memref<80xi32, #tpu.memory_space<hbm>>
    %dma_start3A_45 = tpu.memref_slice %arg2[%add3A_43] : memref<320000xi32, #tpu.memory_space<hbm>> -> memref<80xi32, #tpu.memory_space<hbm>>
    tpu.enqueue_dma source(%dma_start3A_45 : memref<80xi32, #tpu.memory_space<hbm>>) target(%arg7 : memref<80xi32, #tpu.memory_space<vmem>>) target_semaphore(%arg12 : memref<!tpu.dma_semaphore, #tpu.memory_space<semaphore_mem>>)
    %add3A_46 = arith.constant 160 : i32
    %add3A_47 = arith.addi %mul3A_2, %add3A_46 : i32
    %dma_start3A_48 = tpu.memref_slice %arg2[%add3A_47] : memref<320000xi32, #tpu.memory_space<hbm>> -> memref<80xi32, #tpu.memory_space<hbm>>
    %dma_start3A_49 = tpu.memref_slice %arg2[%add3A_47] : memref<320000xi32, #tpu.memory_space<hbm>> -> memref<80xi32, #tpu.memory_space<hbm>>
    tpu.enqueue_dma source(%dma_start3A_49 : memref<80xi32, #tpu.memory_space<hbm>>) target(%arg8 : memref<80xi32, #tpu.memory_space<vmem>>) target_semaphore(%arg13 : memref<!tpu.dma_semaphore, #tpu.memory_space<semaphore_mem>>)
    %add3A_50 = arith.constant 240 : i32
    %add3A_51 = arith.addi %mul3A_2, %add3A_50 : i32
    %dma_start3A_52 = tpu.memref_slice %arg2[%add3A_51] : memref<320000xi32, #tpu.memory_space<hbm>> -> memref<80xi32, #tpu.memory_space<hbm>>
    %dma_start3A_53 = tpu.memref_slice %arg2[%add3A_51] : memref<320000xi32, #tpu.memory_space<hbm>> -> memref<80xi32, #tpu.memory_space<hbm>>
    tpu.enqueue_dma source(%dma_start3A_53 : memref<80xi32, #tpu.memory_space<hbm>>) target(%arg9 : memref<80xi32, #tpu.memory_space<vmem>>) target_semaphore(%arg14 : memref<!tpu.dma_semaphore, #tpu.memory_space<semaphore_mem>>)
    %add3A_54 = arith.constant 320 : i32
    %add3A_55 = arith.addi %mul3A_2, %add3A_54 : i32
    %dma_start3A_56 = tpu.memref_slice %arg2[%add3A_55] : memref<320000xi32, #tpu.memory_space<hbm>> -> memref<80xi32, #tpu.memory_space<hbm>>
    %dma_start3A_57 = tpu.memref_slice %arg2[%add3A_55] : memref<320000xi32, #tpu.memory_space<hbm>> -> memref<80xi32, #tpu.memory_space<hbm>>
    tpu.enqueue_dma source(%dma_start3A_57 : memref<80xi32, #tpu.memory_space<hbm>>) target(%arg10 : memref<80xi32, #tpu.memory_space<vmem>>) target_semaphore(%arg15 : memref<!tpu.dma_semaphore, #tpu.memory_space<semaphore_mem>>)
    %scan3A_58 = arith.constant 0 : i32
    %scan3A_59 = arith.constant 0 : i32
    %scan3A_60 = arith.constant 25 : i32
    %scan3A_61 = arith.addi %scan3A_59, %scan3A_60 : i32
    %scan3A_62 = arith.constant 1 : i32
    %scan3A_63 = scf.for %scan3A_83 = %scan3A_59 to %scan3A_61 step %scan3A_62 iter_args(%scan3A_84 = %scan3A_58) -> (i32)  : i32 {
      %mul3A_85 = arith.constant 5 : i32
      %mul3A_86 = arith.muli %scan3A_83, %mul3A_85 : i32
      %dma_wait3A_87 = tpu.memref_slice %arg2[%mul3A_2] : memref<320000xi32, #tpu.memory_space<hbm>> -> memref<80xi32, #tpu.memory_space<hbm>>
      %dma_wait3A_88 = tpu.memref_slice %arg2[%mul3A_2] : memref<320000xi32, #tpu.memory_space<hbm>> -> memref<80xi32, #tpu.memory_space<hbm>>
      tpu.wait_dma2 semaphore(%arg11 : memref<!tpu.dma_semaphore, #tpu.memory_space<semaphore_mem>>) src(%dma_wait3A_88 : memref<80xi32, #tpu.memory_space<hbm>>) dst(%arg6 : memref<80xi32, #tpu.memory_space<vmem>>)
      %dma_start3A_89 = arith.constant 0 : i32
      %dma_start3A_90 = tpu.memref_slice %arg21[%dma_start3A_89] : memref<10240xf32, #tpu.memory_space<vmem_shared>> -> memref<10240xf32, #tpu.memory_space<vmem_shared>>
      tpu.enqueue_indirect_dma source(%arg4 : memref<80xf32, #tpu.memory_space<vmem>>) target(%dma_start3A_90 : memref<10240xf32, #tpu.memory_space<vmem_shared>>) offsets(%arg6 : memref<80xi32, #tpu.memory_space<vmem>>) semaphore(%arg16 : memref<!tpu.dma_semaphore, #tpu.memory_space<semaphore_mem>>) {add = true}
      %dma_wait3A_91 = tpu.memref_slice %arg2[%mul3A_2] : memref<320000xi32, #tpu.memory_space<hbm>> -> memref<80xi32, #tpu.memory_space<hbm>>
      %dma_wait3A_92 = tpu.memref_slice %arg2[%mul3A_2] : memref<320000xi32, #tpu.memory_space<hbm>> -> memref<80xi32, #tpu.memory_space<hbm>>
      tpu.wait_dma2 semaphore(%arg12 : memref<!tpu.dma_semaphore, #tpu.memory_space<semaphore_mem>>) src(%dma_wait3A_92 : memref<80xi32, #tpu.memory_space<hbm>>) dst(%arg7 : memref<80xi32, #tpu.memory_space<vmem>>)
      %dma_start3A_93 = arith.constant 0 : i32
      %dma_start3A_94 = tpu.memref_slice %arg21[%dma_start3A_93] : memref<10240xf32, #tpu.memory_space<vmem_shared>> -> memref<10240xf32, #tpu.memory_space<vmem_shared>>
      tpu.enqueue_indirect_dma source(%arg4 : memref<80xf32, #tpu.memory_space<vmem>>) target(%dma_start3A_94 : memref<10240xf32, #tpu.memory_space<vmem_shared>>) offsets(%arg7 : memref<80xi32, #tpu.memory_space<vmem>>) semaphore(%arg17 : memref<!tpu.dma_semaphore, #tpu.memory_space<semaphore_mem>>) {add = true}
      %dma_wait3A_95 = tpu.memref_slice %arg2[%mul3A_2] : memref<320000xi32, #tpu.memory_space<hbm>> -> memref<80xi32, #tpu.memory_space<hbm>>
      %dma_wait3A_96 = tpu.memref_slice %arg2[%mul3A_2] : memref<320000xi32, #tpu.memory_space<hbm>> -> memref<80xi32, #tpu.memory_space<hbm>>
      tpu.wait_dma2 semaphore(%arg13 : memref<!tpu.dma_semaphore, #tpu.memory_space<semaphore_mem>>) src(%dma_wait3A_96 : memref<80xi32, #tpu.memory_space<hbm>>) dst(%arg8 : memref<80xi32, #tpu.memory_space<vmem>>)
      %dma_start3A_97 = arith.constant 0 : i32
      %dma_start3A_98 = tpu.memref_slice %arg21[%dma_start3A_97] : memref<10240xf32, #tpu.memory_space<vmem_shared>> -> memref<10240xf32, #tpu.memory_space<vmem_shared>>
      tpu.enqueue_indirect_dma source(%arg4 : memref<80xf32, #tpu.memory_space<vmem>>) target(%dma_start3A_98 : memref<10240xf32, #tpu.memory_space<vmem_shared>>) offsets(%arg8 : memref<80xi32, #tpu.memory_space<vmem>>) semaphore(%arg18 : memref<!tpu.dma_semaphore, #tpu.memory_space<semaphore_mem>>) {add = true}
      %dma_wait3A_99 = tpu.memref_slice %arg2[%mul3A_2] : memref<320000xi32, #tpu.memory_space<hbm>> -> memref<80xi32, #tpu.memory_space<hbm>>
      %dma_wait3A_100 = tpu.memref_slice %arg2[%mul3A_2] : memref<320000xi32, #tpu.memory_space<hbm>> -> memref<80xi32, #tpu.memory_space<hbm>>
      tpu.wait_dma2 semaphore(%arg14 : memref<!tpu.dma_semaphore, #tpu.memory_space<semaphore_mem>>) src(%dma_wait3A_100 : memref<80xi32, #tpu.memory_space<hbm>>) dst(%arg9 : memref<80xi32, #tpu.memory_space<vmem>>)
      %dma_start3A_101 = arith.constant 0 : i32
      %dma_start3A_102 = tpu.memref_slice %arg21[%dma_start3A_101] : memref<10240xf32, #tpu.memory_space<vmem_shared>> -> memref<10240xf32, #tpu.memory_space<vmem_shared>>
      tpu.enqueue_indirect_dma source(%arg4 : memref<80xf32, #tpu.memory_space<vmem>>) target(%dma_start3A_102 : memref<10240xf32, #tpu.memory_space<vmem_shared>>) offsets(%arg9 : memref<80xi32, #tpu.memory_space<vmem>>) semaphore(%arg19 : memref<!tpu.dma_semaphore, #tpu.memory_space<semaphore_mem>>) {add = true}
      %dma_wait3A_103 = tpu.memref_slice %arg2[%mul3A_2] : memref<320000xi32, #tpu.memory_space<hbm>> -> memref<80xi32, #tpu.memory_space<hbm>>
      %dma_wait3A_104 = tpu.memref_slice %arg2[%mul3A_2] : memref<320000xi32, #tpu.memory_space<hbm>> -> memref<80xi32, #tpu.memory_space<hbm>>
      tpu.wait_dma2 semaphore(%arg15 : memref<!tpu.dma_semaphore, #tpu.memory_space<semaphore_mem>>) src(%dma_wait3A_104 : memref<80xi32, #tpu.memory_space<hbm>>) dst(%arg10 : memref<80xi32, #tpu.memory_space<vmem>>)
      %dma_start3A_105 = arith.constant 0 : i32
      %dma_start3A_106 = tpu.memref_slice %arg21[%dma_start3A_105] : memref<10240xf32, #tpu.memory_space<vmem_shared>> -> memref<10240xf32, #tpu.memory_space<vmem_shared>>
      tpu.enqueue_indirect_dma source(%arg4 : memref<80xf32, #tpu.memory_space<vmem>>) target(%dma_start3A_106 : memref<10240xf32, #tpu.memory_space<vmem_shared>>) offsets(%arg10 : memref<80xi32, #tpu.memory_space<vmem>>) semaphore(%arg20 : memref<!tpu.dma_semaphore, #tpu.memory_space<semaphore_mem>>) {add = true}
      %add3A_107 = arith.constant 0 : i32
      %add3A_108 = arith.addi %mul3A_86, %add3A_107 : i32
      %lt3A_109 = arith.constant 24 : i32
      %lt3A_110 = arith.cmpi slt, %scan3A_83, %lt3A_109 : i32
      %convert_element_type3A_111 = arith.extui %lt3A_110 : i1 to i32
      %cond3A_112 = arith.constant 0 : i32
      %cond3A_113 = arith.cmpi ne, %convert_element_type3A_111, %cond3A_112 : i32
      scf.if %cond3A_113 {
        %dma_wait3A_143 = arith.constant 0 : i32
        %dma_wait3A_144 = tpu.memref_slice %arg21[%dma_wait3A_143] : memref<10240xf32, #tpu.memory_space<vmem_shared>> -> memref<10240xf32, #tpu.memory_space<vmem_shared>>
        tpu.wait_indirect_dma semaphore(%arg16 : memref<!tpu.dma_semaphore, #tpu.memory_space<semaphore_mem>>) src(%arg4 : memref<80xf32, #tpu.memory_space<vmem>>) dst(%dma_wait3A_144 : memref<10240xf32, #tpu.memory_space<vmem_shared>>)
        %add3A_145 = arith.constant 5 : i32
        %add3A_146 = arith.addi %add3A_108, %add3A_145 : i32
        %mul3A_147 = arith.constant 80 : i32
        %mul3A_148 = arith.muli %add3A_146, %mul3A_147 : i32
        %add3A_149 = arith.addi %mul3A_2, %mul3A_148 : i32
        %dma_start3A_150 = tpu.memref_slice %arg2[%add3A_149] : memref<320000xi32, #tpu.memory_space<hbm>> -> memref<80xi32, #tpu.memory_space<hbm>>
        %dma_start3A_151 = tpu.memref_slice %arg2[%add3A_149] : memref<320000xi32, #tpu.memory_space<hbm>> -> memref<80xi32, #tpu.memory_space<hbm>>
        tpu.enqueue_dma source(%dma_start3A_151 : memref<80xi32, #tpu.memory_space<hbm>>) target(%arg6 : memref<80xi32, #tpu.memory_space<vmem>>) target_semaphore(%arg11 : memref<!tpu.dma_semaphore, #tpu.memory_space<semaphore_mem>>)
      } else {
      }
      %add3A_114 = arith.constant 1 : i32
      %add3A_115 = arith.addi %mul3A_86, %add3A_114 : i32
      %lt3A_116 = arith.constant 24 : i32
      %lt3A_117 = arith.cmpi slt, %scan3A_83, %lt3A_116 : i32
      %convert_element_type3A_118 = arith.extui %lt3A_117 : i1 to i32
      %cond3A_119 = arith.constant 0 : i32
      %cond3A_120 = arith.cmpi ne, %convert_element_type3A_118, %cond3A_119 : i32
      scf.if %cond3A_120 {
        %dma_wait3A_143 = arith.constant 0 : i32
        %dma_wait3A_144 = tpu.memref_slice %arg21[%dma_wait3A_143] : memref<10240xf32, #tpu.memory_space<vmem_shared>> -> memref<10240xf32, #tpu.memory_space<vmem_shared>>
        tpu.wait_indirect_dma semaphore(%arg17 : memref<!tpu.dma_semaphore, #tpu.memory_space<semaphore_mem>>) src(%arg4 : memref<80xf32, #tpu.memory_space<vmem>>) dst(%dma_wait3A_144 : memref<10240xf32, #tpu.memory_space<vmem_shared>>)
        %add3A_145 = arith.constant 5 : i32
        %add3A_146 = arith.addi %add3A_115, %add3A_145 : i32
        %mul3A_147 = arith.constant 80 : i32
        %mul3A_148 = arith.muli %add3A_146, %mul3A_147 : i32
        %add3A_149 = arith.addi %mul3A_2, %mul3A_148 : i32
        %dma_start3A_150 = tpu.memref_slice %arg2[%add3A_149] : memref<320000xi32, #tpu.memory_space<hbm>> -> memref<80xi32, #tpu.memory_space<hbm>>
        %dma_start3A_151 = tpu.memref_slice %arg2[%add3A_149] : memref<320000xi32, #tpu.memory_space<hbm>> -> memref<80xi32, #tpu.memory_space<hbm>>
        tpu.enqueue_dma source(%dma_start3A_151 : memref<80xi32, #tpu.memory_space<hbm>>) target(%arg7 : memref<80xi32, #tpu.memory_space<vmem>>) target_semaphore(%arg12 : memref<!tpu.dma_semaphore, #tpu.memory_space<semaphore_mem>>)
      } else {
      }
      %add3A_121 = arith.constant 2 : i32
      %add3A_122 = arith.addi %mul3A_86, %add3A_121 : i32
      %lt3A_123 = arith.constant 24 : i32
      %lt3A_124 = arith.cmpi slt, %scan3A_83, %lt3A_123 : i32
      %convert_element_type3A_125 = arith.extui %lt3A_124 : i1 to i32
      %cond3A_126 = arith.constant 0 : i32
      %cond3A_127 = arith.cmpi ne, %convert_element_type3A_125, %cond3A_126 : i32
      scf.if %cond3A_127 {
        %dma_wait3A_143 = arith.constant 0 : i32
        %dma_wait3A_144 = tpu.memref_slice %arg21[%dma_wait3A_143] : memref<10240xf32, #tpu.memory_space<vmem_shared>> -> memref<10240xf32, #tpu.memory_space<vmem_shared>>
        tpu.wait_indirect_dma semaphore(%arg18 : memref<!tpu.dma_semaphore, #tpu.memory_space<semaphore_mem>>) src(%arg4 : memref<80xf32, #tpu.memory_space<vmem>>) dst(%dma_wait3A_144 : memref<10240xf32, #tpu.memory_space<vmem_shared>>)
        %add3A_145 = arith.constant 5 : i32
        %add3A_146 = arith.addi %add3A_122, %add3A_145 : i32
        %mul3A_147 = arith.constant 80 : i32
        %mul3A_148 = arith.muli %add3A_146, %mul3A_147 : i32
        %add3A_149 = arith.addi %mul3A_2, %mul3A_148 : i32
        %dma_start3A_150 = tpu.memref_slice %arg2[%add3A_149] : memref<320000xi32, #tpu.memory_space<hbm>> -> memref<80xi32, #tpu.memory_space<hbm>>
        %dma_start3A_151 = tpu.memref_slice %arg2[%add3A_149] : memref<320000xi32, #tpu.memory_space<hbm>> -> memref<80xi32, #tpu.memory_space<hbm>>
        tpu.enqueue_dma source(%dma_start3A_151 : memref<80xi32, #tpu.memory_space<hbm>>) target(%arg8 : memref<80xi32, #tpu.memory_space<vmem>>) target_semaphore(%arg13 : memref<!tpu.dma_semaphore, #tpu.memory_space<semaphore_mem>>)
      } else {
      }
      %add3A_128 = arith.constant 3 : i32
      %add3A_129 = arith.addi %mul3A_86, %add3A_128 : i32
      %lt3A_130 = arith.constant 24 : i32
      %lt3A_131 = arith.cmpi slt, %scan3A_83, %lt3A_130 : i32
      %convert_element_type3A_132 = arith.extui %lt3A_131 : i1 to i32
      %cond3A_133 = arith.constant 0 : i32
      %cond3A_134 = arith.cmpi ne, %convert_element_type3A_132, %cond3A_133 : i32
      scf.if %cond3A_134 {
        %dma_wait3A_143 = arith.constant 0 : i32
        %dma_wait3A_144 = tpu.memref_slice %arg21[%dma_wait3A_143] : memref<10240xf32, #tpu.memory_space<vmem_shared>> -> memref<10240xf32, #tpu.memory_space<vmem_shared>>
        tpu.wait_indirect_dma semaphore(%arg19 : memref<!tpu.dma_semaphore, #tpu.memory_space<semaphore_mem>>) src(%arg4 : memref<80xf32, #tpu.memory_space<vmem>>) dst(%dma_wait3A_144 : memref<10240xf32, #tpu.memory_space<vmem_shared>>)
        %add3A_145 = arith.constant 5 : i32
        %add3A_146 = arith.addi %add3A_129, %add3A_145 : i32
        %mul3A_147 = arith.constant 80 : i32
        %mul3A_148 = arith.muli %add3A_146, %mul3A_147 : i32
        %add3A_149 = arith.addi %mul3A_2, %mul3A_148 : i32
        %dma_start3A_150 = tpu.memref_slice %arg2[%add3A_149] : memref<320000xi32, #tpu.memory_space<hbm>> -> memref<80xi32, #tpu.memory_space<hbm>>
        %dma_start3A_151 = tpu.memref_slice %arg2[%add3A_149] : memref<320000xi32, #tpu.memory_space<hbm>> -> memref<80xi32, #tpu.memory_space<hbm>>
        tpu.enqueue_dma source(%dma_start3A_151 : memref<80xi32, #tpu.memory_space<hbm>>) target(%arg9 : memref<80xi32, #tpu.memory_space<vmem>>) target_semaphore(%arg14 : memref<!tpu.dma_semaphore, #tpu.memory_space<semaphore_mem>>)
      } else {
      }
      %add3A_135 = arith.constant 4 : i32
      %add3A_136 = arith.addi %mul3A_86, %add3A_135 : i32
      %lt3A_137 = arith.constant 24 : i32
      %lt3A_138 = arith.cmpi slt, %scan3A_83, %lt3A_137 : i32
      %convert_element_type3A_139 = arith.extui %lt3A_138 : i1 to i32
      %cond3A_140 = arith.constant 0 : i32
      %cond3A_141 = arith.cmpi ne, %convert_element_type3A_139, %cond3A_140 : i32
      scf.if %cond3A_141 {
        %dma_wait3A_143 = arith.constant 0 : i32
        %dma_wait3A_144 = tpu.memref_slice %arg21[%dma_wait3A_143] : memref<10240xf32, #tpu.memory_space<vmem_shared>> -> memref<10240xf32, #tpu.memory_space<vmem_shared>>
        tpu.wait_indirect_dma semaphore(%arg20 : memref<!tpu.dma_semaphore, #tpu.memory_space<semaphore_mem>>) src(%arg4 : memref<80xf32, #tpu.memory_space<vmem>>) dst(%dma_wait3A_144 : memref<10240xf32, #tpu.memory_space<vmem_shared>>)
        %add3A_145 = arith.constant 5 : i32
        %add3A_146 = arith.addi %add3A_136, %add3A_145 : i32
        %mul3A_147 = arith.constant 80 : i32
        %mul3A_148 = arith.muli %add3A_146, %mul3A_147 : i32
        %add3A_149 = arith.addi %mul3A_2, %mul3A_148 : i32
        %dma_start3A_150 = tpu.memref_slice %arg2[%add3A_149] : memref<320000xi32, #tpu.memory_space<hbm>> -> memref<80xi32, #tpu.memory_space<hbm>>
        %dma_start3A_151 = tpu.memref_slice %arg2[%add3A_149] : memref<320000xi32, #tpu.memory_space<hbm>> -> memref<80xi32, #tpu.memory_space<hbm>>
        tpu.enqueue_dma source(%dma_start3A_151 : memref<80xi32, #tpu.memory_space<hbm>>) target(%arg10 : memref<80xi32, #tpu.memory_space<vmem>>) target_semaphore(%arg15 : memref<!tpu.dma_semaphore, #tpu.memory_space<semaphore_mem>>)
      } else {
      }
      %scan3A_142 = arith.constant 0 : i32
      scf.yield %scan3A_142 : i32
    }
    %scan3A_64 = arith.constant 25 : i32
    %dma_wait3A = arith.constant 0 : i32
    %dma_wait3A_65 = tpu.memref_slice %arg21[%dma_wait3A] : memref<10240xf32, #tpu.memory_space<vmem_shared>> -> memref<10240xf32, #tpu.memory_space<vmem_shared>>
    tpu.wait_indirect_dma semaphore(%arg16 : memref<!tpu.dma_semaphore, #tpu.memory_space<semaphore_mem>>) src(%arg4 : memref<80xf32, #tpu.memory_space<vmem>>) dst(%dma_wait3A_65 : memref<10240xf32, #tpu.memory_space<vmem_shared>>)
    %dma_wait3A_66 = arith.constant 0 : i32
    %dma_wait3A_67 = tpu.memref_slice %arg21[%dma_wait3A_66] : memref<10240xf32, #tpu.memory_space<vmem_shared>> -> memref<10240xf32, #tpu.memory_space<vmem_shared>>
    tpu.wait_indirect_dma semaphore(%arg17 : memref<!tpu.dma_semaphore, #tpu.memory_space<semaphore_mem>>) src(%arg4 : memref<80xf32, #tpu.memory_space<vmem>>) dst(%dma_wait3A_67 : memref<10240xf32, #tpu.memory_space<vmem_shared>>)
    %dma_wait3A_68 = arith.constant 0 : i32
    %dma_wait3A_69 = tpu.memref_slice %arg21[%dma_wait3A_68] : memref<10240xf32, #tpu.memory_space<vmem_shared>> -> memref<10240xf32, #tpu.memory_space<vmem_shared>>
    tpu.wait_indirect_dma semaphore(%arg18 : memref<!tpu.dma_semaphore, #tpu.memory_space<semaphore_mem>>) src(%arg4 : memref<80xf32, #tpu.memory_space<vmem>>) dst(%dma_wait3A_69 : memref<10240xf32, #tpu.memory_space<vmem_shared>>)
    %dma_wait3A_70 = arith.constant 0 : i32
    %dma_wait3A_71 = tpu.memref_slice %arg21[%dma_wait3A_70] : memref<10240xf32, #tpu.memory_space<vmem_shared>> -> memref<10240xf32, #tpu.memory_space<vmem_shared>>
    tpu.wait_indirect_dma semaphore(%arg19 : memref<!tpu.dma_semaphore, #tpu.memory_space<semaphore_mem>>) src(%arg4 : memref<80xf32, #tpu.memory_space<vmem>>) dst(%dma_wait3A_71 : memref<10240xf32, #tpu.memory_space<vmem_shared>>)
    %dma_wait3A_72 = arith.constant 0 : i32
    %dma_wait3A_73 = tpu.memref_slice %arg21[%dma_wait3A_72] : memref<10240xf32, #tpu.memory_space<vmem_shared>> -> memref<10240xf32, #tpu.memory_space<vmem_shared>>
    tpu.wait_indirect_dma semaphore(%arg20 : memref<!tpu.dma_semaphore, #tpu.memory_space<semaphore_mem>>) src(%arg4 : memref<80xf32, #tpu.memory_space<vmem>>) dst(%dma_wait3A_73 : memref<10240xf32, #tpu.memory_space<vmem_shared>>)
    %barrier3A_74 = arith.constant 0 : index
    tpu.barrier barrier_id(%barrier3A_74)
    %mul3A_75 = arith.constant 640 : i32
    %mul3A_76 = arith.muli %arg1, %mul3A_75 : i32
    "tpu.region"() ({
      %run_scoped3A = tpu.sem_alloc : memref<!tpu.dma_semaphore, #tpu.memory_space<semaphore_mem>>
      %dma_start3A_83 = tpu.memref_slice %arg21[%mul3A_76] : memref<10240xf32, #tpu.memory_space<vmem_shared>> -> memref<640xf32, #tpu.memory_space<vmem_shared>>
      %dma_start3A_84 = tpu.memref_slice %arg21[%mul3A_76] : memref<10240xf32, #tpu.memory_space<vmem_shared>> -> memref<640xf32, #tpu.memory_space<vmem_shared>>
      tpu.enqueue_dma source(%dma_start3A_84 : memref<640xf32, #tpu.memory_space<vmem_shared>>) target(%arg5 : memref<640xf32, #tpu.memory_space<vmem>>) target_semaphore(%run_scoped3A : memref<!tpu.dma_semaphore, #tpu.memory_space<semaphore_mem>>)
      %dma_wait3A_85 = tpu.memref_slice %arg21[%mul3A_76] : memref<10240xf32, #tpu.memory_space<vmem_shared>> -> memref<640xf32, #tpu.memory_space<vmem_shared>>
      %dma_wait3A_86 = tpu.memref_slice %arg21[%mul3A_76] : memref<10240xf32, #tpu.memory_space<vmem_shared>> -> memref<640xf32, #tpu.memory_space<vmem_shared>>
      tpu.wait_dma2 semaphore(%run_scoped3A : memref<!tpu.dma_semaphore, #tpu.memory_space<semaphore_mem>>) src(%dma_wait3A_86 : memref<640xf32, #tpu.memory_space<vmem_shared>>) dst(%arg5 : memref<640xf32, #tpu.memory_space<vmem>>)
      tpu.yield
    }) : () -> ()
    %lt3A = arith.constant 15 : i32
    %lt3A_77 = arith.cmpi slt, %arg1, %lt3A : i32
    %convert_element_type3A = arith.extui %lt3A_77 : i1 to i32
    %cond3A = arith.constant 0 : i32
    %cond3A_78 = arith.cmpi ne, %convert_element_type3A, %cond3A : i32
    scf.if %cond3A_78 {
      %mul3A_83 = arith.constant 10000 : i32
      %mul3A_84 = arith.muli %arg0, %mul3A_83 : i32
      %mul3A_85 = arith.constant 640 : i32
      %mul3A_86 = arith.muli %arg1, %mul3A_85 : i32
      %add3A_87 = arith.addi %mul3A_84, %mul3A_86 : i32
      "tpu.region"() ({
        %run_scoped3A = tpu.sem_alloc : memref<!tpu.dma_semaphore, #tpu.memory_space<semaphore_mem>>
        %dma_start3A_88 = tpu.memref_slice %arg3[%add3A_87] : memref<20000xf32, #tpu.memory_space<hbm>> -> memref<640xf32, #tpu.memory_space<hbm>>
        %dma_start3A_89 = tpu.memref_slice %arg3[%add3A_87] : memref<20000xf32, #tpu.memory_space<hbm>> -> memref<640xf32, #tpu.memory_space<hbm>>
        tpu.enqueue_dma source(%arg5 : memref<640xf32, #tpu.memory_space<vmem>>) target(%dma_start3A_89 : memref<640xf32, #tpu.memory_space<hbm>>) target_semaphore(%run_scoped3A : memref<!tpu.dma_semaphore, #tpu.memory_space<semaphore_mem>>)
        %dma_wait3A_90 = tpu.memref_slice %arg3[%add3A_87] : memref<20000xf32, #tpu.memory_space<hbm>> -> memref<640xf32, #tpu.memory_space<hbm>>
        %dma_wait3A_91 = tpu.memref_slice %arg3[%add3A_87] : memref<20000xf32, #tpu.memory_space<hbm>> -> memref<640xf32, #tpu.memory_space<hbm>>
        tpu.wait_dma2 semaphore(%run_scoped3A : memref<!tpu.dma_semaphore, #tpu.memory_space<semaphore_mem>>) src(%arg5 : memref<640xf32, #tpu.memory_space<vmem>>) dst(%dma_wait3A_91 : memref<640xf32, #tpu.memory_space<hbm>>)
        tpu.yield
      }) : () -> ()
    } else {
    }
    %eq3A = arith.constant 15 : i32
    %eq3A_79 = arith.cmpi eq, %arg1, %eq3A : i32
    %convert_element_type3A_80 = arith.extui %eq3A_79 : i1 to i32
    %cond3A_81 = arith.constant 0 : i32
    %cond3A_82 = arith.cmpi ne, %convert_element_type3A_80, %cond3A_81 : i32
    scf.if %cond3A_82 {
      %mul3A_83 = arith.constant 10000 : i32
      %mul3A_84 = arith.muli %arg0, %mul3A_83 : i32
      %add3A_85 = arith.constant 9600 : i32
      %add3A_86 = arith.addi %mul3A_84, %add3A_85 : i32
      "tpu.region"() ({
        %run_scoped3A = tpu.sem_alloc : memref<!tpu.dma_semaphore, #tpu.memory_space<semaphore_mem>>
        %dma_start3A_87 = arith.constant 0 : i32
        %dma_start3A_88 = tpu.memref_slice %arg5[%dma_start3A_87] : memref<640xf32, #tpu.memory_space<vmem>> -> memref<400xf32, #tpu.memory_space<vmem>>
        %dma_start3A_89 = tpu.memref_slice %arg3[%add3A_86] : memref<20000xf32, #tpu.memory_space<hbm>> -> memref<400xf32, #tpu.memory_space<hbm>>
        %dma_start3A_90 = tpu.memref_slice %arg3[%add3A_86] : memref<20000xf32, #tpu.memory_space<hbm>> -> memref<400xf32, #tpu.memory_space<hbm>>
        %dma_start3A_91 = arith.constant 0 : i32
        %dma_start3A_92 = tpu.memref_slice %arg5[%dma_start3A_91] : memref<640xf32, #tpu.memory_space<vmem>> -> memref<400xf32, #tpu.memory_space<vmem>>
        tpu.enqueue_dma source(%dma_start3A_92 : memref<400xf32, #tpu.memory_space<vmem>>) target(%dma_start3A_90 : memref<400xf32, #tpu.memory_space<hbm>>) target_semaphore(%run_scoped3A : memref<!tpu.dma_semaphore, #tpu.memory_space<semaphore_mem>>)
        %dma_wait3A_93 = arith.constant 0 : i32
        %dma_wait3A_94 = tpu.memref_slice %arg5[%dma_wait3A_93] : memref<640xf32, #tpu.memory_space<vmem>> -> memref<400xf32, #tpu.memory_space<vmem>>
        %dma_wait3A_95 = tpu.memref_slice %arg3[%add3A_86] : memref<20000xf32, #tpu.memory_space<hbm>> -> memref<400xf32, #tpu.memory_space<hbm>>
        %dma_wait3A_96 = tpu.memref_slice %arg3[%add3A_86] : memref<20000xf32, #tpu.memory_space<hbm>> -> memref<400xf32, #tpu.memory_space<hbm>>
        %dma_wait3A_97 = arith.constant 0 : i32
        %dma_wait3A_98 = tpu.memref_slice %arg5[%dma_wait3A_97] : memref<640xf32, #tpu.memory_space<vmem>> -> memref<400xf32, #tpu.memory_space<vmem>>
        tpu.wait_dma2 semaphore(%run_scoped3A : memref<!tpu.dma_semaphore, #tpu.memory_space<semaphore_mem>>) src(%dma_wait3A_98 : memref<400xf32, #tpu.memory_space<vmem>>) dst(%dma_wait3A_96 : memref<400xf32, #tpu.memory_space<hbm>>)
        tpu.yield
      }) : () -> ()
    } else {
    }
    return
  }
}

#map = affine_map<(d0, d1) -> (0, 0)>
#map1 = affine_map<(d0, d1) -> (0)>
module attributes {stable_mosaic.version = 14 : i64} {
  func.func @_sc_scatter(%arg0: i32, %arg1: i32, %arg2: memref<10000x128xf32, #tpu.memory_space<hbm>>, %arg3: memref<320000xi32, #tpu.memory_space<hbm>>, %arg4: memref<320000xi32, #tpu.memory_space<hbm>>, %arg5: memref<20000x128xf32, #tpu.memory_space<hbm>>, %arg6: memref<10000xi32, #tpu.memory_space<vmem>>, %arg7: memref<80xi32, #tpu.memory_space<vmem>>, %arg8: memref<80xi32, #tpu.memory_space<vmem>>, %arg9: memref<80xi32, #tpu.memory_space<vmem>>, %arg10: memref<80x128xf32, #tpu.memory_space<vmem>>, %arg11: memref<80x128xf32, #tpu.memory_space<vmem>>, %arg12: memref<80x128xf32, #tpu.memory_space<vmem>>, %arg13: memref<!tpu.dma_semaphore, #tpu.memory_space<semaphore_mem>>, %arg14: memref<!tpu.dma_semaphore, #tpu.memory_space<semaphore_mem>>, %arg15: memref<!tpu.dma_semaphore, #tpu.memory_space<semaphore_mem>>, %arg16: memref<!tpu.dma_semaphore, #tpu.memory_space<semaphore_mem>>, %arg17: memref<!tpu.dma_semaphore, #tpu.memory_space<semaphore_mem>>, %arg18: memref<!tpu.dma_semaphore, #tpu.memory_space<semaphore_mem>>, %arg19: memref<!tpu.dma_semaphore, #tpu.memory_space<semaphore_mem>>, %arg20: memref<!tpu.dma_semaphore, #tpu.memory_space<semaphore_mem>>, %arg21: memref<!tpu.dma_semaphore, #tpu.memory_space<semaphore_mem>>, %arg22: memref<10240x128xf32, #tpu.memory_space<vmem_shared>>) attributes {dimension_semantics = [#tpu.dimension_semantics<core_parallel>, #tpu.dimension_semantics<subcore_parallel>], iteration_bounds = array<i64: 2, 16>, scalar_prefetch = 0 : i64, scratch_operands = 17 : i64, tpu.core_type = #tpu.core_type<sc_vector_subcore>, window_params = [{transform_indices = #map}, {transform_indices = #map1}, {transform_indices = #map1}, {transform_indices = #map}]} {
    %mul3A = arith.constant 2 : i32
    %mul3A_0 = arith.muli %arg1, %mul3A : i32
    %add3A = arith.addi %mul3A_0, %arg0 : i32
    %mul3A_1 = arith.constant 10000 : i32
    %mul3A_2 = arith.muli %add3A, %mul3A_1 : i32
    "tpu.region"() ({
      %run_scoped3A = tpu.sem_alloc : memref<!tpu.dma_semaphore, #tpu.memory_space<semaphore_mem>>
      %dma_start3A_405 = tpu.memref_slice %arg3[%mul3A_2] : memref<320000xi32, #tpu.memory_space<hbm>> -> memref<10000xi32, #tpu.memory_space<hbm>>
      %dma_start3A_406 = tpu.memref_slice %arg3[%mul3A_2] : memref<320000xi32, #tpu.memory_space<hbm>> -> memref<10000xi32, #tpu.memory_space<hbm>>
      tpu.enqueue_dma source(%dma_start3A_406 : memref<10000xi32, #tpu.memory_space<hbm>>) target(%arg6 : memref<10000xi32, #tpu.memory_space<vmem>>) target_semaphore(%run_scoped3A : memref<!tpu.dma_semaphore, #tpu.memory_space<semaphore_mem>>)
      %dma_wait3A_407 = tpu.memref_slice %arg3[%mul3A_2] : memref<320000xi32, #tpu.memory_space<hbm>> -> memref<10000xi32, #tpu.memory_space<hbm>>
      %dma_wait3A_408 = tpu.memref_slice %arg3[%mul3A_2] : memref<320000xi32, #tpu.memory_space<hbm>> -> memref<10000xi32, #tpu.memory_space<hbm>>
      tpu.wait_dma2 semaphore(%run_scoped3A : memref<!tpu.dma_semaphore, #tpu.memory_space<semaphore_mem>>) src(%dma_wait3A_408 : memref<10000xi32, #tpu.memory_space<hbm>>) dst(%arg6 : memref<10000xi32, #tpu.memory_space<vmem>>)
      tpu.yield
    }) : () -> ()
    %scan3A = arith.constant 0 : i32
    %scan3A_3 = arith.constant 0 : i32
    %scan3A_4 = arith.constant 80 : i32
    %scan3A_5 = arith.addi %scan3A_3, %scan3A_4 : i32
    %scan3A_6 = arith.constant 1 : i32
    %scan3A_7 = scf.for %scan3A_405 = %scan3A_3 to %scan3A_5 step %scan3A_6 iter_args(%scan3A_406 = %scan3A) -> (i32)  : i32 {
      %broadcast_in_dim3A = arith.constant 0.000000e+00 : f32
      %broadcast_in_dim3A_407 = vector.broadcast %broadcast_in_dim3A : f32 to vector<16xf32>
      %swap3A = arith.index_cast %scan3A_405 : i32 to index
      %swap3A_408 = arith.constant 0 : index
      %swap3A_409 = tpu.vector_load %arg10[%swap3A, %swap3A_408] {strides = array<i32>} : memref<80x128xf32, #tpu.memory_space<vmem>>, vector<1x16xf32>,
      %swap3A_410 = vector.shape_cast %swap3A_409 : vector<1x16xf32> to vector<16xf32>
      %swap3A_411 = vector.shape_cast %broadcast_in_dim3A_407 : vector<16xf32> to vector<1x16xf32>
      tpu.vector_store %arg10[%swap3A, %swap3A_408], %swap3A_411 {strides = array<i32>} : memref<80x128xf32, #tpu.memory_space<vmem>>, vector<1x16xf32>,
      %broadcast_in_dim3A_412 = arith.constant 0.000000e+00 : f32
      %broadcast_in_dim3A_413 = vector.broadcast %broadcast_in_dim3A_412 : f32 to vector<16xf32>
      %swap3A_414 = arith.index_cast %scan3A_405 : i32 to index
      %swap3A_415 = arith.constant 16 : index
      %swap3A_416 = tpu.vector_load %arg10[%swap3A_414, %swap3A_415] {strides = array<i32>} : memref<80x128xf32, #tpu.memory_space<vmem>>, vector<1x16xf32>,
      %swap3A_417 = vector.shape_cast %swap3A_416 : vector<1x16xf32> to vector<16xf32>
      %swap3A_418 = vector.shape_cast %broadcast_in_dim3A_413 : vector<16xf32> to vector<1x16xf32>
      tpu.vector_store %arg10[%swap3A_414, %swap3A_415], %swap3A_418 {strides = array<i32>} : memref<80x128xf32, #tpu.memory_space<vmem>>, vector<1x16xf32>,
      %broadcast_in_dim3A_419 = arith.constant 0.000000e+00 : f32
      %broadcast_in_dim3A_420 = vector.broadcast %broadcast_in_dim3A_419 : f32 to vector<16xf32>
      %swap3A_421 = arith.index_cast %scan3A_405 : i32 to index
      %swap3A_422 = arith.constant 32 : index
      %swap3A_423 = tpu.vector_load %arg10[%swap3A_421, %swap3A_422] {strides = array<i32>} : memref<80x128xf32, #tpu.memory_space<vmem>>, vector<1x16xf32>,
      %swap3A_424 = vector.shape_cast %swap3A_423 : vector<1x16xf32> to vector<16xf32>
      %swap3A_425 = vector.shape_cast %broadcast_in_dim3A_420 : vector<16xf32> to vector<1x16xf32>
      tpu.vector_store %arg10[%swap3A_421, %swap3A_422], %swap3A_425 {strides = array<i32>} : memref<80x128xf32, #tpu.memory_space<vmem>>, vector<1x16xf32>,
      %broadcast_in_dim3A_426 = arith.constant 0.000000e+00 : f32
      %broadcast_in_dim3A_427 = vector.broadcast %broadcast_in_dim3A_426 : f32 to vector<16xf32>
      %swap3A_428 = arith.index_cast %scan3A_405 : i32 to index
      %swap3A_429 = arith.constant 48 : index
      %swap3A_430 = tpu.vector_load %arg10[%swap3A_428, %swap3A_429] {strides = array<i32>} : memref<80x128xf32, #tpu.memory_space<vmem>>, vector<1x16xf32>,
      %swap3A_431 = vector.shape_cast %swap3A_430 : vector<1x16xf32> to vector<16xf32>
      %swap3A_432 = vector.shape_cast %broadcast_in_dim3A_427 : vector<16xf32> to vector<1x16xf32>
      tpu.vector_store %arg10[%swap3A_428, %swap3A_429], %swap3A_432 {strides = array<i32>} : memref<80x128xf32, #tpu.memory_space<vmem>>, vector<1x16xf32>,
      %broadcast_in_dim3A_433 = arith.constant 0.000000e+00 : f32
      %broadcast_in_dim3A_434 = vector.broadcast %broadcast_in_dim3A_433 : f32 to vector<16xf32>
      %swap3A_435 = arith.index_cast %scan3A_405 : i32 to index
      %swap3A_436 = arith.constant 64 : index
      %swap3A_437 = tpu.vector_load %arg10[%swap3A_435, %swap3A_436] {strides = array<i32>} : memref<80x128xf32, #tpu.memory_space<vmem>>, vector<1x16xf32>,
      %swap3A_438 = vector.shape_cast %swap3A_437 : vector<1x16xf32> to vector<16xf32>
      %swap3A_439 = vector.shape_cast %broadcast_in_dim3A_434 : vector<16xf32> to vector<1x16xf32>
      tpu.vector_store %arg10[%swap3A_435, %swap3A_436], %swap3A_439 {strides = array<i32>} : memref<80x128xf32, #tpu.memory_space<vmem>>, vector<1x16xf32>,
      %broadcast_in_dim3A_440 = arith.constant 0.000000e+00 : f32
      %broadcast_in_dim3A_441 = vector.broadcast %broadcast_in_dim3A_440 : f32 to vector<16xf32>
      %swap3A_442 = arith.index_cast %scan3A_405 : i32 to index
      %swap3A_443 = arith.constant 80 : index
      %swap3A_444 = tpu.vector_load %arg10[%swap3A_442, %swap3A_443] {strides = array<i32>} : memref<80x128xf32, #tpu.memory_space<vmem>>, vector<1x16xf32>,
      %swap3A_445 = vector.shape_cast %swap3A_444 : vector<1x16xf32> to vector<16xf32>
      %swap3A_446 = vector.shape_cast %broadcast_in_dim3A_441 : vector<16xf32> to vector<1x16xf32>
      tpu.vector_store %arg10[%swap3A_442, %swap3A_443], %swap3A_446 {strides = array<i32>} : memref<80x128xf32, #tpu.memory_space<vmem>>, vector<1x16xf32>,
      %broadcast_in_dim3A_447 = arith.constant 0.000000e+00 : f32
      %broadcast_in_dim3A_448 = vector.broadcast %broadcast_in_dim3A_447 : f32 to vector<16xf32>
      %swap3A_449 = arith.index_cast %scan3A_405 : i32 to index
      %swap3A_450 = arith.constant 96 : index
      %swap3A_451 = tpu.vector_load %arg10[%swap3A_449, %swap3A_450] {strides = array<i32>} : memref<80x128xf32, #tpu.memory_space<vmem>>, vector<1x16xf32>,
      %swap3A_452 = vector.shape_cast %swap3A_451 : vector<1x16xf32> to vector<16xf32>
      %swap3A_453 = vector.shape_cast %broadcast_in_dim3A_448 : vector<16xf32> to vector<1x16xf32>
      tpu.vector_store %arg10[%swap3A_449, %swap3A_450], %swap3A_453 {strides = array<i32>} : memref<80x128xf32, #tpu.memory_space<vmem>>, vector<1x16xf32>,
      %broadcast_in_dim3A_454 = arith.constant 0.000000e+00 : f32
      %broadcast_in_dim3A_455 = vector.broadcast %broadcast_in_dim3A_454 : f32 to vector<16xf32>
      %swap3A_456 = arith.index_cast %scan3A_405 : i32 to index
      %swap3A_457 = arith.constant 112 : index
      %swap3A_458 = tpu.vector_load %arg10[%swap3A_456, %swap3A_457] {strides = array<i32>} : memref<80x128xf32, #tpu.memory_space<vmem>>, vector<1x16xf32>,
      %swap3A_459 = vector.shape_cast %swap3A_458 : vector<1x16xf32> to vector<16xf32>
      %swap3A_460 = vector.shape_cast %broadcast_in_dim3A_455 : vector<16xf32> to vector<1x16xf32>
      tpu.vector_store %arg10[%swap3A_456, %swap3A_457], %swap3A_460 {strides = array<i32>} : memref<80x128xf32, #tpu.memory_space<vmem>>, vector<1x16xf32>,
      %scan3A_461 = arith.constant 0 : i32
      scf.yield %scan3A_461 : i32
    }
    %scan3A_8 = arith.constant 80 : i32
    %mul3A_9 = arith.constant 640 : i32
    %mul3A_10 = arith.muli %arg1, %mul3A_9 : i32
    %add3A_11 = arith.constant 0 : i32
    %add3A_12 = arith.addi %mul3A_10, %add3A_11 : i32
    %dma_start3A = arith.constant 0 : i32
    %dma_start3A_13 = tpu.memref_slice %arg22[%add3A_12, %dma_start3A] : memref<10240x128xf32, #tpu.memory_space<vmem_shared>> -> memref<80x128xf32, #tpu.memory_space<vmem_shared>>
    %dma_start3A_14 = arith.constant 0 : i32
    %dma_start3A_15 = tpu.memref_slice %arg22[%add3A_12, %dma_start3A_14] : memref<10240x128xf32, #tpu.memory_space<vmem_shared>> -> memref<80x128xf32, #tpu.memory_space<vmem_shared>>
    tpu.enqueue_dma source(%arg10 : memref<80x128xf32, #tpu.memory_space<vmem>>) target(%dma_start3A_15 : memref<80x128xf32, #tpu.memory_space<vmem_shared>>) target_semaphore(%arg13 : memref<!tpu.dma_semaphore, #tpu.memory_space<semaphore_mem>>)
    %mul3A_16 = arith.constant 640 : i32
    %mul3A_17 = arith.muli %arg1, %mul3A_16 : i32
    %add3A_18 = arith.constant 80 : i32
    %add3A_19 = arith.addi %mul3A_17, %add3A_18 : i32
    %dma_start3A_20 = arith.constant 0 : i32
    %dma_start3A_21 = tpu.memref_slice %arg22[%add3A_19, %dma_start3A_20] : memref<10240x128xf32, #tpu.memory_space<vmem_shared>> -> memref<80x128xf32, #tpu.memory_space<vmem_shared>>
    %dma_start3A_22 = arith.constant 0 : i32
    %dma_start3A_23 = tpu.memref_slice %arg22[%add3A_19, %dma_start3A_22] : memref<10240x128xf32, #tpu.memory_space<vmem_shared>> -> memref<80x128xf32, #tpu.memory_space<vmem_shared>>
    tpu.enqueue_dma source(%arg10 : memref<80x128xf32, #tpu.memory_space<vmem>>) target(%dma_start3A_23 : memref<80x128xf32, #tpu.memory_space<vmem_shared>>) target_semaphore(%arg13 : memref<!tpu.dma_semaphore, #tpu.memory_space<semaphore_mem>>)
    %mul3A_24 = arith.constant 640 : i32
    %mul3A_25 = arith.muli %arg1, %mul3A_24 : i32
    %add3A_26 = arith.constant 160 : i32
    %add3A_27 = arith.addi %mul3A_25, %add3A_26 : i32
    %dma_start3A_28 = arith.constant 0 : i32
    %dma_start3A_29 = tpu.memref_slice %arg22[%add3A_27, %dma_start3A_28] : memref<10240x128xf32, #tpu.memory_space<vmem_shared>> -> memref<80x128xf32, #tpu.memory_space<vmem_shared>>
    %dma_start3A_30 = arith.constant 0 : i32
    %dma_start3A_31 = tpu.memref_slice %arg22[%add3A_27, %dma_start3A_30] : memref<10240x128xf32, #tpu.memory_space<vmem_shared>> -> memref<80x128xf32, #tpu.memory_space<vmem_shared>>
    tpu.enqueue_dma source(%arg10 : memref<80x128xf32, #tpu.memory_space<vmem>>) target(%dma_start3A_31 : memref<80x128xf32, #tpu.memory_space<vmem_shared>>) target_semaphore(%arg13 : memref<!tpu.dma_semaphore, #tpu.memory_space<semaphore_mem>>)
    %mul3A_32 = arith.constant 640 : i32
    %mul3A_33 = arith.muli %arg1, %mul3A_32 : i32
    %add3A_34 = arith.constant 240 : i32
    %add3A_35 = arith.addi %mul3A_33, %add3A_34 : i32
    %dma_start3A_36 = arith.constant 0 : i32
    %dma_start3A_37 = tpu.memref_slice %arg22[%add3A_35, %dma_start3A_36] : memref<10240x128xf32, #tpu.memory_space<vmem_shared>> -> memref<80x128xf32, #tpu.memory_space<vmem_shared>>
    %dma_start3A_38 = arith.constant 0 : i32
    %dma_start3A_39 = tpu.memref_slice %arg22[%add3A_35, %dma_start3A_38] : memref<10240x128xf32, #tpu.memory_space<vmem_shared>> -> memref<80x128xf32, #tpu.memory_space<vmem_shared>>
    tpu.enqueue_dma source(%arg10 : memref<80x128xf32, #tpu.memory_space<vmem>>) target(%dma_start3A_39 : memref<80x128xf32, #tpu.memory_space<vmem_shared>>) target_semaphore(%arg13 : memref<!tpu.dma_semaphore, #tpu.memory_space<semaphore_mem>>)
    %mul3A_40 = arith.constant 640 : i32
    %mul3A_41 = arith.muli %arg1, %mul3A_40 : i32
    %add3A_42 = arith.constant 320 : i32
    %add3A_43 = arith.addi %mul3A_41, %add3A_42 : i32
    %dma_start3A_44 = arith.constant 0 : i32
    %dma_start3A_45 = tpu.memref_slice %arg22[%add3A_43, %dma_start3A_44] : memref<10240x128xf32, #tpu.memory_space<vmem_shared>> -> memref<80x128xf32, #tpu.memory_space<vmem_shared>>
    %dma_start3A_46 = arith.constant 0 : i32
    %dma_start3A_47 = tpu.memref_slice %arg22[%add3A_43, %dma_start3A_46] : memref<10240x128xf32, #tpu.memory_space<vmem_shared>> -> memref<80x128xf32, #tpu.memory_space<vmem_shared>>
    tpu.enqueue_dma source(%arg10 : memref<80x128xf32, #tpu.memory_space<vmem>>) target(%dma_start3A_47 : memref<80x128xf32, #tpu.memory_space<vmem_shared>>) target_semaphore(%arg13 : memref<!tpu.dma_semaphore, #tpu.memory_space<semaphore_mem>>)
    %mul3A_48 = arith.constant 640 : i32
    %mul3A_49 = arith.muli %arg1, %mul3A_48 : i32
    %add3A_50 = arith.constant 400 : i32
    %add3A_51 = arith.addi %mul3A_49, %add3A_50 : i32
    %dma_start3A_52 = arith.constant 0 : i32
    %dma_start3A_53 = tpu.memref_slice %arg22[%add3A_51, %dma_start3A_52] : memref<10240x128xf32, #tpu.memory_space<vmem_shared>> -> memref<80x128xf32, #tpu.memory_space<vmem_shared>>
    %dma_start3A_54 = arith.constant 0 : i32
    %dma_start3A_55 = tpu.memref_slice %arg22[%add3A_51, %dma_start3A_54] : memref<10240x128xf32, #tpu.memory_space<vmem_shared>> -> memref<80x128xf32, #tpu.memory_space<vmem_shared>>
    tpu.enqueue_dma source(%arg10 : memref<80x128xf32, #tpu.memory_space<vmem>>) target(%dma_start3A_55 : memref<80x128xf32, #tpu.memory_space<vmem_shared>>) target_semaphore(%arg13 : memref<!tpu.dma_semaphore, #tpu.memory_space<semaphore_mem>>)
    %mul3A_56 = arith.constant 640 : i32
    %mul3A_57 = arith.muli %arg1, %mul3A_56 : i32
    %add3A_58 = arith.constant 480 : i32
    %add3A_59 = arith.addi %mul3A_57, %add3A_58 : i32
    %dma_start3A_60 = arith.constant 0 : i32
    %dma_start3A_61 = tpu.memref_slice %arg22[%add3A_59, %dma_start3A_60] : memref<10240x128xf32, #tpu.memory_space<vmem_shared>> -> memref<80x128xf32, #tpu.memory_space<vmem_shared>>
    %dma_start3A_62 = arith.constant 0 : i32
    %dma_start3A_63 = tpu.memref_slice %arg22[%add3A_59, %dma_start3A_62] : memref<10240x128xf32, #tpu.memory_space<vmem_shared>> -> memref<80x128xf32, #tpu.memory_space<vmem_shared>>
    tpu.enqueue_dma source(%arg10 : memref<80x128xf32, #tpu.memory_space<vmem>>) target(%dma_start3A_63 : memref<80x128xf32, #tpu.memory_space<vmem_shared>>) target_semaphore(%arg13 : memref<!tpu.dma_semaphore, #tpu.memory_space<semaphore_mem>>)
    %mul3A_64 = arith.constant 640 : i32
    %mul3A_65 = arith.muli %arg1, %mul3A_64 : i32
    %add3A_66 = arith.constant 560 : i32
    %add3A_67 = arith.addi %mul3A_65, %add3A_66 : i32
    %dma_start3A_68 = arith.constant 0 : i32
    %dma_start3A_69 = tpu.memref_slice %arg22[%add3A_67, %dma_start3A_68] : memref<10240x128xf32, #tpu.memory_space<vmem_shared>> -> memref<80x128xf32, #tpu.memory_space<vmem_shared>>
    %dma_start3A_70 = arith.constant 0 : i32
    %dma_start3A_71 = tpu.memref_slice %arg22[%add3A_67, %dma_start3A_70] : memref<10240x128xf32, #tpu.memory_space<vmem_shared>> -> memref<80x128xf32, #tpu.memory_space<vmem_shared>>
    tpu.enqueue_dma source(%arg10 : memref<80x128xf32, #tpu.memory_space<vmem>>) target(%dma_start3A_71 : memref<80x128xf32, #tpu.memory_space<vmem_shared>>) target_semaphore(%arg13 : memref<!tpu.dma_semaphore, #tpu.memory_space<semaphore_mem>>)
    %mul3A_72 = arith.constant 640 : i32
    %mul3A_73 = arith.muli %arg1, %mul3A_72 : i32
    %dma_wait3A = arith.constant 0 : i32
    %dma_wait3A_74 = tpu.memref_slice %arg22[%mul3A_73, %dma_wait3A] : memref<10240x128xf32, #tpu.memory_space<vmem_shared>> -> memref<80x128xf32, #tpu.memory_space<vmem_shared>>
    %dma_wait3A_75 = arith.constant 0 : i32
    %dma_wait3A_76 = tpu.memref_slice %arg22[%mul3A_73, %dma_wait3A_75] : memref<10240x128xf32, #tpu.memory_space<vmem_shared>> -> memref<80x128xf32, #tpu.memory_space<vmem_shared>>
    tpu.wait_dma2 semaphore(%arg13 : memref<!tpu.dma_semaphore, #tpu.memory_space<semaphore_mem>>) src(%arg10 : memref<80x128xf32, #tpu.memory_space<vmem>>) dst(%dma_wait3A_76 : memref<80x128xf32, #tpu.memory_space<vmem_shared>>)
    %mul3A_77 = arith.constant 640 : i32
    %mul3A_78 = arith.muli %arg1, %mul3A_77 : i32
    %dma_wait3A_79 = arith.constant 0 : i32
    %dma_wait3A_80 = tpu.memref_slice %arg22[%mul3A_78, %dma_wait3A_79] : memref<10240x128xf32, #tpu.memory_space<vmem_shared>> -> memref<80x128xf32, #tpu.memory_space<vmem_shared>>
    %dma_wait3A_81 = arith.constant 0 : i32
    %dma_wait3A_82 = tpu.memref_slice %arg22[%mul3A_78, %dma_wait3A_81] : memref<10240x128xf32, #tpu.memory_space<vmem_shared>> -> memref<80x128xf32, #tpu.memory_space<vmem_shared>>
    tpu.wait_dma2 semaphore(%arg13 : memref<!tpu.dma_semaphore, #tpu.memory_space<semaphore_mem>>) src(%arg10 : memref<80x128xf32, #tpu.memory_space<vmem>>) dst(%dma_wait3A_82 : memref<80x128xf32, #tpu.memory_space<vmem_shared>>)
    %mul3A_83 = arith.constant 640 : i32
    %mul3A_84 = arith.muli %arg1, %mul3A_83 : i32
    %dma_wait3A_85 = arith.constant 0 : i32
    %dma_wait3A_86 = tpu.memref_slice %arg22[%mul3A_84, %dma_wait3A_85] : memref<10240x128xf32, #tpu.memory_space<vmem_shared>> -> memref<80x128xf32, #tpu.memory_space<vmem_shared>>
    %dma_wait3A_87 = arith.constant 0 : i32
    %dma_wait3A_88 = tpu.memref_slice %arg22[%mul3A_84, %dma_wait3A_87] : memref<10240x128xf32, #tpu.memory_space<vmem_shared>> -> memref<80x128xf32, #tpu.memory_space<vmem_shared>>
    tpu.wait_dma2 semaphore(%arg13 : memref<!tpu.dma_semaphore, #tpu.memory_space<semaphore_mem>>) src(%arg10 : memref<80x128xf32, #tpu.memory_space<vmem>>) dst(%dma_wait3A_88 : memref<80x128xf32, #tpu.memory_space<vmem_shared>>)
    %mul3A_89 = arith.constant 640 : i32
    %mul3A_90 = arith.muli %arg1, %mul3A_89 : i32
    %dma_wait3A_91 = arith.constant 0 : i32
    %dma_wait3A_92 = tpu.memref_slice %arg22[%mul3A_90, %dma_wait3A_91] : memref<10240x128xf32, #tpu.memory_space<vmem_shared>> -> memref<80x128xf32, #tpu.memory_space<vmem_shared>>
    %dma_wait3A_93 = arith.constant 0 : i32
    %dma_wait3A_94 = tpu.memref_slice %arg22[%mul3A_90, %dma_wait3A_93] : memref<10240x128xf32, #tpu.memory_space<vmem_shared>> -> memref<80x128xf32, #tpu.memory_space<vmem_shared>>
    tpu.wait_dma2 semaphore(%arg13 : memref<!tpu.dma_semaphore, #tpu.memory_space<semaphore_mem>>) src(%arg10 : memref<80x128xf32, #tpu.memory_space<vmem>>) dst(%dma_wait3A_94 : memref<80x128xf32, #tpu.memory_space<vmem_shared>>)
    %mul3A_95 = arith.constant 640 : i32
    %mul3A_96 = arith.muli %arg1, %mul3A_95 : i32
    %dma_wait3A_97 = arith.constant 0 : i32
    %dma_wait3A_98 = tpu.memref_slice %arg22[%mul3A_96, %dma_wait3A_97] : memref<10240x128xf32, #tpu.memory_space<vmem_shared>> -> memref<80x128xf32, #tpu.memory_space<vmem_shared>>
    %dma_wait3A_99 = arith.constant 0 : i32
    %dma_wait3A_100 = tpu.memref_slice %arg22[%mul3A_96, %dma_wait3A_99] : memref<10240x128xf32, #tpu.memory_space<vmem_shared>> -> memref<80x128xf32, #tpu.memory_space<vmem_shared>>
    tpu.wait_dma2 semaphore(%arg13 : memref<!tpu.dma_semaphore, #tpu.memory_space<semaphore_mem>>) src(%arg10 : memref<80x128xf32, #tpu.memory_space<vmem>>) dst(%dma_wait3A_100 : memref<80x128xf32, #tpu.memory_space<vmem_shared>>)
    %mul3A_101 = arith.constant 640 : i32
    %mul3A_102 = arith.muli %arg1, %mul3A_101 : i32
    %dma_wait3A_103 = arith.constant 0 : i32
    %dma_wait3A_104 = tpu.memref_slice %arg22[%mul3A_102, %dma_wait3A_103] : memref<10240x128xf32, #tpu.memory_space<vmem_shared>> -> memref<80x128xf32, #tpu.memory_space<vmem_shared>>
    %dma_wait3A_105 = arith.constant 0 : i32
    %dma_wait3A_106 = tpu.memref_slice %arg22[%mul3A_102, %dma_wait3A_105] : memref<10240x128xf32, #tpu.memory_space<vmem_shared>> -> memref<80x128xf32, #tpu.memory_space<vmem_shared>>
    tpu.wait_dma2 semaphore(%arg13 : memref<!tpu.dma_semaphore, #tpu.memory_space<semaphore_mem>>) src(%arg10 : memref<80x128xf32, #tpu.memory_space<vmem>>) dst(%dma_wait3A_106 : memref<80x128xf32, #tpu.memory_space<vmem_shared>>)
    %mul3A_107 = arith.constant 640 : i32
    %mul3A_108 = arith.muli %arg1, %mul3A_107 : i32
    %dma_wait3A_109 = arith.constant 0 : i32
    %dma_wait3A_110 = tpu.memref_slice %arg22[%mul3A_108, %dma_wait3A_109] : memref<10240x128xf32, #tpu.memory_space<vmem_shared>> -> memref<80x128xf32, #tpu.memory_space<vmem_shared>>
    %dma_wait3A_111 = arith.constant 0 : i32
    %dma_wait3A_112 = tpu.memref_slice %arg22[%mul3A_108, %dma_wait3A_111] : memref<10240x128xf32, #tpu.memory_space<vmem_shared>> -> memref<80x128xf32, #tpu.memory_space<vmem_shared>>
    tpu.wait_dma2 semaphore(%arg13 : memref<!tpu.dma_semaphore, #tpu.memory_space<semaphore_mem>>) src(%arg10 : memref<80x128xf32, #tpu.memory_space<vmem>>) dst(%dma_wait3A_112 : memref<80x128xf32, #tpu.memory_space<vmem_shared>>)
    %mul3A_113 = arith.constant 640 : i32
    %mul3A_114 = arith.muli %arg1, %mul3A_113 : i32
    %dma_wait3A_115 = arith.constant 0 : i32
    %dma_wait3A_116 = tpu.memref_slice %arg22[%mul3A_114, %dma_wait3A_115] : memref<10240x128xf32, #tpu.memory_space<vmem_shared>> -> memref<80x128xf32, #tpu.memory_space<vmem_shared>>
    %dma_wait3A_117 = arith.constant 0 : i32
    %dma_wait3A_118 = tpu.memref_slice %arg22[%mul3A_114, %dma_wait3A_117] : memref<10240x128xf32, #tpu.memory_space<vmem_shared>> -> memref<80x128xf32, #tpu.memory_space<vmem_shared>>
    tpu.wait_dma2 semaphore(%arg13 : memref<!tpu.dma_semaphore, #tpu.memory_space<semaphore_mem>>) src(%arg10 : memref<80x128xf32, #tpu.memory_space<vmem>>) dst(%dma_wait3A_118 : memref<80x128xf32, #tpu.memory_space<vmem_shared>>)
    %barrier3A = arith.constant 0 : index
    tpu.barrier barrier_id(%barrier3A)
    %dma_start3A_119 = arith.constant 0 : i32
    %dma_start3A_120 = tpu.memref_slice %arg6[%dma_start3A_119] : memref<10000xi32, #tpu.memory_space<vmem>> -> memref<80xi32, #tpu.memory_space<vmem>>
    %dma_start3A_121 = arith.constant 0 : i32
    %dma_start3A_122 = arith.constant 0 : i32
    %dma_start3A_123 = tpu.memref_slice %arg2[%dma_start3A_121, %dma_start3A_122] : memref<10000x128xf32, #tpu.memory_space<hbm>> -> memref<10000x128xf32, #tpu.memory_space<hbm>>
    tpu.enqueue_indirect_dma source(%dma_start3A_123 : memref<10000x128xf32, #tpu.memory_space<hbm>>) target(%arg10 : memref<80x128xf32, #tpu.memory_space<vmem>>) offsets(%dma_start3A_120 : memref<80xi32, #tpu.memory_space<vmem>>) semaphore(%arg13 : memref<!tpu.dma_semaphore, #tpu.memory_space<semaphore_mem>>)
    %add3A_124 = arith.constant 0 : i32
    %add3A_125 = arith.addi %mul3A_2, %add3A_124 : i32
    %dma_start3A_126 = tpu.memref_slice %arg4[%add3A_125] : memref<320000xi32, #tpu.memory_space<hbm>> -> memref<80xi32, #tpu.memory_space<hbm>>
    %dma_start3A_127 = tpu.memref_slice %arg4[%add3A_125] : memref<320000xi32, #tpu.memory_space<hbm>> -> memref<80xi32, #tpu.memory_space<hbm>>
    tpu.enqueue_dma source(%dma_start3A_127 : memref<80xi32, #tpu.memory_space<hbm>>) target(%arg7 : memref<80xi32, #tpu.memory_space<vmem>>) target_semaphore(%arg16 : memref<!tpu.dma_semaphore, #tpu.memory_space<semaphore_mem>>)
    %dma_start3A_128 = arith.constant 80 : i32
    %dma_start3A_129 = tpu.memref_slice %arg6[%dma_start3A_128] : memref<10000xi32, #tpu.memory_space<vmem>> -> memref<80xi32, #tpu.memory_space<vmem>>
    %dma_start3A_130 = arith.constant 0 : i32
    %dma_start3A_131 = arith.constant 0 : i32
    %dma_start3A_132 = tpu.memref_slice %arg2[%dma_start3A_130, %dma_start3A_131] : memref<10000x128xf32, #tpu.memory_space<hbm>> -> memref<10000x128xf32, #tpu.memory_space<hbm>>
    tpu.enqueue_indirect_dma source(%dma_start3A_132 : memref<10000x128xf32, #tpu.memory_space<hbm>>) target(%arg11 : memref<80x128xf32, #tpu.memory_space<vmem>>) offsets(%dma_start3A_129 : memref<80xi32, #tpu.memory_space<vmem>>) semaphore(%arg14 : memref<!tpu.dma_semaphore, #tpu.memory_space<semaphore_mem>>)
    %add3A_133 = arith.constant 80 : i32
    %add3A_134 = arith.addi %mul3A_2, %add3A_133 : i32
    %dma_start3A_135 = tpu.memref_slice %arg4[%add3A_134] : memref<320000xi32, #tpu.memory_space<hbm>> -> memref<80xi32, #tpu.memory_space<hbm>>
    %dma_start3A_136 = tpu.memref_slice %arg4[%add3A_134] : memref<320000xi32, #tpu.memory_space<hbm>> -> memref<80xi32, #tpu.memory_space<hbm>>
    tpu.enqueue_dma source(%dma_start3A_136 : memref<80xi32, #tpu.memory_space<hbm>>) target(%arg8 : memref<80xi32, #tpu.memory_space<vmem>>) target_semaphore(%arg17 : memref<!tpu.dma_semaphore, #tpu.memory_space<semaphore_mem>>)
    %dma_start3A_137 = arith.constant 160 : i32
    %dma_start3A_138 = tpu.memref_slice %arg6[%dma_start3A_137] : memref<10000xi32, #tpu.memory_space<vmem>> -> memref<80xi32, #tpu.memory_space<vmem>>
    %dma_start3A_139 = arith.constant 0 : i32
    %dma_start3A_140 = arith.constant 0 : i32
    %dma_start3A_141 = tpu.memref_slice %arg2[%dma_start3A_139, %dma_start3A_140] : memref<10000x128xf32, #tpu.memory_space<hbm>> -> memref<10000x128xf32, #tpu.memory_space<hbm>>
    tpu.enqueue_indirect_dma source(%dma_start3A_141 : memref<10000x128xf32, #tpu.memory_space<hbm>>) target(%arg12 : memref<80x128xf32, #tpu.memory_space<vmem>>) offsets(%dma_start3A_138 : memref<80xi32, #tpu.memory_space<vmem>>) semaphore(%arg15 : memref<!tpu.dma_semaphore, #tpu.memory_space<semaphore_mem>>)
    %add3A_142 = arith.constant 160 : i32
    %add3A_143 = arith.addi %mul3A_2, %add3A_142 : i32
    %dma_start3A_144 = tpu.memref_slice %arg4[%add3A_143] : memref<320000xi32, #tpu.memory_space<hbm>> -> memref<80xi32, #tpu.memory_space<hbm>>
    %dma_start3A_145 = tpu.memref_slice %arg4[%add3A_143] : memref<320000xi32, #tpu.memory_space<hbm>> -> memref<80xi32, #tpu.memory_space<hbm>>
    tpu.enqueue_dma source(%dma_start3A_145 : memref<80xi32, #tpu.memory_space<hbm>>) target(%arg9 : memref<80xi32, #tpu.memory_space<vmem>>) target_semaphore(%arg18 : memref<!tpu.dma_semaphore, #tpu.memory_space<semaphore_mem>>)
    %scan3A_146 = arith.constant 0 : i32
    %scan3A_147 = arith.constant 0 : i32
    %scan3A_148 = arith.constant 40 : i32
    %scan3A_149 = arith.addi %scan3A_147, %scan3A_148 : i32
    %scan3A_150 = arith.constant 1 : i32
    %scan3A_151 = scf.for %scan3A_405 = %scan3A_147 to %scan3A_149 step %scan3A_150 iter_args(%scan3A_406 = %scan3A_146) -> (i32)  : i32 {
      %mul3A_407 = arith.constant 3 : i32
      %mul3A_408 = arith.muli %scan3A_405, %mul3A_407 : i32
      %add3A_409 = arith.constant 0 : i32
      %add3A_410 = arith.addi %mul3A_408, %add3A_409 : i32
      %dma_wait3A_411 = arith.constant 0 : i32
      %dma_wait3A_412 = tpu.memref_slice %arg6[%dma_wait3A_411] : memref<10000xi32, #tpu.memory_space<vmem>> -> memref<80xi32, #tpu.memory_space<vmem>>
      %dma_wait3A_413 = arith.constant 0 : i32
      %dma_wait3A_414 = arith.constant 0 : i32
      %dma_wait3A_415 = tpu.memref_slice %arg2[%dma_wait3A_413, %dma_wait3A_414] : memref<10000x128xf32, #tpu.memory_space<hbm>> -> memref<10000x128xf32, #tpu.memory_space<hbm>>
      tpu.wait_indirect_dma semaphore(%arg13 : memref<!tpu.dma_semaphore, #tpu.memory_space<semaphore_mem>>) src(%dma_wait3A_415 : memref<10000x128xf32, #tpu.memory_space<hbm>>) dst(%arg10 : memref<80x128xf32, #tpu.memory_space<vmem>>)
      %dma_wait3A_416 = tpu.memref_slice %arg4[%mul3A_2] : memref<320000xi32, #tpu.memory_space<hbm>> -> memref<80xi32, #tpu.memory_space<hbm>>
      %dma_wait3A_417 = tpu.memref_slice %arg4[%mul3A_2] : memref<320000xi32, #tpu.memory_space<hbm>> -> memref<80xi32, #tpu.memory_space<hbm>>
      tpu.wait_dma2 semaphore(%arg16 : memref<!tpu.dma_semaphore, #tpu.memory_space<semaphore_mem>>) src(%dma_wait3A_417 : memref<80xi32, #tpu.memory_space<hbm>>) dst(%arg7 : memref<80xi32, #tpu.memory_space<vmem>>)
      %dma_start3A_418 = arith.constant 0 : i32
      %dma_start3A_419 = arith.constant 0 : i32
      %dma_start3A_420 = tpu.memref_slice %arg22[%dma_start3A_418, %dma_start3A_419] : memref<10240x128xf32, #tpu.memory_space<vmem_shared>> -> memref<10240x128xf32, #tpu.memory_space<vmem_shared>>
      tpu.enqueue_indirect_dma source(%arg10 : memref<80x128xf32, #tpu.memory_space<vmem>>) target(%dma_start3A_420 : memref<10240x128xf32, #tpu.memory_space<vmem_shared>>) offsets(%arg7 : memref<80xi32, #tpu.memory_space<vmem>>) semaphore(%arg19 : memref<!tpu.dma_semaphore, #tpu.memory_space<semaphore_mem>>) {add = true}
      %add3A_421 = arith.constant 1 : i32
      %add3A_422 = arith.addi %mul3A_408, %add3A_421 : i32
      %dma_wait3A_423 = arith.constant 0 : i32
      %dma_wait3A_424 = tpu.memref_slice %arg6[%dma_wait3A_423] : memref<10000xi32, #tpu.memory_space<vmem>> -> memref<80xi32, #tpu.memory_space<vmem>>
      %dma_wait3A_425 = arith.constant 0 : i32
      %dma_wait3A_426 = arith.constant 0 : i32
      %dma_wait3A_427 = tpu.memref_slice %arg2[%dma_wait3A_425, %dma_wait3A_426] : memref<10000x128xf32, #tpu.memory_space<hbm>> -> memref<10000x128xf32, #tpu.memory_space<hbm>>
      tpu.wait_indirect_dma semaphore(%arg14 : memref<!tpu.dma_semaphore, #tpu.memory_space<semaphore_mem>>) src(%dma_wait3A_427 : memref<10000x128xf32, #tpu.memory_space<hbm>>) dst(%arg11 : memref<80x128xf32, #tpu.memory_space<vmem>>)
      %dma_wait3A_428 = tpu.memref_slice %arg4[%mul3A_2] : memref<320000xi32, #tpu.memory_space<hbm>> -> memref<80xi32, #tpu.memory_space<hbm>>
      %dma_wait3A_429 = tpu.memref_slice %arg4[%mul3A_2] : memref<320000xi32, #tpu.memory_space<hbm>> -> memref<80xi32, #tpu.memory_space<hbm>>
      tpu.wait_dma2 semaphore(%arg17 : memref<!tpu.dma_semaphore, #tpu.memory_space<semaphore_mem>>) src(%dma_wait3A_429 : memref<80xi32, #tpu.memory_space<hbm>>) dst(%arg8 : memref<80xi32, #tpu.memory_space<vmem>>)
      %dma_start3A_430 = arith.constant 0 : i32
      %dma_start3A_431 = arith.constant 0 : i32
      %dma_start3A_432 = tpu.memref_slice %arg22[%dma_start3A_430, %dma_start3A_431] : memref<10240x128xf32, #tpu.memory_space<vmem_shared>> -> memref<10240x128xf32, #tpu.memory_space<vmem_shared>>
      tpu.enqueue_indirect_dma source(%arg11 : memref<80x128xf32, #tpu.memory_space<vmem>>) target(%dma_start3A_432 : memref<10240x128xf32, #tpu.memory_space<vmem_shared>>) offsets(%arg8 : memref<80xi32, #tpu.memory_space<vmem>>) semaphore(%arg20 : memref<!tpu.dma_semaphore, #tpu.memory_space<semaphore_mem>>) {add = true}
      %add3A_433 = arith.constant 2 : i32
      %add3A_434 = arith.addi %mul3A_408, %add3A_433 : i32
      %dma_wait3A_435 = arith.constant 0 : i32
      %dma_wait3A_436 = tpu.memref_slice %arg6[%dma_wait3A_435] : memref<10000xi32, #tpu.memory_space<vmem>> -> memref<80xi32, #tpu.memory_space<vmem>>
      %dma_wait3A_437 = arith.constant 0 : i32
      %dma_wait3A_438 = arith.constant 0 : i32
      %dma_wait3A_439 = tpu.memref_slice %arg2[%dma_wait3A_437, %dma_wait3A_438] : memref<10000x128xf32, #tpu.memory_space<hbm>> -> memref<10000x128xf32, #tpu.memory_space<hbm>>
      tpu.wait_indirect_dma semaphore(%arg15 : memref<!tpu.dma_semaphore, #tpu.memory_space<semaphore_mem>>) src(%dma_wait3A_439 : memref<10000x128xf32, #tpu.memory_space<hbm>>) dst(%arg12 : memref<80x128xf32, #tpu.memory_space<vmem>>)
      %dma_wait3A_440 = tpu.memref_slice %arg4[%mul3A_2] : memref<320000xi32, #tpu.memory_space<hbm>> -> memref<80xi32, #tpu.memory_space<hbm>>
      %dma_wait3A_441 = tpu.memref_slice %arg4[%mul3A_2] : memref<320000xi32, #tpu.memory_space<hbm>> -> memref<80xi32, #tpu.memory_space<hbm>>
      tpu.wait_dma2 semaphore(%arg18 : memref<!tpu.dma_semaphore, #tpu.memory_space<semaphore_mem>>) src(%dma_wait3A_441 : memref<80xi32, #tpu.memory_space<hbm>>) dst(%arg9 : memref<80xi32, #tpu.memory_space<vmem>>)
      %dma_start3A_442 = arith.constant 0 : i32
      %dma_start3A_443 = arith.constant 0 : i32
      %dma_start3A_444 = tpu.memref_slice %arg22[%dma_start3A_442, %dma_start3A_443] : memref<10240x128xf32, #tpu.memory_space<vmem_shared>> -> memref<10240x128xf32, #tpu.memory_space<vmem_shared>>
      tpu.enqueue_indirect_dma source(%arg12 : memref<80x128xf32, #tpu.memory_space<vmem>>) target(%dma_start3A_444 : memref<10240x128xf32, #tpu.memory_space<vmem_shared>>) offsets(%arg9 : memref<80xi32, #tpu.memory_space<vmem>>) semaphore(%arg21 : memref<!tpu.dma_semaphore, #tpu.memory_space<semaphore_mem>>) {add = true}
      %add3A_445 = arith.constant 0 : i32
      %add3A_446 = arith.addi %mul3A_408, %add3A_445 : i32
      %lt3A_447 = arith.constant 39 : i32
      %lt3A_448 = arith.cmpi slt, %scan3A_405, %lt3A_447 : i32
      %convert_element_type3A_449 = arith.extui %lt3A_448 : i1 to i32
      %cond3A_450 = arith.constant 0 : i32
      %cond3A_451 = arith.cmpi ne, %convert_element_type3A_449, %cond3A_450 : i32
      scf.if %cond3A_451 {
        %dma_wait3A_467 = arith.constant 0 : i32
        %dma_wait3A_468 = arith.constant 0 : i32
        %dma_wait3A_469 = tpu.memref_slice %arg22[%dma_wait3A_467, %dma_wait3A_468] : memref<10240x128xf32, #tpu.memory_space<vmem_shared>> -> memref<10240x128xf32, #tpu.memory_space<vmem_shared>>
        tpu.wait_indirect_dma semaphore(%arg19 : memref<!tpu.dma_semaphore, #tpu.memory_space<semaphore_mem>>) src(%arg10 : memref<80x128xf32, #tpu.memory_space<vmem>>) dst(%dma_wait3A_469 : memref<10240x128xf32, #tpu.memory_space<vmem_shared>>)
        %add3A_470 = arith.constant 3 : i32
        %add3A_471 = arith.addi %add3A_446, %add3A_470 : i32
        %mul3A_472 = arith.constant 80 : i32
        %mul3A_473 = arith.muli %add3A_471, %mul3A_472 : i32
        %dma_start3A_474 = tpu.memref_slice %arg6[%mul3A_473] : memref<10000xi32, #tpu.memory_space<vmem>> -> memref<80xi32, #tpu.memory_space<vmem>>
        %dma_start3A_475 = arith.constant 0 : i32
        %dma_start3A_476 = arith.constant 0 : i32
        %dma_start3A_477 = tpu.memref_slice %arg2[%dma_start3A_475, %dma_start3A_476] : memref<10000x128xf32, #tpu.memory_space<hbm>> -> memref<10000x128xf32, #tpu.memory_space<hbm>>
        tpu.enqueue_indirect_dma source(%dma_start3A_477 : memref<10000x128xf32, #tpu.memory_space<hbm>>) target(%arg10 : memref<80x128xf32, #tpu.memory_space<vmem>>) offsets(%dma_start3A_474 : memref<80xi32, #tpu.memory_space<vmem>>) semaphore(%arg13 : memref<!tpu.dma_semaphore, #tpu.memory_space<semaphore_mem>>)
        %add3A_478 = arith.constant 3 : i32
        %add3A_479 = arith.addi %add3A_446, %add3A_478 : i32
        %mul3A_480 = arith.constant 80 : i32
        %mul3A_481 = arith.muli %add3A_479, %mul3A_480 : i32
        %add3A_482 = arith.addi %mul3A_2, %mul3A_481 : i32
        %dma_start3A_483 = tpu.memref_slice %arg4[%add3A_482] : memref<320000xi32, #tpu.memory_space<hbm>> -> memref<80xi32, #tpu.memory_space<hbm>>
        %dma_start3A_484 = tpu.memref_slice %arg4[%add3A_482] : memref<320000xi32, #tpu.memory_space<hbm>> -> memref<80xi32, #tpu.memory_space<hbm>>
        tpu.enqueue_dma source(%dma_start3A_484 : memref<80xi32, #tpu.memory_space<hbm>>) target(%arg7 : memref<80xi32, #tpu.memory_space<vmem>>) target_semaphore(%arg16 : memref<!tpu.dma_semaphore, #tpu.memory_space<semaphore_mem>>)
      } else {
      }
      %add3A_452 = arith.constant 1 : i32
      %add3A_453 = arith.addi %mul3A_408, %add3A_452 : i32
      %lt3A_454 = arith.constant 39 : i32
      %lt3A_455 = arith.cmpi slt, %scan3A_405, %lt3A_454 : i32
      %convert_element_type3A_456 = arith.extui %lt3A_455 : i1 to i32
      %cond3A_457 = arith.constant 0 : i32
      %cond3A_458 = arith.cmpi ne, %convert_element_type3A_456, %cond3A_457 : i32
      scf.if %cond3A_458 {
        %dma_wait3A_467 = arith.constant 0 : i32
        %dma_wait3A_468 = arith.constant 0 : i32
        %dma_wait3A_469 = tpu.memref_slice %arg22[%dma_wait3A_467, %dma_wait3A_468] : memref<10240x128xf32, #tpu.memory_space<vmem_shared>> -> memref<10240x128xf32, #tpu.memory_space<vmem_shared>>
        tpu.wait_indirect_dma semaphore(%arg20 : memref<!tpu.dma_semaphore, #tpu.memory_space<semaphore_mem>>) src(%arg11 : memref<80x128xf32, #tpu.memory_space<vmem>>) dst(%dma_wait3A_469 : memref<10240x128xf32, #tpu.memory_space<vmem_shared>>)
        %add3A_470 = arith.constant 3 : i32
        %add3A_471 = arith.addi %add3A_453, %add3A_470 : i32
        %mul3A_472 = arith.constant 80 : i32
        %mul3A_473 = arith.muli %add3A_471, %mul3A_472 : i32
        %dma_start3A_474 = tpu.memref_slice %arg6[%mul3A_473] : memref<10000xi32, #tpu.memory_space<vmem>> -> memref<80xi32, #tpu.memory_space<vmem>>
        %dma_start3A_475 = arith.constant 0 : i32
        %dma_start3A_476 = arith.constant 0 : i32
        %dma_start3A_477 = tpu.memref_slice %arg2[%dma_start3A_475, %dma_start3A_476] : memref<10000x128xf32, #tpu.memory_space<hbm>> -> memref<10000x128xf32, #tpu.memory_space<hbm>>
        tpu.enqueue_indirect_dma source(%dma_start3A_477 : memref<10000x128xf32, #tpu.memory_space<hbm>>) target(%arg11 : memref<80x128xf32, #tpu.memory_space<vmem>>) offsets(%dma_start3A_474 : memref<80xi32, #tpu.memory_space<vmem>>) semaphore(%arg14 : memref<!tpu.dma_semaphore, #tpu.memory_space<semaphore_mem>>)
        %add3A_478 = arith.constant 3 : i32
        %add3A_479 = arith.addi %add3A_453, %add3A_478 : i32
        %mul3A_480 = arith.constant 80 : i32
        %mul3A_481 = arith.muli %add3A_479, %mul3A_480 : i32
        %add3A_482 = arith.addi %mul3A_2, %mul3A_481 : i32
        %dma_start3A_483 = tpu.memref_slice %arg4[%add3A_482] : memref<320000xi32, #tpu.memory_space<hbm>> -> memref<80xi32, #tpu.memory_space<hbm>>
        %dma_start3A_484 = tpu.memref_slice %arg4[%add3A_482] : memref<320000xi32, #tpu.memory_space<hbm>> -> memref<80xi32, #tpu.memory_space<hbm>>
        tpu.enqueue_dma source(%dma_start3A_484 : memref<80xi32, #tpu.memory_space<hbm>>) target(%arg8 : memref<80xi32, #tpu.memory_space<vmem>>) target_semaphore(%arg17 : memref<!tpu.dma_semaphore, #tpu.memory_space<semaphore_mem>>)
      } else {
      }
      %add3A_459 = arith.constant 2 : i32
      %add3A_460 = arith.addi %mul3A_408, %add3A_459 : i32
      %lt3A_461 = arith.constant 39 : i32
      %lt3A_462 = arith.cmpi slt, %scan3A_405, %lt3A_461 : i32
      %convert_element_type3A_463 = arith.extui %lt3A_462 : i1 to i32
      %cond3A_464 = arith.constant 0 : i32
      %cond3A_465 = arith.cmpi ne, %convert_element_type3A_463, %cond3A_464 : i32
      scf.if %cond3A_465 {
        %dma_wait3A_467 = arith.constant 0 : i32
        %dma_wait3A_468 = arith.constant 0 : i32
        %dma_wait3A_469 = tpu.memref_slice %arg22[%dma_wait3A_467, %dma_wait3A_468] : memref<10240x128xf32, #tpu.memory_space<vmem_shared>> -> memref<10240x128xf32, #tpu.memory_space<vmem_shared>>
        tpu.wait_indirect_dma semaphore(%arg21 : memref<!tpu.dma_semaphore, #tpu.memory_space<semaphore_mem>>) src(%arg12 : memref<80x128xf32, #tpu.memory_space<vmem>>) dst(%dma_wait3A_469 : memref<10240x128xf32, #tpu.memory_space<vmem_shared>>)
        %add3A_470 = arith.constant 3 : i32
        %add3A_471 = arith.addi %add3A_460, %add3A_470 : i32
        %mul3A_472 = arith.constant 80 : i32
        %mul3A_473 = arith.muli %add3A_471, %mul3A_472 : i32
        %dma_start3A_474 = tpu.memref_slice %arg6[%mul3A_473] : memref<10000xi32, #tpu.memory_space<vmem>> -> memref<80xi32, #tpu.memory_space<vmem>>
        %dma_start3A_475 = arith.constant 0 : i32
        %dma_start3A_476 = arith.constant 0 : i32
        %dma_start3A_477 = tpu.memref_slice %arg2[%dma_start3A_475, %dma_start3A_476] : memref<10000x128xf32, #tpu.memory_space<hbm>> -> memref<10000x128xf32, #tpu.memory_space<hbm>>
        tpu.enqueue_indirect_dma source(%dma_start3A_477 : memref<10000x128xf32, #tpu.memory_space<hbm>>) target(%arg12 : memref<80x128xf32, #tpu.memory_space<vmem>>) offsets(%dma_start3A_474 : memref<80xi32, #tpu.memory_space<vmem>>) semaphore(%arg15 : memref<!tpu.dma_semaphore, #tpu.memory_space<semaphore_mem>>)
        %add3A_478 = arith.constant 3 : i32
        %add3A_479 = arith.addi %add3A_460, %add3A_478 : i32
        %mul3A_480 = arith.constant 80 : i32
        %mul3A_481 = arith.muli %add3A_479, %mul3A_480 : i32
        %add3A_482 = arith.addi %mul3A_2, %mul3A_481 : i32
        %dma_start3A_483 = tpu.memref_slice %arg4[%add3A_482] : memref<320000xi32, #tpu.memory_space<hbm>> -> memref<80xi32, #tpu.memory_space<hbm>>
        %dma_start3A_484 = tpu.memref_slice %arg4[%add3A_482] : memref<320000xi32, #tpu.memory_space<hbm>> -> memref<80xi32, #tpu.memory_space<hbm>>
        tpu.enqueue_dma source(%dma_start3A_484 : memref<80xi32, #tpu.memory_space<hbm>>) target(%arg9 : memref<80xi32, #tpu.memory_space<vmem>>) target_semaphore(%arg18 : memref<!tpu.dma_semaphore, #tpu.memory_space<semaphore_mem>>)
      } else {
      }
      %scan3A_466 = arith.constant 0 : i32
      scf.yield %scan3A_466 : i32
    }
    %scan3A_152 = arith.constant 40 : i32
    %dma_wait3A_153 = arith.constant 0 : i32
    %dma_wait3A_154 = arith.constant 0 : i32
    %dma_wait3A_155 = tpu.memref_slice %arg22[%dma_wait3A_153, %dma_wait3A_154] : memref<10240x128xf32, #tpu.memory_space<vmem_shared>> -> memref<10240x128xf32, #tpu.memory_space<vmem_shared>>
    tpu.wait_indirect_dma semaphore(%arg19 : memref<!tpu.dma_semaphore, #tpu.memory_space<semaphore_mem>>) src(%arg10 : memref<80x128xf32, #tpu.memory_space<vmem>>) dst(%dma_wait3A_155 : memref<10240x128xf32, #tpu.memory_space<vmem_shared>>)
    %dma_start3A_156 = arith.constant 9600 : i32
    %dma_start3A_157 = tpu.memref_slice %arg6[%dma_start3A_156] : memref<10000xi32, #tpu.memory_space<vmem>> -> memref<80xi32, #tpu.memory_space<vmem>>
    %dma_start3A_158 = arith.constant 0 : i32
    %dma_start3A_159 = arith.constant 0 : i32
    %dma_start3A_160 = tpu.memref_slice %arg2[%dma_start3A_158, %dma_start3A_159] : memref<10000x128xf32, #tpu.memory_space<hbm>> -> memref<10000x128xf32, #tpu.memory_space<hbm>>
    tpu.enqueue_indirect_dma source(%dma_start3A_160 : memref<10000x128xf32, #tpu.memory_space<hbm>>) target(%arg10 : memref<80x128xf32, #tpu.memory_space<vmem>>) offsets(%dma_start3A_157 : memref<80xi32, #tpu.memory_space<vmem>>) semaphore(%arg13 : memref<!tpu.dma_semaphore, #tpu.memory_space<semaphore_mem>>)
    %add3A_161 = arith.constant 9600 : i32
    %add3A_162 = arith.addi %mul3A_2, %add3A_161 : i32
    %dma_start3A_163 = tpu.memref_slice %arg4[%add3A_162] : memref<320000xi32, #tpu.memory_space<hbm>> -> memref<80xi32, #tpu.memory_space<hbm>>
    %dma_start3A_164 = tpu.memref_slice %arg4[%add3A_162] : memref<320000xi32, #tpu.memory_space<hbm>> -> memref<80xi32, #tpu.memory_space<hbm>>
    tpu.enqueue_dma source(%dma_start3A_164 : memref<80xi32, #tpu.memory_space<hbm>>) target(%arg7 : memref<80xi32, #tpu.memory_space<vmem>>) target_semaphore(%arg16 : memref<!tpu.dma_semaphore, #tpu.memory_space<semaphore_mem>>)
    %dma_wait3A_165 = arith.constant 0 : i32
    %dma_wait3A_166 = tpu.memref_slice %arg6[%dma_wait3A_165] : memref<10000xi32, #tpu.memory_space<vmem>> -> memref<80xi32, #tpu.memory_space<vmem>>
    %dma_wait3A_167 = arith.constant 0 : i32
    %dma_wait3A_168 = arith.constant 0 : i32
    %dma_wait3A_169 = tpu.memref_slice %arg2[%dma_wait3A_167, %dma_wait3A_168] : memref<10000x128xf32, #tpu.memory_space<hbm>> -> memref<10000x128xf32, #tpu.memory_space<hbm>>
    tpu.wait_indirect_dma semaphore(%arg13 : memref<!tpu.dma_semaphore, #tpu.memory_space<semaphore_mem>>) src(%dma_wait3A_169 : memref<10000x128xf32, #tpu.memory_space<hbm>>) dst(%arg10 : memref<80x128xf32, #tpu.memory_space<vmem>>)
    %dma_wait3A_170 = tpu.memref_slice %arg4[%mul3A_2] : memref<320000xi32, #tpu.memory_space<hbm>> -> memref<80xi32, #tpu.memory_space<hbm>>
    %dma_wait3A_171 = tpu.memref_slice %arg4[%mul3A_2] : memref<320000xi32, #tpu.memory_space<hbm>> -> memref<80xi32, #tpu.memory_space<hbm>>
    tpu.wait_dma2 semaphore(%arg16 : memref<!tpu.dma_semaphore, #tpu.memory_space<semaphore_mem>>) src(%dma_wait3A_171 : memref<80xi32, #tpu.memory_space<hbm>>) dst(%arg7 : memref<80xi32, #tpu.memory_space<vmem>>)
    %dma_start3A_172 = arith.constant 0 : i32
    %dma_start3A_173 = arith.constant 0 : i32
    %dma_start3A_174 = tpu.memref_slice %arg22[%dma_start3A_172, %dma_start3A_173] : memref<10240x128xf32, #tpu.memory_space<vmem_shared>> -> memref<10240x128xf32, #tpu.memory_space<vmem_shared>>
    tpu.enqueue_indirect_dma source(%arg10 : memref<80x128xf32, #tpu.memory_space<vmem>>) target(%dma_start3A_174 : memref<10240x128xf32, #tpu.memory_space<vmem_shared>>) offsets(%arg7 : memref<80xi32, #tpu.memory_space<vmem>>) semaphore(%arg19 : memref<!tpu.dma_semaphore, #tpu.memory_space<semaphore_mem>>) {add = true}
    %dma_wait3A_175 = arith.constant 0 : i32
    %dma_wait3A_176 = arith.constant 0 : i32
    %dma_wait3A_177 = tpu.memref_slice %arg22[%dma_wait3A_175, %dma_wait3A_176] : memref<10240x128xf32, #tpu.memory_space<vmem_shared>> -> memref<10240x128xf32, #tpu.memory_space<vmem_shared>>
    tpu.wait_indirect_dma semaphore(%arg20 : memref<!tpu.dma_semaphore, #tpu.memory_space<semaphore_mem>>) src(%arg11 : memref<80x128xf32, #tpu.memory_space<vmem>>) dst(%dma_wait3A_177 : memref<10240x128xf32, #tpu.memory_space<vmem_shared>>)
    %dma_start3A_178 = arith.constant 9680 : i32
    %dma_start3A_179 = tpu.memref_slice %arg6[%dma_start3A_178] : memref<10000xi32, #tpu.memory_space<vmem>> -> memref<80xi32, #tpu.memory_space<vmem>>
    %dma_start3A_180 = arith.constant 0 : i32
    %dma_start3A_181 = arith.constant 0 : i32
    %dma_start3A_182 = tpu.memref_slice %arg2[%dma_start3A_180, %dma_start3A_181] : memref<10000x128xf32, #tpu.memory_space<hbm>> -> memref<10000x128xf32, #tpu.memory_space<hbm>>
    tpu.enqueue_indirect_dma source(%dma_start3A_182 : memref<10000x128xf32, #tpu.memory_space<hbm>>) target(%arg11 : memref<80x128xf32, #tpu.memory_space<vmem>>) offsets(%dma_start3A_179 : memref<80xi32, #tpu.memory_space<vmem>>) semaphore(%arg14 : memref<!tpu.dma_semaphore, #tpu.memory_space<semaphore_mem>>)
    %add3A_183 = arith.constant 9680 : i32
    %add3A_184 = arith.addi %mul3A_2, %add3A_183 : i32
    %dma_start3A_185 = tpu.memref_slice %arg4[%add3A_184] : memref<320000xi32, #tpu.memory_space<hbm>> -> memref<80xi32, #tpu.memory_space<hbm>>
    %dma_start3A_186 = tpu.memref_slice %arg4[%add3A_184] : memref<320000xi32, #tpu.memory_space<hbm>> -> memref<80xi32, #tpu.memory_space<hbm>>
    tpu.enqueue_dma source(%dma_start3A_186 : memref<80xi32, #tpu.memory_space<hbm>>) target(%arg8 : memref<80xi32, #tpu.memory_space<vmem>>) target_semaphore(%arg17 : memref<!tpu.dma_semaphore, #tpu.memory_space<semaphore_mem>>)
    %dma_wait3A_187 = arith.constant 0 : i32
    %dma_wait3A_188 = tpu.memref_slice %arg6[%dma_wait3A_187] : memref<10000xi32, #tpu.memory_space<vmem>> -> memref<80xi32, #tpu.memory_space<vmem>>
    %dma_wait3A_189 = arith.constant 0 : i32
    %dma_wait3A_190 = arith.constant 0 : i32
    %dma_wait3A_191 = tpu.memref_slice %arg2[%dma_wait3A_189, %dma_wait3A_190] : memref<10000x128xf32, #tpu.memory_space<hbm>> -> memref<10000x128xf32, #tpu.memory_space<hbm>>
    tpu.wait_indirect_dma semaphore(%arg14 : memref<!tpu.dma_semaphore, #tpu.memory_space<semaphore_mem>>) src(%dma_wait3A_191 : memref<10000x128xf32, #tpu.memory_space<hbm>>) dst(%arg11 : memref<80x128xf32, #tpu.memory_space<vmem>>)
    %dma_wait3A_192 = tpu.memref_slice %arg4[%mul3A_2] : memref<320000xi32, #tpu.memory_space<hbm>> -> memref<80xi32, #tpu.memory_space<hbm>>
    %dma_wait3A_193 = tpu.memref_slice %arg4[%mul3A_2] : memref<320000xi32, #tpu.memory_space<hbm>> -> memref<80xi32, #tpu.memory_space<hbm>>
    tpu.wait_dma2 semaphore(%arg17 : memref<!tpu.dma_semaphore, #tpu.memory_space<semaphore_mem>>) src(%dma_wait3A_193 : memref<80xi32, #tpu.memory_space<hbm>>) dst(%arg8 : memref<80xi32, #tpu.memory_space<vmem>>)
    %dma_start3A_194 = arith.constant 0 : i32
    %dma_start3A_195 = arith.constant 0 : i32
    %dma_start3A_196 = tpu.memref_slice %arg22[%dma_start3A_194, %dma_start3A_195] : memref<10240x128xf32, #tpu.memory_space<vmem_shared>> -> memref<10240x128xf32, #tpu.memory_space<vmem_shared>>
    tpu.enqueue_indirect_dma source(%arg11 : memref<80x128xf32, #tpu.memory_space<vmem>>) target(%dma_start3A_196 : memref<10240x128xf32, #tpu.memory_space<vmem_shared>>) offsets(%arg8 : memref<80xi32, #tpu.memory_space<vmem>>) semaphore(%arg20 : memref<!tpu.dma_semaphore, #tpu.memory_space<semaphore_mem>>) {add = true}
    %dma_wait3A_197 = arith.constant 0 : i32
    %dma_wait3A_198 = arith.constant 0 : i32
    %dma_wait3A_199 = tpu.memref_slice %arg22[%dma_wait3A_197, %dma_wait3A_198] : memref<10240x128xf32, #tpu.memory_space<vmem_shared>> -> memref<10240x128xf32, #tpu.memory_space<vmem_shared>>
    tpu.wait_indirect_dma semaphore(%arg21 : memref<!tpu.dma_semaphore, #tpu.memory_space<semaphore_mem>>) src(%arg12 : memref<80x128xf32, #tpu.memory_space<vmem>>) dst(%dma_wait3A_199 : memref<10240x128xf32, #tpu.memory_space<vmem_shared>>)
    %dma_start3A_200 = arith.constant 9760 : i32
    %dma_start3A_201 = tpu.memref_slice %arg6[%dma_start3A_200] : memref<10000xi32, #tpu.memory_space<vmem>> -> memref<80xi32, #tpu.memory_space<vmem>>
    %dma_start3A_202 = arith.constant 0 : i32
    %dma_start3A_203 = arith.constant 0 : i32
    %dma_start3A_204 = tpu.memref_slice %arg2[%dma_start3A_202, %dma_start3A_203] : memref<10000x128xf32, #tpu.memory_space<hbm>> -> memref<10000x128xf32, #tpu.memory_space<hbm>>
    tpu.enqueue_indirect_dma source(%dma_start3A_204 : memref<10000x128xf32, #tpu.memory_space<hbm>>) target(%arg12 : memref<80x128xf32, #tpu.memory_space<vmem>>) offsets(%dma_start3A_201 : memref<80xi32, #tpu.memory_space<vmem>>) semaphore(%arg15 : memref<!tpu.dma_semaphore, #tpu.memory_space<semaphore_mem>>)
    %add3A_205 = arith.constant 9760 : i32
    %add3A_206 = arith.addi %mul3A_2, %add3A_205 : i32
    %dma_start3A_207 = tpu.memref_slice %arg4[%add3A_206] : memref<320000xi32, #tpu.memory_space<hbm>> -> memref<80xi32, #tpu.memory_space<hbm>>
    %dma_start3A_208 = tpu.memref_slice %arg4[%add3A_206] : memref<320000xi32, #tpu.memory_space<hbm>> -> memref<80xi32, #tpu.memory_space<hbm>>
    tpu.enqueue_dma source(%dma_start3A_208 : memref<80xi32, #tpu.memory_space<hbm>>) target(%arg9 : memref<80xi32, #tpu.memory_space<vmem>>) target_semaphore(%arg18 : memref<!tpu.dma_semaphore, #tpu.memory_space<semaphore_mem>>)
    %dma_wait3A_209 = arith.constant 0 : i32
    %dma_wait3A_210 = tpu.memref_slice %arg6[%dma_wait3A_209] : memref<10000xi32, #tpu.memory_space<vmem>> -> memref<80xi32, #tpu.memory_space<vmem>>
    %dma_wait3A_211 = arith.constant 0 : i32
    %dma_wait3A_212 = arith.constant 0 : i32
    %dma_wait3A_213 = tpu.memref_slice %arg2[%dma_wait3A_211, %dma_wait3A_212] : memref<10000x128xf32, #tpu.memory_space<hbm>> -> memref<10000x128xf32, #tpu.memory_space<hbm>>
    tpu.wait_indirect_dma semaphore(%arg15 : memref<!tpu.dma_semaphore, #tpu.memory_space<semaphore_mem>>) src(%dma_wait3A_213 : memref<10000x128xf32, #tpu.memory_space<hbm>>) dst(%arg12 : memref<80x128xf32, #tpu.memory_space<vmem>>)
    %dma_wait3A_214 = tpu.memref_slice %arg4[%mul3A_2] : memref<320000xi32, #tpu.memory_space<hbm>> -> memref<80xi32, #tpu.memory_space<hbm>>
    %dma_wait3A_215 = tpu.memref_slice %arg4[%mul3A_2] : memref<320000xi32, #tpu.memory_space<hbm>> -> memref<80xi32, #tpu.memory_space<hbm>>
    tpu.wait_dma2 semaphore(%arg18 : memref<!tpu.dma_semaphore, #tpu.memory_space<semaphore_mem>>) src(%dma_wait3A_215 : memref<80xi32, #tpu.memory_space<hbm>>) dst(%arg9 : memref<80xi32, #tpu.memory_space<vmem>>)
    %dma_start3A_216 = arith.constant 0 : i32
    %dma_start3A_217 = arith.constant 0 : i32
    %dma_start3A_218 = tpu.memref_slice %arg22[%dma_start3A_216, %dma_start3A_217] : memref<10240x128xf32, #tpu.memory_space<vmem_shared>> -> memref<10240x128xf32, #tpu.memory_space<vmem_shared>>
    tpu.enqueue_indirect_dma source(%arg12 : memref<80x128xf32, #tpu.memory_space<vmem>>) target(%dma_start3A_218 : memref<10240x128xf32, #tpu.memory_space<vmem_shared>>) offsets(%arg9 : memref<80xi32, #tpu.memory_space<vmem>>) semaphore(%arg21 : memref<!tpu.dma_semaphore, #tpu.memory_space<semaphore_mem>>) {add = true}
    %dma_wait3A_219 = arith.constant 0 : i32
    %dma_wait3A_220 = arith.constant 0 : i32
    %dma_wait3A_221 = tpu.memref_slice %arg22[%dma_wait3A_219, %dma_wait3A_220] : memref<10240x128xf32, #tpu.memory_space<vmem_shared>> -> memref<10240x128xf32, #tpu.memory_space<vmem_shared>>
    tpu.wait_indirect_dma semaphore(%arg19 : memref<!tpu.dma_semaphore, #tpu.memory_space<semaphore_mem>>) src(%arg10 : memref<80x128xf32, #tpu.memory_space<vmem>>) dst(%dma_wait3A_221 : memref<10240x128xf32, #tpu.memory_space<vmem_shared>>)
    %dma_start3A_222 = arith.constant 9840 : i32
    %dma_start3A_223 = tpu.memref_slice %arg6[%dma_start3A_222] : memref<10000xi32, #tpu.memory_space<vmem>> -> memref<80xi32, #tpu.memory_space<vmem>>
    %dma_start3A_224 = arith.constant 0 : i32
    %dma_start3A_225 = arith.constant 0 : i32
    %dma_start3A_226 = tpu.memref_slice %arg2[%dma_start3A_224, %dma_start3A_225] : memref<10000x128xf32, #tpu.memory_space<hbm>> -> memref<10000x128xf32, #tpu.memory_space<hbm>>
    tpu.enqueue_indirect_dma source(%dma_start3A_226 : memref<10000x128xf32, #tpu.memory_space<hbm>>) target(%arg10 : memref<80x128xf32, #tpu.memory_space<vmem>>) offsets(%dma_start3A_223 : memref<80xi32, #tpu.memory_space<vmem>>) semaphore(%arg13 : memref<!tpu.dma_semaphore, #tpu.memory_space<semaphore_mem>>)
    %add3A_227 = arith.constant 9840 : i32
    %add3A_228 = arith.addi %mul3A_2, %add3A_227 : i32
    %dma_start3A_229 = tpu.memref_slice %arg4[%add3A_228] : memref<320000xi32, #tpu.memory_space<hbm>> -> memref<80xi32, #tpu.memory_space<hbm>>
    %dma_start3A_230 = tpu.memref_slice %arg4[%add3A_228] : memref<320000xi32, #tpu.memory_space<hbm>> -> memref<80xi32, #tpu.memory_space<hbm>>
    tpu.enqueue_dma source(%dma_start3A_230 : memref<80xi32, #tpu.memory_space<hbm>>) target(%arg7 : memref<80xi32, #tpu.memory_space<vmem>>) target_semaphore(%arg16 : memref<!tpu.dma_semaphore, #tpu.memory_space<semaphore_mem>>)
    %dma_wait3A_231 = arith.constant 0 : i32
    %dma_wait3A_232 = tpu.memref_slice %arg6[%dma_wait3A_231] : memref<10000xi32, #tpu.memory_space<vmem>> -> memref<80xi32, #tpu.memory_space<vmem>>
    %dma_wait3A_233 = arith.constant 0 : i32
    %dma_wait3A_234 = arith.constant 0 : i32
    %dma_wait3A_235 = tpu.memref_slice %arg2[%dma_wait3A_233, %dma_wait3A_234] : memref<10000x128xf32, #tpu.memory_space<hbm>> -> memref<10000x128xf32, #tpu.memory_space<hbm>>
    tpu.wait_indirect_dma semaphore(%arg13 : memref<!tpu.dma_semaphore, #tpu.memory_space<semaphore_mem>>) src(%dma_wait3A_235 : memref<10000x128xf32, #tpu.memory_space<hbm>>) dst(%arg10 : memref<80x128xf32, #tpu.memory_space<vmem>>)
    %dma_wait3A_236 = tpu.memref_slice %arg4[%mul3A_2] : memref<320000xi32, #tpu.memory_space<hbm>> -> memref<80xi32, #tpu.memory_space<hbm>>
    %dma_wait3A_237 = tpu.memref_slice %arg4[%mul3A_2] : memref<320000xi32, #tpu.memory_space<hbm>> -> memref<80xi32, #tpu.memory_space<hbm>>
    tpu.wait_dma2 semaphore(%arg16 : memref<!tpu.dma_semaphore, #tpu.memory_space<semaphore_mem>>) src(%dma_wait3A_237 : memref<80xi32, #tpu.memory_space<hbm>>) dst(%arg7 : memref<80xi32, #tpu.memory_space<vmem>>)
    %dma_start3A_238 = arith.constant 0 : i32
    %dma_start3A_239 = arith.constant 0 : i32
    %dma_start3A_240 = tpu.memref_slice %arg22[%dma_start3A_238, %dma_start3A_239] : memref<10240x128xf32, #tpu.memory_space<vmem_shared>> -> memref<10240x128xf32, #tpu.memory_space<vmem_shared>>
    tpu.enqueue_indirect_dma source(%arg10 : memref<80x128xf32, #tpu.memory_space<vmem>>) target(%dma_start3A_240 : memref<10240x128xf32, #tpu.memory_space<vmem_shared>>) offsets(%arg7 : memref<80xi32, #tpu.memory_space<vmem>>) semaphore(%arg19 : memref<!tpu.dma_semaphore, #tpu.memory_space<semaphore_mem>>) {add = true}
    %dma_wait3A_241 = arith.constant 0 : i32
    %dma_wait3A_242 = arith.constant 0 : i32
    %dma_wait3A_243 = tpu.memref_slice %arg22[%dma_wait3A_241, %dma_wait3A_242] : memref<10240x128xf32, #tpu.memory_space<vmem_shared>> -> memref<10240x128xf32, #tpu.memory_space<vmem_shared>>
    tpu.wait_indirect_dma semaphore(%arg20 : memref<!tpu.dma_semaphore, #tpu.memory_space<semaphore_mem>>) src(%arg11 : memref<80x128xf32, #tpu.memory_space<vmem>>) dst(%dma_wait3A_243 : memref<10240x128xf32, #tpu.memory_space<vmem_shared>>)
    %dma_start3A_244 = arith.constant 9920 : i32
    %dma_start3A_245 = tpu.memref_slice %arg6[%dma_start3A_244] : memref<10000xi32, #tpu.memory_space<vmem>> -> memref<80xi32, #tpu.memory_space<vmem>>
    %dma_start3A_246 = arith.constant 0 : i32
    %dma_start3A_247 = arith.constant 0 : i32
    %dma_start3A_248 = tpu.memref_slice %arg2[%dma_start3A_246, %dma_start3A_247] : memref<10000x128xf32, #tpu.memory_space<hbm>> -> memref<10000x128xf32, #tpu.memory_space<hbm>>
    tpu.enqueue_indirect_dma source(%dma_start3A_248 : memref<10000x128xf32, #tpu.memory_space<hbm>>) target(%arg11 : memref<80x128xf32, #tpu.memory_space<vmem>>) offsets(%dma_start3A_245 : memref<80xi32, #tpu.memory_space<vmem>>) semaphore(%arg14 : memref<!tpu.dma_semaphore, #tpu.memory_space<semaphore_mem>>)
    %add3A_249 = arith.constant 9920 : i32
    %add3A_250 = arith.addi %mul3A_2, %add3A_249 : i32
    %dma_start3A_251 = tpu.memref_slice %arg4[%add3A_250] : memref<320000xi32, #tpu.memory_space<hbm>> -> memref<80xi32, #tpu.memory_space<hbm>>
    %dma_start3A_252 = tpu.memref_slice %arg4[%add3A_250] : memref<320000xi32, #tpu.memory_space<hbm>> -> memref<80xi32, #tpu.memory_space<hbm>>
    tpu.enqueue_dma source(%dma_start3A_252 : memref<80xi32, #tpu.memory_space<hbm>>) target(%arg8 : memref<80xi32, #tpu.memory_space<vmem>>) target_semaphore(%arg17 : memref<!tpu.dma_semaphore, #tpu.memory_space<semaphore_mem>>)
    %dma_wait3A_253 = arith.constant 0 : i32
    %dma_wait3A_254 = tpu.memref_slice %arg6[%dma_wait3A_253] : memref<10000xi32, #tpu.memory_space<vmem>> -> memref<80xi32, #tpu.memory_space<vmem>>
    %dma_wait3A_255 = arith.constant 0 : i32
    %dma_wait3A_256 = arith.constant 0 : i32
    %dma_wait3A_257 = tpu.memref_slice %arg2[%dma_wait3A_255, %dma_wait3A_256] : memref<10000x128xf32, #tpu.memory_space<hbm>> -> memref<10000x128xf32, #tpu.memory_space<hbm>>
    tpu.wait_indirect_dma semaphore(%arg14 : memref<!tpu.dma_semaphore, #tpu.memory_space<semaphore_mem>>) src(%dma_wait3A_257 : memref<10000x128xf32, #tpu.memory_space<hbm>>) dst(%arg11 : memref<80x128xf32, #tpu.memory_space<vmem>>)
    %dma_wait3A_258 = tpu.memref_slice %arg4[%mul3A_2] : memref<320000xi32, #tpu.memory_space<hbm>> -> memref<80xi32, #tpu.memory_space<hbm>>
    %dma_wait3A_259 = tpu.memref_slice %arg4[%mul3A_2] : memref<320000xi32, #tpu.memory_space<hbm>> -> memref<80xi32, #tpu.memory_space<hbm>>
    tpu.wait_dma2 semaphore(%arg17 : memref<!tpu.dma_semaphore, #tpu.memory_space<semaphore_mem>>) src(%dma_wait3A_259 : memref<80xi32, #tpu.memory_space<hbm>>) dst(%arg8 : memref<80xi32, #tpu.memory_space<vmem>>)
    %dma_start3A_260 = arith.constant 0 : i32
    %dma_start3A_261 = arith.constant 0 : i32
    %dma_start3A_262 = tpu.memref_slice %arg22[%dma_start3A_260, %dma_start3A_261] : memref<10240x128xf32, #tpu.memory_space<vmem_shared>> -> memref<10240x128xf32, #tpu.memory_space<vmem_shared>>
    tpu.enqueue_indirect_dma source(%arg11 : memref<80x128xf32, #tpu.memory_space<vmem>>) target(%dma_start3A_262 : memref<10240x128xf32, #tpu.memory_space<vmem_shared>>) offsets(%arg8 : memref<80xi32, #tpu.memory_space<vmem>>) semaphore(%arg20 : memref<!tpu.dma_semaphore, #tpu.memory_space<semaphore_mem>>) {add = true}
    %dma_wait3A_263 = arith.constant 0 : i32
    %dma_wait3A_264 = arith.constant 0 : i32
    %dma_wait3A_265 = tpu.memref_slice %arg22[%dma_wait3A_263, %dma_wait3A_264] : memref<10240x128xf32, #tpu.memory_space<vmem_shared>> -> memref<10240x128xf32, #tpu.memory_space<vmem_shared>>
    tpu.wait_indirect_dma semaphore(%arg19 : memref<!tpu.dma_semaphore, #tpu.memory_space<semaphore_mem>>) src(%arg10 : memref<80x128xf32, #tpu.memory_space<vmem>>) dst(%dma_wait3A_265 : memref<10240x128xf32, #tpu.memory_space<vmem_shared>>)
    %dma_wait3A_266 = arith.constant 0 : i32
    %dma_wait3A_267 = arith.constant 0 : i32
    %dma_wait3A_268 = tpu.memref_slice %arg22[%dma_wait3A_266, %dma_wait3A_267] : memref<10240x128xf32, #tpu.memory_space<vmem_shared>> -> memref<10240x128xf32, #tpu.memory_space<vmem_shared>>
    tpu.wait_indirect_dma semaphore(%arg20 : memref<!tpu.dma_semaphore, #tpu.memory_space<semaphore_mem>>) src(%arg11 : memref<80x128xf32, #tpu.memory_space<vmem>>) dst(%dma_wait3A_268 : memref<10240x128xf32, #tpu.memory_space<vmem_shared>>)
    %dma_wait3A_269 = arith.constant 0 : i32
    %dma_wait3A_270 = arith.constant 0 : i32
    %dma_wait3A_271 = tpu.memref_slice %arg22[%dma_wait3A_269, %dma_wait3A_270] : memref<10240x128xf32, #tpu.memory_space<vmem_shared>> -> memref<10240x128xf32, #tpu.memory_space<vmem_shared>>
    tpu.wait_indirect_dma semaphore(%arg21 : memref<!tpu.dma_semaphore, #tpu.memory_space<semaphore_mem>>) src(%arg12 : memref<80x128xf32, #tpu.memory_space<vmem>>) dst(%dma_wait3A_271 : memref<10240x128xf32, #tpu.memory_space<vmem_shared>>)
    %barrier3A_272 = arith.constant 0 : index
    tpu.barrier barrier_id(%barrier3A_272)
    %mul3A_273 = arith.constant 640 : i32
    %mul3A_274 = arith.muli %arg1, %mul3A_273 : i32
    %add3A_275 = arith.constant 0 : i32
    %add3A_276 = arith.addi %mul3A_274, %add3A_275 : i32
    "tpu.region"() ({
      %run_scoped3A = tpu.sem_alloc : memref<!tpu.dma_semaphore, #tpu.memory_space<semaphore_mem>>
      %dma_start3A_405 = arith.constant 0 : i32
      %dma_start3A_406 = tpu.memref_slice %arg22[%add3A_276, %dma_start3A_405] : memref<10240x128xf32, #tpu.memory_space<vmem_shared>> -> memref<80x128xf32, #tpu.memory_space<vmem_shared>>
      %dma_start3A_407 = arith.constant 0 : i32
      %dma_start3A_408 = tpu.memref_slice %arg22[%add3A_276, %dma_start3A_407] : memref<10240x128xf32, #tpu.memory_space<vmem_shared>> -> memref<80x128xf32, #tpu.memory_space<vmem_shared>>
      tpu.enqueue_dma source(%dma_start3A_408 : memref<80x128xf32, #tpu.memory_space<vmem_shared>>) target(%arg10 : memref<80x128xf32, #tpu.memory_space<vmem>>) target_semaphore(%run_scoped3A : memref<!tpu.dma_semaphore, #tpu.memory_space<semaphore_mem>>)
      %dma_wait3A_409 = arith.constant 0 : i32
      %dma_wait3A_410 = tpu.memref_slice %arg22[%add3A_276, %dma_wait3A_409] : memref<10240x128xf32, #tpu.memory_space<vmem_shared>> -> memref<80x128xf32, #tpu.memory_space<vmem_shared>>
      %dma_wait3A_411 = arith.constant 0 : i32
      %dma_wait3A_412 = tpu.memref_slice %arg22[%add3A_276, %dma_wait3A_411] : memref<10240x128xf32, #tpu.memory_space<vmem_shared>> -> memref<80x128xf32, #tpu.memory_space<vmem_shared>>
      tpu.wait_dma2 semaphore(%run_scoped3A : memref<!tpu.dma_semaphore, #tpu.memory_space<semaphore_mem>>) src(%dma_wait3A_412 : memref<80x128xf32, #tpu.memory_space<vmem_shared>>) dst(%arg10 : memref<80x128xf32, #tpu.memory_space<vmem>>)
      tpu.yield
    }) : () -> ()
    %mul3A_277 = arith.constant 10000 : i32
    %mul3A_278 = arith.muli %arg0, %mul3A_277 : i32
    %mul3A_279 = arith.constant 640 : i32
    %mul3A_280 = arith.muli %arg1, %mul3A_279 : i32
    %add3A_281 = arith.addi %mul3A_278, %mul3A_280 : i32
    %add3A_282 = arith.constant 0 : i32
    %add3A_283 = arith.addi %add3A_281, %add3A_282 : i32
    %dma_start3A_284 = arith.constant 0 : i32
    %dma_start3A_285 = tpu.memref_slice %arg5[%add3A_283, %dma_start3A_284] : memref<20000x128xf32, #tpu.memory_space<hbm>> -> memref<80x128xf32, #tpu.memory_space<hbm>>
    %dma_start3A_286 = arith.constant 0 : i32
    %dma_start3A_287 = tpu.memref_slice %arg5[%add3A_283, %dma_start3A_286] : memref<20000x128xf32, #tpu.memory_space<hbm>> -> memref<80x128xf32, #tpu.memory_space<hbm>>
    tpu.enqueue_dma source(%arg10 : memref<80x128xf32, #tpu.memory_space<vmem>>) target(%dma_start3A_287 : memref<80x128xf32, #tpu.memory_space<hbm>>) target_semaphore(%arg16 : memref<!tpu.dma_semaphore, #tpu.memory_space<semaphore_mem>>)
    %mul3A_288 = arith.constant 640 : i32
    %mul3A_289 = arith.muli %arg1, %mul3A_288 : i32
    %add3A_290 = arith.constant 80 : i32
    %add3A_291 = arith.addi %mul3A_289, %add3A_290 : i32
    "tpu.region"() ({
      %run_scoped3A = tpu.sem_alloc : memref<!tpu.dma_semaphore, #tpu.memory_space<semaphore_mem>>
      %dma_start3A_405 = arith.constant 0 : i32
      %dma_start3A_406 = tpu.memref_slice %arg22[%add3A_291, %dma_start3A_405] : memref<10240x128xf32, #tpu.memory_space<vmem_shared>> -> memref<80x128xf32, #tpu.memory_space<vmem_shared>>
      %dma_start3A_407 = arith.constant 0 : i32
      %dma_start3A_408 = tpu.memref_slice %arg22[%add3A_291, %dma_start3A_407] : memref<10240x128xf32, #tpu.memory_space<vmem_shared>> -> memref<80x128xf32, #tpu.memory_space<vmem_shared>>
      tpu.enqueue_dma source(%dma_start3A_408 : memref<80x128xf32, #tpu.memory_space<vmem_shared>>) target(%arg11 : memref<80x128xf32, #tpu.memory_space<vmem>>) target_semaphore(%run_scoped3A : memref<!tpu.dma_semaphore, #tpu.memory_space<semaphore_mem>>)
      %dma_wait3A_409 = arith.constant 0 : i32
      %dma_wait3A_410 = tpu.memref_slice %arg22[%add3A_291, %dma_wait3A_409] : memref<10240x128xf32, #tpu.memory_space<vmem_shared>> -> memref<80x128xf32, #tpu.memory_space<vmem_shared>>
      %dma_wait3A_411 = arith.constant 0 : i32
      %dma_wait3A_412 = tpu.memref_slice %arg22[%add3A_291, %dma_wait3A_411] : memref<10240x128xf32, #tpu.memory_space<vmem_shared>> -> memref<80x128xf32, #tpu.memory_space<vmem_shared>>
      tpu.wait_dma2 semaphore(%run_scoped3A : memref<!tpu.dma_semaphore, #tpu.memory_space<semaphore_mem>>) src(%dma_wait3A_412 : memref<80x128xf32, #tpu.memory_space<vmem_shared>>) dst(%arg11 : memref<80x128xf32, #tpu.memory_space<vmem>>)
      tpu.yield
    }) : () -> ()
    %mul3A_292 = arith.constant 10000 : i32
    %mul3A_293 = arith.muli %arg0, %mul3A_292 : i32
    %mul3A_294 = arith.constant 640 : i32
    %mul3A_295 = arith.muli %arg1, %mul3A_294 : i32
    %add3A_296 = arith.addi %mul3A_293, %mul3A_295 : i32
    %add3A_297 = arith.constant 80 : i32
    %add3A_298 = arith.addi %add3A_296, %add3A_297 : i32
    %dma_start3A_299 = arith.constant 0 : i32
    %dma_start3A_300 = tpu.memref_slice %arg5[%add3A_298, %dma_start3A_299] : memref<20000x128xf32, #tpu.memory_space<hbm>> -> memref<80x128xf32, #tpu.memory_space<hbm>>
    %dma_start3A_301 = arith.constant 0 : i32
    %dma_start3A_302 = tpu.memref_slice %arg5[%add3A_298, %dma_start3A_301] : memref<20000x128xf32, #tpu.memory_space<hbm>> -> memref<80x128xf32, #tpu.memory_space<hbm>>
    tpu.enqueue_dma source(%arg11 : memref<80x128xf32, #tpu.memory_space<vmem>>) target(%dma_start3A_302 : memref<80x128xf32, #tpu.memory_space<hbm>>) target_semaphore(%arg17 : memref<!tpu.dma_semaphore, #tpu.memory_space<semaphore_mem>>)
    %mul3A_303 = arith.constant 640 : i32
    %mul3A_304 = arith.muli %arg1, %mul3A_303 : i32
    %add3A_305 = arith.constant 160 : i32
    %add3A_306 = arith.addi %mul3A_304, %add3A_305 : i32
    "tpu.region"() ({
      %run_scoped3A = tpu.sem_alloc : memref<!tpu.dma_semaphore, #tpu.memory_space<semaphore_mem>>
      %dma_start3A_405 = arith.constant 0 : i32
      %dma_start3A_406 = tpu.memref_slice %arg22[%add3A_306, %dma_start3A_405] : memref<10240x128xf32, #tpu.memory_space<vmem_shared>> -> memref<80x128xf32, #tpu.memory_space<vmem_shared>>
      %dma_start3A_407 = arith.constant 0 : i32
      %dma_start3A_408 = tpu.memref_slice %arg22[%add3A_306, %dma_start3A_407] : memref<10240x128xf32, #tpu.memory_space<vmem_shared>> -> memref<80x128xf32, #tpu.memory_space<vmem_shared>>
      tpu.enqueue_dma source(%dma_start3A_408 : memref<80x128xf32, #tpu.memory_space<vmem_shared>>) target(%arg12 : memref<80x128xf32, #tpu.memory_space<vmem>>) target_semaphore(%run_scoped3A : memref<!tpu.dma_semaphore, #tpu.memory_space<semaphore_mem>>)
      %dma_wait3A_409 = arith.constant 0 : i32
      %dma_wait3A_410 = tpu.memref_slice %arg22[%add3A_306, %dma_wait3A_409] : memref<10240x128xf32, #tpu.memory_space<vmem_shared>> -> memref<80x128xf32, #tpu.memory_space<vmem_shared>>
      %dma_wait3A_411 = arith.constant 0 : i32
      %dma_wait3A_412 = tpu.memref_slice %arg22[%add3A_306, %dma_wait3A_411] : memref<10240x128xf32, #tpu.memory_space<vmem_shared>> -> memref<80x128xf32, #tpu.memory_space<vmem_shared>>
      tpu.wait_dma2 semaphore(%run_scoped3A : memref<!tpu.dma_semaphore, #tpu.memory_space<semaphore_mem>>) src(%dma_wait3A_412 : memref<80x128xf32, #tpu.memory_space<vmem_shared>>) dst(%arg12 : memref<80x128xf32, #tpu.memory_space<vmem>>)
      tpu.yield
    }) : () -> ()
    %mul3A_307 = arith.constant 10000 : i32
    %mul3A_308 = arith.muli %arg0, %mul3A_307 : i32
    %mul3A_309 = arith.constant 640 : i32
    %mul3A_310 = arith.muli %arg1, %mul3A_309 : i32
    %add3A_311 = arith.addi %mul3A_308, %mul3A_310 : i32
    %add3A_312 = arith.constant 160 : i32
    %add3A_313 = arith.addi %add3A_311, %add3A_312 : i32
    %dma_start3A_314 = arith.constant 0 : i32
    %dma_start3A_315 = tpu.memref_slice %arg5[%add3A_313, %dma_start3A_314] : memref<20000x128xf32, #tpu.memory_space<hbm>> -> memref<80x128xf32, #tpu.memory_space<hbm>>
    %dma_start3A_316 = arith.constant 0 : i32
    %dma_start3A_317 = tpu.memref_slice %arg5[%add3A_313, %dma_start3A_316] : memref<20000x128xf32, #tpu.memory_space<hbm>> -> memref<80x128xf32, #tpu.memory_space<hbm>>
    tpu.enqueue_dma source(%arg12 : memref<80x128xf32, #tpu.memory_space<vmem>>) target(%dma_start3A_317 : memref<80x128xf32, #tpu.memory_space<hbm>>) target_semaphore(%arg18 : memref<!tpu.dma_semaphore, #tpu.memory_space<semaphore_mem>>)
    %mul3A_318 = arith.constant 10000 : i32
    %mul3A_319 = arith.muli %arg0, %mul3A_318 : i32
    %mul3A_320 = arith.constant 640 : i32
    %mul3A_321 = arith.muli %arg1, %mul3A_320 : i32
    %add3A_322 = arith.addi %mul3A_319, %mul3A_321 : i32
    %dma_wait3A_323 = arith.constant 0 : i32
    %dma_wait3A_324 = tpu.memref_slice %arg5[%add3A_322, %dma_wait3A_323] : memref<20000x128xf32, #tpu.memory_space<hbm>> -> memref<80x128xf32, #tpu.memory_space<hbm>>
    %dma_wait3A_325 = arith.constant 0 : i32
    %dma_wait3A_326 = tpu.memref_slice %arg5[%add3A_322, %dma_wait3A_325] : memref<20000x128xf32, #tpu.memory_space<hbm>> -> memref<80x128xf32, #tpu.memory_space<hbm>>
    tpu.wait_dma2 semaphore(%arg16 : memref<!tpu.dma_semaphore, #tpu.memory_space<semaphore_mem>>) src(%arg10 : memref<80x128xf32, #tpu.memory_space<vmem>>) dst(%dma_wait3A_326 : memref<80x128xf32, #tpu.memory_space<hbm>>)
    %mul3A_327 = arith.constant 640 : i32
    %mul3A_328 = arith.muli %arg1, %mul3A_327 : i32
    %add3A_329 = arith.constant 240 : i32
    %add3A_330 = arith.addi %mul3A_328, %add3A_329 : i32
    "tpu.region"() ({
      %run_scoped3A = tpu.sem_alloc : memref<!tpu.dma_semaphore, #tpu.memory_space<semaphore_mem>>
      %dma_start3A_405 = arith.constant 0 : i32
      %dma_start3A_406 = tpu.memref_slice %arg22[%add3A_330, %dma_start3A_405] : memref<10240x128xf32, #tpu.memory_space<vmem_shared>> -> memref<80x128xf32, #tpu.memory_space<vmem_shared>>
      %dma_start3A_407 = arith.constant 0 : i32
      %dma_start3A_408 = tpu.memref_slice %arg22[%add3A_330, %dma_start3A_407] : memref<10240x128xf32, #tpu.memory_space<vmem_shared>> -> memref<80x128xf32, #tpu.memory_space<vmem_shared>>
      tpu.enqueue_dma source(%dma_start3A_408 : memref<80x128xf32, #tpu.memory_space<vmem_shared>>) target(%arg10 : memref<80x128xf32, #tpu.memory_space<vmem>>) target_semaphore(%run_scoped3A : memref<!tpu.dma_semaphore, #tpu.memory_space<semaphore_mem>>)
      %dma_wait3A_409 = arith.constant 0 : i32
      %dma_wait3A_410 = tpu.memref_slice %arg22[%add3A_330, %dma_wait3A_409] : memref<10240x128xf32, #tpu.memory_space<vmem_shared>> -> memref<80x128xf32, #tpu.memory_space<vmem_shared>>
      %dma_wait3A_411 = arith.constant 0 : i32
      %dma_wait3A_412 = tpu.memref_slice %arg22[%add3A_330, %dma_wait3A_411] : memref<10240x128xf32, #tpu.memory_space<vmem_shared>> -> memref<80x128xf32, #tpu.memory_space<vmem_shared>>
      tpu.wait_dma2 semaphore(%run_scoped3A : memref<!tpu.dma_semaphore, #tpu.memory_space<semaphore_mem>>) src(%dma_wait3A_412 : memref<80x128xf32, #tpu.memory_space<vmem_shared>>) dst(%arg10 : memref<80x128xf32, #tpu.memory_space<vmem>>)
      tpu.yield
    }) : () -> ()
    %mul3A_331 = arith.constant 10000 : i32
    %mul3A_332 = arith.muli %arg0, %mul3A_331 : i32
    %mul3A_333 = arith.constant 640 : i32
    %mul3A_334 = arith.muli %arg1, %mul3A_333 : i32
    %add3A_335 = arith.addi %mul3A_332, %mul3A_334 : i32
    %add3A_336 = arith.constant 240 : i32
    %add3A_337 = arith.addi %add3A_335, %add3A_336 : i32
    %dma_start3A_338 = arith.constant 0 : i32
    %dma_start3A_339 = tpu.memref_slice %arg5[%add3A_337, %dma_start3A_338] : memref<20000x128xf32, #tpu.memory_space<hbm>> -> memref<80x128xf32, #tpu.memory_space<hbm>>
    %dma_start3A_340 = arith.constant 0 : i32
    %dma_start3A_341 = tpu.memref_slice %arg5[%add3A_337, %dma_start3A_340] : memref<20000x128xf32, #tpu.memory_space<hbm>> -> memref<80x128xf32, #tpu.memory_space<hbm>>
    tpu.enqueue_dma source(%arg10 : memref<80x128xf32, #tpu.memory_space<vmem>>) target(%dma_start3A_341 : memref<80x128xf32, #tpu.memory_space<hbm>>) target_semaphore(%arg16 : memref<!tpu.dma_semaphore, #tpu.memory_space<semaphore_mem>>)
    %mul3A_342 = arith.constant 10000 : i32
    %mul3A_343 = arith.muli %arg0, %mul3A_342 : i32
    %mul3A_344 = arith.constant 640 : i32
    %mul3A_345 = arith.muli %arg1, %mul3A_344 : i32
    %add3A_346 = arith.addi %mul3A_343, %mul3A_345 : i32
    %dma_wait3A_347 = arith.constant 0 : i32
    %dma_wait3A_348 = tpu.memref_slice %arg5[%add3A_346, %dma_wait3A_347] : memref<20000x128xf32, #tpu.memory_space<hbm>> -> memref<80x128xf32, #tpu.memory_space<hbm>>
    %dma_wait3A_349 = arith.constant 0 : i32
    %dma_wait3A_350 = tpu.memref_slice %arg5[%add3A_346, %dma_wait3A_349] : memref<20000x128xf32, #tpu.memory_space<hbm>> -> memref<80x128xf32, #tpu.memory_space<hbm>>
    tpu.wait_dma2 semaphore(%arg17 : memref<!tpu.dma_semaphore, #tpu.memory_space<semaphore_mem>>) src(%arg11 : memref<80x128xf32, #tpu.memory_space<vmem>>) dst(%dma_wait3A_350 : memref<80x128xf32, #tpu.memory_space<hbm>>)
    %mul3A_351 = arith.constant 640 : i32
    %mul3A_352 = arith.muli %arg1, %mul3A_351 : i32
    %add3A_353 = arith.constant 320 : i32
    %add3A_354 = arith.addi %mul3A_352, %add3A_353 : i32
    "tpu.region"() ({
      %run_scoped3A = tpu.sem_alloc : memref<!tpu.dma_semaphore, #tpu.memory_space<semaphore_mem>>
      %dma_start3A_405 = arith.constant 0 : i32
      %dma_start3A_406 = tpu.memref_slice %arg22[%add3A_354, %dma_start3A_405] : memref<10240x128xf32, #tpu.memory_space<vmem_shared>> -> memref<80x128xf32, #tpu.memory_space<vmem_shared>>
      %dma_start3A_407 = arith.constant 0 : i32
      %dma_start3A_408 = tpu.memref_slice %arg22[%add3A_354, %dma_start3A_407] : memref<10240x128xf32, #tpu.memory_space<vmem_shared>> -> memref<80x128xf32, #tpu.memory_space<vmem_shared>>
      tpu.enqueue_dma source(%dma_start3A_408 : memref<80x128xf32, #tpu.memory_space<vmem_shared>>) target(%arg11 : memref<80x128xf32, #tpu.memory_space<vmem>>) target_semaphore(%run_scoped3A : memref<!tpu.dma_semaphore, #tpu.memory_space<semaphore_mem>>)
      %dma_wait3A_409 = arith.constant 0 : i32
      %dma_wait3A_410 = tpu.memref_slice %arg22[%add3A_354, %dma_wait3A_409] : memref<10240x128xf32, #tpu.memory_space<vmem_shared>> -> memref<80x128xf32, #tpu.memory_space<vmem_shared>>
      %dma_wait3A_411 = arith.constant 0 : i32
      %dma_wait3A_412 = tpu.memref_slice %arg22[%add3A_354, %dma_wait3A_411] : memref<10240x128xf32, #tpu.memory_space<vmem_shared>> -> memref<80x128xf32, #tpu.memory_space<vmem_shared>>
      tpu.wait_dma2 semaphore(%run_scoped3A : memref<!tpu.dma_semaphore, #tpu.memory_space<semaphore_mem>>) src(%dma_wait3A_412 : memref<80x128xf32, #tpu.memory_space<vmem_shared>>) dst(%arg11 : memref<80x128xf32, #tpu.memory_space<vmem>>)
      tpu.yield
    }) : () -> ()
    %mul3A_355 = arith.constant 10000 : i32
    %mul3A_356 = arith.muli %arg0, %mul3A_355 : i32
    %mul3A_357 = arith.constant 640 : i32
    %mul3A_358 = arith.muli %arg1, %mul3A_357 : i32
    %add3A_359 = arith.addi %mul3A_356, %mul3A_358 : i32
    %add3A_360 = arith.constant 320 : i32
    %add3A_361 = arith.addi %add3A_359, %add3A_360 : i32
    %dma_start3A_362 = arith.constant 0 : i32
    %dma_start3A_363 = tpu.memref_slice %arg5[%add3A_361, %dma_start3A_362] : memref<20000x128xf32, #tpu.memory_space<hbm>> -> memref<80x128xf32, #tpu.memory_space<hbm>>
    %dma_start3A_364 = arith.constant 0 : i32
    %dma_start3A_365 = tpu.memref_slice %arg5[%add3A_361, %dma_start3A_364] : memref<20000x128xf32, #tpu.memory_space<hbm>> -> memref<80x128xf32, #tpu.memory_space<hbm>>
    tpu.enqueue_dma source(%arg11 : memref<80x128xf32, #tpu.memory_space<vmem>>) target(%dma_start3A_365 : memref<80x128xf32, #tpu.memory_space<hbm>>) target_semaphore(%arg17 : memref<!tpu.dma_semaphore, #tpu.memory_space<semaphore_mem>>)
    %lt3A = arith.constant 15 : i32
    %lt3A_366 = arith.cmpi slt, %arg1, %lt3A : i32
    %convert_element_type3A = arith.extui %lt3A_366 : i1 to i32
    %cond3A = arith.constant 0 : i32
    %cond3A_367 = arith.cmpi ne, %convert_element_type3A, %cond3A : i32
    scf.if %cond3A_367 {
      %mul3A_405 = arith.constant 10000 : i32
      %mul3A_406 = arith.muli %arg0, %mul3A_405 : i32
      %mul3A_407 = arith.constant 640 : i32
      %mul3A_408 = arith.muli %arg1, %mul3A_407 : i32
      %add3A_409 = arith.addi %mul3A_406, %mul3A_408 : i32
      %dma_wait3A_410 = arith.constant 0 : i32
      %dma_wait3A_411 = tpu.memref_slice %arg5[%add3A_409, %dma_wait3A_410] : memref<20000x128xf32, #tpu.memory_space<hbm>> -> memref<80x128xf32, #tpu.memory_space<hbm>>
      %dma_wait3A_412 = arith.constant 0 : i32
      %dma_wait3A_413 = tpu.memref_slice %arg5[%add3A_409, %dma_wait3A_412] : memref<20000x128xf32, #tpu.memory_space<hbm>> -> memref<80x128xf32, #tpu.memory_space<hbm>>
      tpu.wait_dma2 semaphore(%arg18 : memref<!tpu.dma_semaphore, #tpu.memory_space<semaphore_mem>>) src(%arg12 : memref<80x128xf32, #tpu.memory_space<vmem>>) dst(%dma_wait3A_413 : memref<80x128xf32, #tpu.memory_space<hbm>>)
      %mul3A_414 = arith.constant 640 : i32
      %mul3A_415 = arith.muli %arg1, %mul3A_414 : i32
      %add3A_416 = arith.constant 400 : i32
      %add3A_417 = arith.addi %mul3A_415, %add3A_416 : i32
      "tpu.region"() ({
        %run_scoped3A = tpu.sem_alloc : memref<!tpu.dma_semaphore, #tpu.memory_space<semaphore_mem>>
        %dma_start3A_429 = arith.constant 0 : i32
        %dma_start3A_430 = tpu.memref_slice %arg22[%add3A_417, %dma_start3A_429] : memref<10240x128xf32, #tpu.memory_space<vmem_shared>> -> memref<80x128xf32, #tpu.memory_space<vmem_shared>>
        %dma_start3A_431 = arith.constant 0 : i32
        %dma_start3A_432 = tpu.memref_slice %arg22[%add3A_417, %dma_start3A_431] : memref<10240x128xf32, #tpu.memory_space<vmem_shared>> -> memref<80x128xf32, #tpu.memory_space<vmem_shared>>
        tpu.enqueue_dma source(%dma_start3A_432 : memref<80x128xf32, #tpu.memory_space<vmem_shared>>) target(%arg12 : memref<80x128xf32, #tpu.memory_space<vmem>>) target_semaphore(%run_scoped3A : memref<!tpu.dma_semaphore, #tpu.memory_space<semaphore_mem>>)
        %dma_wait3A_433 = arith.constant 0 : i32
        %dma_wait3A_434 = tpu.memref_slice %arg22[%add3A_417, %dma_wait3A_433] : memref<10240x128xf32, #tpu.memory_space<vmem_shared>> -> memref<80x128xf32, #tpu.memory_space<vmem_shared>>
        %dma_wait3A_435 = arith.constant 0 : i32
        %dma_wait3A_436 = tpu.memref_slice %arg22[%add3A_417, %dma_wait3A_435] : memref<10240x128xf32, #tpu.memory_space<vmem_shared>> -> memref<80x128xf32, #tpu.memory_space<vmem_shared>>
        tpu.wait_dma2 semaphore(%run_scoped3A : memref<!tpu.dma_semaphore, #tpu.memory_space<semaphore_mem>>) src(%dma_wait3A_436 : memref<80x128xf32, #tpu.memory_space<vmem_shared>>) dst(%arg12 : memref<80x128xf32, #tpu.memory_space<vmem>>)
        tpu.yield
      }) : () -> ()
      %mul3A_418 = arith.constant 10000 : i32
      %mul3A_419 = arith.muli %arg0, %mul3A_418 : i32
      %mul3A_420 = arith.constant 640 : i32
      %mul3A_421 = arith.muli %arg1, %mul3A_420 : i32
      %add3A_422 = arith.addi %mul3A_419, %mul3A_421 : i32
      %add3A_423 = arith.constant 400 : i32
      %add3A_424 = arith.addi %add3A_422, %add3A_423 : i32
      %dma_start3A_425 = arith.constant 0 : i32
      %dma_start3A_426 = tpu.memref_slice %arg5[%add3A_424, %dma_start3A_425] : memref<20000x128xf32, #tpu.memory_space<hbm>> -> memref<80x128xf32, #tpu.memory_space<hbm>>
      %dma_start3A_427 = arith.constant 0 : i32
      %dma_start3A_428 = tpu.memref_slice %arg5[%add3A_424, %dma_start3A_427] : memref<20000x128xf32, #tpu.memory_space<hbm>> -> memref<80x128xf32, #tpu.memory_space<hbm>>
      tpu.enqueue_dma source(%arg12 : memref<80x128xf32, #tpu.memory_space<vmem>>) target(%dma_start3A_428 : memref<80x128xf32, #tpu.memory_space<hbm>>) target_semaphore(%arg18 : memref<!tpu.dma_semaphore, #tpu.memory_space<semaphore_mem>>)
    } else {
    }
    %lt3A_368 = arith.constant 15 : i32
    %lt3A_369 = arith.cmpi slt, %arg1, %lt3A_368 : i32
    %convert_element_type3A_370 = arith.extui %lt3A_369 : i1 to i32
    %cond3A_371 = arith.constant 0 : i32
    %cond3A_372 = arith.cmpi ne, %convert_element_type3A_370, %cond3A_371 : i32
    scf.if %cond3A_372 {
      %mul3A_405 = arith.constant 10000 : i32
      %mul3A_406 = arith.muli %arg0, %mul3A_405 : i32
      %mul3A_407 = arith.constant 640 : i32
      %mul3A_408 = arith.muli %arg1, %mul3A_407 : i32
      %add3A_409 = arith.addi %mul3A_406, %mul3A_408 : i32
      %dma_wait3A_410 = arith.constant 0 : i32
      %dma_wait3A_411 = tpu.memref_slice %arg5[%add3A_409, %dma_wait3A_410] : memref<20000x128xf32, #tpu.memory_space<hbm>> -> memref<80x128xf32, #tpu.memory_space<hbm>>
      %dma_wait3A_412 = arith.constant 0 : i32
      %dma_wait3A_413 = tpu.memref_slice %arg5[%add3A_409, %dma_wait3A_412] : memref<20000x128xf32, #tpu.memory_space<hbm>> -> memref<80x128xf32, #tpu.memory_space<hbm>>
      tpu.wait_dma2 semaphore(%arg16 : memref<!tpu.dma_semaphore, #tpu.memory_space<semaphore_mem>>) src(%arg10 : memref<80x128xf32, #tpu.memory_space<vmem>>) dst(%dma_wait3A_413 : memref<80x128xf32, #tpu.memory_space<hbm>>)
      %mul3A_414 = arith.constant 640 : i32
      %mul3A_415 = arith.muli %arg1, %mul3A_414 : i32
      %add3A_416 = arith.constant 480 : i32
      %add3A_417 = arith.addi %mul3A_415, %add3A_416 : i32
      "tpu.region"() ({
        %run_scoped3A = tpu.sem_alloc : memref<!tpu.dma_semaphore, #tpu.memory_space<semaphore_mem>>
        %dma_start3A_429 = arith.constant 0 : i32
        %dma_start3A_430 = tpu.memref_slice %arg22[%add3A_417, %dma_start3A_429] : memref<10240x128xf32, #tpu.memory_space<vmem_shared>> -> memref<80x128xf32, #tpu.memory_space<vmem_shared>>
        %dma_start3A_431 = arith.constant 0 : i32
        %dma_start3A_432 = tpu.memref_slice %arg22[%add3A_417, %dma_start3A_431] : memref<10240x128xf32, #tpu.memory_space<vmem_shared>> -> memref<80x128xf32, #tpu.memory_space<vmem_shared>>
        tpu.enqueue_dma source(%dma_start3A_432 : memref<80x128xf32, #tpu.memory_space<vmem_shared>>) target(%arg10 : memref<80x128xf32, #tpu.memory_space<vmem>>) target_semaphore(%run_scoped3A : memref<!tpu.dma_semaphore, #tpu.memory_space<semaphore_mem>>)
        %dma_wait3A_433 = arith.constant 0 : i32
        %dma_wait3A_434 = tpu.memref_slice %arg22[%add3A_417, %dma_wait3A_433] : memref<10240x128xf32, #tpu.memory_space<vmem_shared>> -> memref<80x128xf32, #tpu.memory_space<vmem_shared>>
        %dma_wait3A_435 = arith.constant 0 : i32
        %dma_wait3A_436 = tpu.memref_slice %arg22[%add3A_417, %dma_wait3A_435] : memref<10240x128xf32, #tpu.memory_space<vmem_shared>> -> memref<80x128xf32, #tpu.memory_space<vmem_shared>>
        tpu.wait_dma2 semaphore(%run_scoped3A : memref<!tpu.dma_semaphore, #tpu.memory_space<semaphore_mem>>) src(%dma_wait3A_436 : memref<80x128xf32, #tpu.memory_space<vmem_shared>>) dst(%arg10 : memref<80x128xf32, #tpu.memory_space<vmem>>)
        tpu.yield
      }) : () -> ()
      %mul3A_418 = arith.constant 10000 : i32
      %mul3A_419 = arith.muli %arg0, %mul3A_418 : i32
      %mul3A_420 = arith.constant 640 : i32
      %mul3A_421 = arith.muli %arg1, %mul3A_420 : i32
      %add3A_422 = arith.addi %mul3A_419, %mul3A_421 : i32
      %add3A_423 = arith.constant 480 : i32
      %add3A_424 = arith.addi %add3A_422, %add3A_423 : i32
      %dma_start3A_425 = arith.constant 0 : i32
      %dma_start3A_426 = tpu.memref_slice %arg5[%add3A_424, %dma_start3A_425] : memref<20000x128xf32, #tpu.memory_space<hbm>> -> memref<80x128xf32, #tpu.memory_space<hbm>>
      %dma_start3A_427 = arith.constant 0 : i32
      %dma_start3A_428 = tpu.memref_slice %arg5[%add3A_424, %dma_start3A_427] : memref<20000x128xf32, #tpu.memory_space<hbm>> -> memref<80x128xf32, #tpu.memory_space<hbm>>
      tpu.enqueue_dma source(%arg10 : memref<80x128xf32, #tpu.memory_space<vmem>>) target(%dma_start3A_428 : memref<80x128xf32, #tpu.memory_space<hbm>>) target_semaphore(%arg16 : memref<!tpu.dma_semaphore, #tpu.memory_space<semaphore_mem>>)
    } else {
    }
    %lt3A_373 = arith.constant 15 : i32
    %lt3A_374 = arith.cmpi slt, %arg1, %lt3A_373 : i32
    %convert_element_type3A_375 = arith.extui %lt3A_374 : i1 to i32
    %cond3A_376 = arith.constant 0 : i32
    %cond3A_377 = arith.cmpi ne, %convert_element_type3A_375, %cond3A_376 : i32
    scf.if %cond3A_377 {
      %mul3A_405 = arith.constant 10000 : i32
      %mul3A_406 = arith.muli %arg0, %mul3A_405 : i32
      %mul3A_407 = arith.constant 640 : i32
      %mul3A_408 = arith.muli %arg1, %mul3A_407 : i32
      %add3A_409 = arith.addi %mul3A_406, %mul3A_408 : i32
      %dma_wait3A_410 = arith.constant 0 : i32
      %dma_wait3A_411 = tpu.memref_slice %arg5[%add3A_409, %dma_wait3A_410] : memref<20000x128xf32, #tpu.memory_space<hbm>> -> memref<80x128xf32, #tpu.memory_space<hbm>>
      %dma_wait3A_412 = arith.constant 0 : i32
      %dma_wait3A_413 = tpu.memref_slice %arg5[%add3A_409, %dma_wait3A_412] : memref<20000x128xf32, #tpu.memory_space<hbm>> -> memref<80x128xf32, #tpu.memory_space<hbm>>
      tpu.wait_dma2 semaphore(%arg17 : memref<!tpu.dma_semaphore, #tpu.memory_space<semaphore_mem>>) src(%arg11 : memref<80x128xf32, #tpu.memory_space<vmem>>) dst(%dma_wait3A_413 : memref<80x128xf32, #tpu.memory_space<hbm>>)
      %mul3A_414 = arith.constant 640 : i32
      %mul3A_415 = arith.muli %arg1, %mul3A_414 : i32
      %add3A_416 = arith.constant 560 : i32
      %add3A_417 = arith.addi %mul3A_415, %add3A_416 : i32
      "tpu.region"() ({
        %run_scoped3A = tpu.sem_alloc : memref<!tpu.dma_semaphore, #tpu.memory_space<semaphore_mem>>
        %dma_start3A_429 = arith.constant 0 : i32
        %dma_start3A_430 = tpu.memref_slice %arg22[%add3A_417, %dma_start3A_429] : memref<10240x128xf32, #tpu.memory_space<vmem_shared>> -> memref<80x128xf32, #tpu.memory_space<vmem_shared>>
        %dma_start3A_431 = arith.constant 0 : i32
        %dma_start3A_432 = tpu.memref_slice %arg22[%add3A_417, %dma_start3A_431] : memref<10240x128xf32, #tpu.memory_space<vmem_shared>> -> memref<80x128xf32, #tpu.memory_space<vmem_shared>>
        tpu.enqueue_dma source(%dma_start3A_432 : memref<80x128xf32, #tpu.memory_space<vmem_shared>>) target(%arg11 : memref<80x128xf32, #tpu.memory_space<vmem>>) target_semaphore(%run_scoped3A : memref<!tpu.dma_semaphore, #tpu.memory_space<semaphore_mem>>)
        %dma_wait3A_433 = arith.constant 0 : i32
        %dma_wait3A_434 = tpu.memref_slice %arg22[%add3A_417, %dma_wait3A_433] : memref<10240x128xf32, #tpu.memory_space<vmem_shared>> -> memref<80x128xf32, #tpu.memory_space<vmem_shared>>
        %dma_wait3A_435 = arith.constant 0 : i32
        %dma_wait3A_436 = tpu.memref_slice %arg22[%add3A_417, %dma_wait3A_435] : memref<10240x128xf32, #tpu.memory_space<vmem_shared>> -> memref<80x128xf32, #tpu.memory_space<vmem_shared>>
        tpu.wait_dma2 semaphore(%run_scoped3A : memref<!tpu.dma_semaphore, #tpu.memory_space<semaphore_mem>>) src(%dma_wait3A_436 : memref<80x128xf32, #tpu.memory_space<vmem_shared>>) dst(%arg11 : memref<80x128xf32, #tpu.memory_space<vmem>>)
        tpu.yield
      }) : () -> ()
      %mul3A_418 = arith.constant 10000 : i32
      %mul3A_419 = arith.muli %arg0, %mul3A_418 : i32
      %mul3A_420 = arith.constant 640 : i32
      %mul3A_421 = arith.muli %arg1, %mul3A_420 : i32
      %add3A_422 = arith.addi %mul3A_419, %mul3A_421 : i32
      %add3A_423 = arith.constant 560 : i32
      %add3A_424 = arith.addi %add3A_422, %add3A_423 : i32
      %dma_start3A_425 = arith.constant 0 : i32
      %dma_start3A_426 = tpu.memref_slice %arg5[%add3A_424, %dma_start3A_425] : memref<20000x128xf32, #tpu.memory_space<hbm>> -> memref<80x128xf32, #tpu.memory_space<hbm>>
      %dma_start3A_427 = arith.constant 0 : i32
      %dma_start3A_428 = tpu.memref_slice %arg5[%add3A_424, %dma_start3A_427] : memref<20000x128xf32, #tpu.memory_space<hbm>> -> memref<80x128xf32, #tpu.memory_space<hbm>>
      tpu.enqueue_dma source(%arg11 : memref<80x128xf32, #tpu.memory_space<vmem>>) target(%dma_start3A_428 : memref<80x128xf32, #tpu.memory_space<hbm>>) target_semaphore(%arg17 : memref<!tpu.dma_semaphore, #tpu.memory_space<semaphore_mem>>)
    } else {
    }
    %mul3A_378 = arith.constant 10000 : i32
    %mul3A_379 = arith.muli %arg0, %mul3A_378 : i32
    %mul3A_380 = arith.constant 640 : i32
    %mul3A_381 = arith.muli %arg1, %mul3A_380 : i32
    %add3A_382 = arith.addi %mul3A_379, %mul3A_381 : i32
    %dma_wait3A_383 = arith.constant 0 : i32
    %dma_wait3A_384 = tpu.memref_slice %arg5[%add3A_382, %dma_wait3A_383] : memref<20000x128xf32, #tpu.memory_space<hbm>> -> memref<80x128xf32, #tpu.memory_space<hbm>>
    %dma_wait3A_385 = arith.constant 0 : i32
    %dma_wait3A_386 = tpu.memref_slice %arg5[%add3A_382, %dma_wait3A_385] : memref<20000x128xf32, #tpu.memory_space<hbm>> -> memref<80x128xf32, #tpu.memory_space<hbm>>
    tpu.wait_dma2 semaphore(%arg16 : memref<!tpu.dma_semaphore, #tpu.memory_space<semaphore_mem>>) src(%arg10 : memref<80x128xf32, #tpu.memory_space<vmem>>) dst(%dma_wait3A_386 : memref<80x128xf32, #tpu.memory_space<hbm>>)
    %mul3A_387 = arith.constant 10000 : i32
    %mul3A_388 = arith.muli %arg0, %mul3A_387 : i32
    %mul3A_389 = arith.constant 640 : i32
    %mul3A_390 = arith.muli %arg1, %mul3A_389 : i32
    %add3A_391 = arith.addi %mul3A_388, %mul3A_390 : i32
    %dma_wait3A_392 = arith.constant 0 : i32
    %dma_wait3A_393 = tpu.memref_slice %arg5[%add3A_391, %dma_wait3A_392] : memref<20000x128xf32, #tpu.memory_space<hbm>> -> memref<80x128xf32, #tpu.memory_space<hbm>>
    %dma_wait3A_394 = arith.constant 0 : i32
    %dma_wait3A_395 = tpu.memref_slice %arg5[%add3A_391, %dma_wait3A_394] : memref<20000x128xf32, #tpu.memory_space<hbm>> -> memref<80x128xf32, #tpu.memory_space<hbm>>
    tpu.wait_dma2 semaphore(%arg17 : memref<!tpu.dma_semaphore, #tpu.memory_space<semaphore_mem>>) src(%arg11 : memref<80x128xf32, #tpu.memory_space<vmem>>) dst(%dma_wait3A_395 : memref<80x128xf32, #tpu.memory_space<hbm>>)
    %mul3A_396 = arith.constant 10000 : i32
    %mul3A_397 = arith.muli %arg0, %mul3A_396 : i32
    %mul3A_398 = arith.constant 640 : i32
    %mul3A_399 = arith.muli %arg1, %mul3A_398 : i32
    %add3A_400 = arith.addi %mul3A_397, %mul3A_399 : i32
    %dma_wait3A_401 = arith.constant 0 : i32
    %dma_wait3A_402 = tpu.memref_slice %arg5[%add3A_400, %dma_wait3A_401] : memref<20000x128xf32, #tpu.memory_space<hbm>> -> memref<80x128xf32, #tpu.memory_space<hbm>>
    %dma_wait3A_403 = arith.constant 0 : i32
    %dma_wait3A_404 = tpu.memref_slice %arg5[%add3A_400, %dma_wait3A_403] : memref<20000x128xf32, #tpu.memory_space<hbm>> -> memref<80x128xf32, #tpu.memory_space<hbm>>
    tpu.wait_dma2 semaphore(%arg18 : memref<!tpu.dma_semaphore, #tpu.memory_space<semaphore_mem>>) src(%arg12 : memref<80x128xf32, #tpu.memory_space<vmem>>) dst(%dma_wait3A_404 : memref<80x128xf32, #tpu.memory_space<hbm>>)
    return
  }
}

module attributes {stable_mosaic.version = 14 : i64} {
  func.func @_tc_split_body(%arg0: i32, %arg1: memref<2x320000xi32, #tpu.memory_space<vmem>>, %arg2: memref<320000xi32, #tpu.memory_space<vmem>>, %arg3: memref<320000xi32, #tpu.memory_space<vmem>>) attributes {dimension_semantics = [#tpu.dimension_semantics<arbitrary>], iteration_bounds = array<i64: 1>, scalar_prefetch = 0 : i64, scratch_operands = 0 : i64, tpu.core_type = #tpu.core_type<tc>, window_params = [{pipeline_mode = #tpu.pipeline_mode<synchronous>, transform_indices = @transform_0, window_bounds = array<i64: 2, 320000>}, {pipeline_mode = #tpu.pipeline_mode<synchronous>, transform_indices = @transform_1, window_bounds = array<i64: 320000>}, {pipeline_mode = #tpu.pipeline_mode<synchronous>, transform_indices = @transform_2, window_bounds = array<i64: 320000>}]} {
    %get3A = arith.constant 0 : index
    %get3A_0 = arith.constant 0 : index
    %get3A_1 = vector.load %arg1[%get3A, %get3A_0] : memref<2x320000xi32, #tpu.memory_space<vmem>>, vector<1x320000xi32>
    %get3A_2 = vector.shape_cast %get3A_1 : vector<1x320000xi32> to vector<320000xi32>
    %swap3A = arith.constant 0 : index
    %swap3A_3 = vector.load %arg2[%swap3A] : memref<320000xi32, #tpu.memory_space<vmem>>, vector<320000xi32>
    tpu.vector_store %arg2[%swap3A], %get3A_2 {strides = array<i32>} : memref<320000xi32, #tpu.memory_space<vmem>>, vector<320000xi32>,
    %get3A_4 = arith.constant 1 : index
    %get3A_5 = arith.constant 0 : index
    %get3A_6 = vector.load %arg1[%get3A_4, %get3A_5] : memref<2x320000xi32, #tpu.memory_space<vmem>>, vector<1x320000xi32>
    %get3A_7 = vector.shape_cast %get3A_6 : vector<1x320000xi32> to vector<320000xi32>
    %swap3A_8 = arith.constant 0 : index
    %swap3A_9 = vector.load %arg3[%swap3A_8] : memref<320000xi32, #tpu.memory_space<vmem>>, vector<320000xi32>
    tpu.vector_store %arg3[%swap3A_8], %get3A_7 {strides = array<i32>} : memref<320000xi32, #tpu.memory_space<vmem>>, vector<320000xi32>,
    return
  }
  func.func @transform_0(%arg0: i32) -> (i32, i32) {
    %c0_i32 = arith.constant 0 : i32
    %c0_i32_0 = arith.constant 0 : i32
    %c0_i32_1 = arith.constant 0 : i32
    return %c0_i32, %c0_i32_0 : i32, i32
  }
  func.func @transform_1(%arg0: i32) -> i32 {
    %c0_i32 = arith.constant 0 : i32
    %c0_i32_0 = arith.constant 0 : i32
    return %c0_i32 : i32
  }
  func.func @transform_2(%arg0: i32) -> i32 {
    %c0_i32 = arith.constant 0 : i32
    %c0_i32_0 = arith.constant 0 : i32
    return %c0_i32 : i32
  }
}

module attributes {stable_mosaic.version = 14 : i64} {
  func.func @_tc_hw_body(%arg0: i32, %arg1: memref<2000x128xf32, #tpu.memory_space<vmem>>, %arg2: memref<2000x2xf32, #tpu.memory_space<vmem>>, %arg3: memref<128x128xf32, #tpu.memory_space<vmem>>, %arg4: memref<1x128xf32, #tpu.memory_space<vmem>>, %arg5: memref<2x32xf32, #tpu.memory_space<vmem>>, %arg6: memref<1x32xf32, #tpu.memory_space<vmem>>, %arg7: memref<128x128xf32, #tpu.memory_space<vmem>>, %arg8: memref<32x128xf32, #tpu.memory_space<vmem>>, %arg9: memref<2000x128xf32, #tpu.memory_space<vmem>>) attributes {dimension_semantics = [#tpu.dimension_semantics<arbitrary>], iteration_bounds = array<i64: 5>, scalar_prefetch = 0 : i64, scratch_operands = 0 : i64, tpu.core_type = #tpu.core_type<tc>, window_params = [{transform_indices = @transform_0, window_bounds = array<i64: 2000, 128>}, {transform_indices = @transform_1, window_bounds = array<i64: 2000, 2>}, {pipeline_mode = #tpu.pipeline_mode<synchronous>, transform_indices = @transform_2, window_bounds = array<i64: 128, 128>}, {pipeline_mode = #tpu.pipeline_mode<synchronous>, transform_indices = @transform_3, window_bounds = array<i64: 1, 128>}, {pipeline_mode = #tpu.pipeline_mode<synchronous>, transform_indices = @transform_4, window_bounds = array<i64: 2, 32>}, {pipeline_mode = #tpu.pipeline_mode<synchronous>, transform_indices = @transform_5, window_bounds = array<i64: 1, 32>}, {pipeline_mode = #tpu.pipeline_mode<synchronous>, transform_indices = @transform_6, window_bounds = array<i64: 128, 128>}, {pipeline_mode = #tpu.pipeline_mode<synchronous>, transform_indices = @transform_7, window_bounds = array<i64: 32, 128>}, {transform_indices = @transform_8, window_bounds = array<i64: 2000, 128>}]} {
    %get3A = arith.constant 0 : index
    %get3A_0 = arith.constant 0 : index
    %get3A_1 = vector.load %arg1[%get3A, %get3A_0] : memref<2000x128xf32, #tpu.memory_space<vmem>>, vector<2000x128xf32>
    %get3A_2 = arith.constant 0 : index
    %get3A_3 = arith.constant 0 : index
    %get3A_4 = vector.load %arg3[%get3A_2, %get3A_3] : memref<128x128xf32, #tpu.memory_space<vmem>>, vector<128x128xf32>
    %dot_general3A = arith.constant dense<0.000000e+00> : vector<2000x128xf32>
    %dot_general3A_5 = tpu.matmul %get3A_1, %get3A_4, %dot_general3A {dimension_numbers = #tpu.dot_dimension_numbers<[1], [0], [0], [1], [0, 0, 1, 1], [], []>, transpose_lhs_hint = false} : vector<2000x128xf32>, vector<128x128xf32>, vector<2000x128xf32> -> vector<2000x128xf32>
    %get3A_6 = arith.constant 0 : index
    %get3A_7 = arith.constant 0 : index
    %get3A_8 = vector.load %arg4[%get3A_6, %get3A_7] : memref<1x128xf32, #tpu.memory_space<vmem>>, vector<1x128xf32>
    %add3A = vector.broadcast %get3A_8 : vector<1x128xf32> to vector<2000x128xf32>
    %add3A_9 = arith.addf %dot_general3A_5, %add3A : vector<2000x128xf32>
    %get3A_10 = arith.constant 0 : index
    %get3A_11 = arith.constant 0 : index
    %get3A_12 = vector.load %arg2[%get3A_10, %get3A_11] : memref<2000x2xf32, #tpu.memory_space<vmem>>, vector<2000x2xf32>
    %get3A_13 = arith.constant 0 : index
    %get3A_14 = arith.constant 0 : index
    %get3A_15 = vector.load %arg5[%get3A_13, %get3A_14] : memref<2x32xf32, #tpu.memory_space<vmem>>, vector<2x32xf32>
    %dot_general3A_16 = arith.constant dense<0.000000e+00> : vector<2000x32xf32>
    %dot_general3A_17 = tpu.matmul %get3A_12, %get3A_15, %dot_general3A_16 {dimension_numbers = #tpu.dot_dimension_numbers<[1], [0], [0], [1], [0, 0, 1, 1], [], []>, transpose_lhs_hint = false} : vector<2000x2xf32>, vector<2x32xf32>, vector<2000x32xf32> -> vector<2000x32xf32>
    %get3A_18 = arith.constant 0 : index
    %get3A_19 = arith.constant 0 : index
    %get3A_20 = vector.load %arg6[%get3A_18, %get3A_19] : memref<1x32xf32, #tpu.memory_space<vmem>>, vector<1x32xf32>
    %add3A_21 = vector.broadcast %get3A_20 : vector<1x32xf32> to vector<2000x32xf32>
    %add3A_22 = arith.addf %dot_general3A_17, %add3A_21 : vector<2000x32xf32>
    %get3A_23 = arith.constant 0 : index
    %get3A_24 = arith.constant 0 : index
    %get3A_25 = vector.load %arg7[%get3A_23, %get3A_24] : memref<128x128xf32, #tpu.memory_space<vmem>>, vector<128x128xf32>
    %dot_general3A_26 = arith.constant dense<0.000000e+00> : vector<2000x128xf32>
    %dot_general3A_27 = tpu.matmul %add3A_9, %get3A_25, %dot_general3A_26 {dimension_numbers = #tpu.dot_dimension_numbers<[1], [0], [0], [1], [0, 0, 1, 1], [], []>, transpose_lhs_hint = false} : vector<2000x128xf32>, vector<128x128xf32>, vector<2000x128xf32> -> vector<2000x128xf32>
    %get3A_28 = arith.constant 0 : index
    %get3A_29 = arith.constant 0 : index
    %get3A_30 = vector.load %arg8[%get3A_28, %get3A_29] : memref<32x128xf32, #tpu.memory_space<vmem>>, vector<32x128xf32>
    %dot_general3A_31 = arith.constant dense<0.000000e+00> : vector<2000x128xf32>
    %dot_general3A_32 = tpu.matmul %add3A_22, %get3A_30, %dot_general3A_31 {dimension_numbers = #tpu.dot_dimension_numbers<[1], [0], [0], [1], [0, 0, 1, 1], [], []>, transpose_lhs_hint = false} : vector<2000x32xf32>, vector<32x128xf32>, vector<2000x128xf32> -> vector<2000x128xf32>
    %add3A_33 = arith.addf %dot_general3A_27, %dot_general3A_32 : vector<2000x128xf32>
    %swap3A = arith.constant 0 : index
    %swap3A_34 = arith.constant 0 : index
    %swap3A_35 = vector.load %arg9[%swap3A, %swap3A_34] : memref<2000x128xf32, #tpu.memory_space<vmem>>, vector<2000x128xf32>
    tpu.vector_store %arg9[%swap3A, %swap3A_34], %add3A_33 {strides = array<i32>} : memref<2000x128xf32, #tpu.memory_space<vmem>>, vector<2000x128xf32>,
    return
  }
  func.func @transform_0(%arg0: i32) -> (i32, i32) {
    %add3A = arith.constant 0 : i32
    %add3A_0 = arith.addi %arg0, %add3A : i32
    %c0_i32 = arith.constant 0 : i32
    %c0_i32_1 = arith.constant 0 : i32
    return %add3A_0, %c0_i32 : i32, i32
  }
  func.func @transform_1(%arg0: i32) -> (i32, i32) {
    %add3A = arith.constant 0 : i32
    %add3A_0 = arith.addi %arg0, %add3A : i32
    %c0_i32 = arith.constant 0 : i32
    %c0_i32_1 = arith.constant 0 : i32
    return %add3A_0, %c0_i32 : i32, i32
  }
  func.func @transform_2(%arg0: i32) -> (i32, i32) {
    %c0_i32 = arith.constant 0 : i32
    %c0_i32_0 = arith.constant 0 : i32
    %c0_i32_1 = arith.constant 0 : i32
    return %c0_i32, %c0_i32_0 : i32, i32
  }
  func.func @transform_3(%arg0: i32) -> (i32, i32) {
    %c0_i32 = arith.constant 0 : i32
    %c0_i32_0 = arith.constant 0 : i32
    %c0_i32_1 = arith.constant 0 : i32
    return %c0_i32, %c0_i32_0 : i32, i32
  }
  func.func @transform_4(%arg0: i32) -> (i32, i32) {
    %c0_i32 = arith.constant 0 : i32
    %c0_i32_0 = arith.constant 0 : i32
    %c0_i32_1 = arith.constant 0 : i32
    return %c0_i32, %c0_i32_0 : i32, i32
  }
  func.func @transform_5(%arg0: i32) -> (i32, i32) {
    %c0_i32 = arith.constant 0 : i32
    %c0_i32_0 = arith.constant 0 : i32
    %c0_i32_1 = arith.constant 0 : i32
    return %c0_i32, %c0_i32_0 : i32, i32
  }
  func.func @transform_6(%arg0: i32) -> (i32, i32) {
    %c0_i32 = arith.constant 0 : i32
    %c0_i32_0 = arith.constant 0 : i32
    %c0_i32_1 = arith.constant 0 : i32
    return %c0_i32, %c0_i32_0 : i32, i32
  }
  func.func @transform_7(%arg0: i32) -> (i32, i32) {
    %c0_i32 = arith.constant 0 : i32
    %c0_i32_0 = arith.constant 0 : i32
    %c0_i32_1 = arith.constant 0 : i32
    return %c0_i32, %c0_i32_0 : i32, i32
  }
  func.func @transform_8(%arg0: i32) -> (i32, i32) {
    %add3A = arith.constant 0 : i32
    %add3A_0 = arith.addi %arg0, %add3A : i32
    %c0_i32 = arith.constant 0 : i32
    %c0_i32_1 = arith.constant 0 : i32
    return %add3A_0, %c0_i32 : i32, i32
  }
}

module attributes {stable_mosaic.version = 14 : i64} {
  func.func @_tc_scale_body(%arg0: i32, %arg1: memref<2000x128xf32, #tpu.memory_space<vmem>>, %arg2: memref<2000x1xf32, #tpu.memory_space<vmem>>, %arg3: memref<2000x1xf32, #tpu.memory_space<vmem>>, %arg4: memref<2000x128xf32, #tpu.memory_space<vmem>>) attributes {dimension_semantics = [#tpu.dimension_semantics<arbitrary>], iteration_bounds = array<i64: 5>, scalar_prefetch = 0 : i64, scratch_operands = 0 : i64, tpu.core_type = #tpu.core_type<tc>, window_params = [{transform_indices = @transform_0, window_bounds = array<i64: 2000, 128>}, {transform_indices = @transform_1, window_bounds = array<i64: 2000, 1>}, {transform_indices = @transform_2, window_bounds = array<i64: 2000, 1>}, {transform_indices = @transform_3, window_bounds = array<i64: 2000, 128>}]} {
    %get3A = arith.constant 0 : index
    %get3A_0 = arith.constant 0 : index
    %get3A_1 = vector.load %arg2[%get3A, %get3A_0] : memref<2000x1xf32, #tpu.memory_space<vmem>>, vector<2000x1xf32>
    %get3A_2 = arith.constant 0 : index
    %get3A_3 = arith.constant 0 : index
    %get3A_4 = vector.load %arg3[%get3A_2, %get3A_3] : memref<2000x1xf32, #tpu.memory_space<vmem>>, vector<2000x1xf32>
    %add3A = arith.addf %get3A_1, %get3A_4 : vector<2000x1xf32>
    %add3A_5 = arith.constant 1.000000e+00 : f32
    %add3A_6 = vector.broadcast %add3A_5 : f32 to vector<2000x1xf32>
    %add3A_7 = arith.addf %add3A, %add3A_6 : vector<2000x1xf32>
    %rsqrt3A = math.rsqrt %add3A_7 : vector<2000x1xf32>
    %get3A_8 = arith.constant 0 : index
    %get3A_9 = arith.constant 0 : index
    %get3A_10 = vector.load %arg1[%get3A_8, %get3A_9] : memref<2000x128xf32, #tpu.memory_space<vmem>>, vector<2000x128xf32>
    %mul3A = vector.broadcast %rsqrt3A : vector<2000x1xf32> to vector<2000x128xf32>
    %mul3A_11 = arith.mulf %mul3A, %get3A_10 : vector<2000x128xf32>
    %swap3A = arith.constant 0 : index
    %swap3A_12 = arith.constant 0 : index
    %swap3A_13 = vector.load %arg4[%swap3A, %swap3A_12] : memref<2000x128xf32, #tpu.memory_space<vmem>>, vector<2000x128xf32>
    tpu.vector_store %arg4[%swap3A, %swap3A_12], %mul3A_11 {strides = array<i32>} : memref<2000x128xf32, #tpu.memory_space<vmem>>, vector<2000x128xf32>,
    return
  }
  func.func @transform_0(%arg0: i32) -> (i32, i32) {
    %add3A = arith.constant 0 : i32
    %add3A_0 = arith.addi %arg0, %add3A : i32
    %c0_i32 = arith.constant 0 : i32
    %c0_i32_1 = arith.constant 0 : i32
    return %add3A_0, %c0_i32 : i32, i32
  }
  func.func @transform_1(%arg0: i32) -> (i32, i32) {
    %add3A = arith.constant 0 : i32
    %add3A_0 = arith.addi %arg0, %add3A : i32
    %c0_i32 = arith.constant 0 : i32
    %c0_i32_1 = arith.constant 0 : i32
    return %add3A_0, %c0_i32 : i32, i32
  }
  func.func @transform_2(%arg0: i32) -> (i32, i32) {
    %add3A = arith.constant 5 : i32
    %add3A_0 = arith.addi %arg0, %add3A : i32
    %c0_i32 = arith.constant 0 : i32
    %c0_i32_1 = arith.constant 0 : i32
    return %add3A_0, %c0_i32 : i32, i32
  }
  func.func @transform_3(%arg0: i32) -> (i32, i32) {
    %add3A = arith.constant 0 : i32
    %add3A_0 = arith.addi %arg0, %add3A : i32
    %c0_i32 = arith.constant 0 : i32
    %c0_i32_1 = arith.constant 0 : i32
    return %add3A_0, %c0_i32 : i32, i32
  }
}

module attributes {stable_mosaic.version = 14 : i64} {
  func.func @_tc_final_body(%arg0: i32, %arg1: memref<2000x128xf32, #tpu.memory_space<vmem>>, %arg2: memref<2000x128xf32, #tpu.memory_space<vmem>>, %arg3: memref<2000x128xf32, #tpu.memory_space<vmem>>, %arg4: memref<2000x1xf32, #tpu.memory_space<vmem>>, %arg5: memref<2000x1xf32, #tpu.memory_space<vmem>>, %arg6: memref<1x128xf32, #tpu.memory_space<vmem>>, %arg7: memref<128x2xf32, #tpu.memory_space<vmem>>, %arg8: memref<1x2xf32, #tpu.memory_space<vmem>>, %arg9: memref<2000x2xf32, #tpu.memory_space<vmem>>) attributes {dimension_semantics = [#tpu.dimension_semantics<arbitrary>], iteration_bounds = array<i64: 5>, scalar_prefetch = 0 : i64, scratch_operands = 0 : i64, tpu.core_type = #tpu.core_type<tc>, window_params = [{transform_indices = @transform_0, window_bounds = array<i64: 2000, 128>}, {transform_indices = @transform_1, window_bounds = array<i64: 2000, 128>}, {transform_indices = @transform_2, window_bounds = array<i64: 2000, 128>}, {transform_indices = @transform_3, window_bounds = array<i64: 2000, 1>}, {transform_indices = @transform_4, window_bounds = array<i64: 2000, 1>}, {pipeline_mode = #tpu.pipeline_mode<synchronous>, transform_indices = @transform_5, window_bounds = array<i64: 1, 128>}, {pipeline_mode = #tpu.pipeline_mode<synchronous>, transform_indices = @transform_6, window_bounds = array<i64: 128, 2>}, {pipeline_mode = #tpu.pipeline_mode<synchronous>, transform_indices = @transform_7, window_bounds = array<i64: 1, 2>}, {transform_indices = @transform_8, window_bounds = array<i64: 2000, 2>}]} {
    %get3A = arith.constant 0 : index
    %get3A_0 = arith.constant 0 : index
    %get3A_1 = vector.load %arg1[%get3A, %get3A_0] : memref<2000x128xf32, #tpu.memory_space<vmem>>, vector<2000x128xf32>
    %get3A_2 = arith.constant 0 : index
    %get3A_3 = arith.constant 0 : index
    %get3A_4 = vector.load %arg2[%get3A_2, %get3A_3] : memref<2000x128xf32, #tpu.memory_space<vmem>>, vector<2000x128xf32>
    %add3A = arith.addf %get3A_1, %get3A_4 : vector<2000x128xf32>
    %get3A_5 = arith.constant 0 : index
    %get3A_6 = arith.constant 0 : index
    %get3A_7 = vector.load %arg3[%get3A_5, %get3A_6] : memref<2000x128xf32, #tpu.memory_space<vmem>>, vector<2000x128xf32>
    %add3A_8 = arith.addf %add3A, %get3A_7 : vector<2000x128xf32>
    %get3A_9 = arith.constant 0 : index
    %get3A_10 = arith.constant 0 : index
    %get3A_11 = vector.load %arg4[%get3A_9, %get3A_10] : memref<2000x1xf32, #tpu.memory_space<vmem>>, vector<2000x1xf32>
    %get3A_12 = arith.constant 0 : index
    %get3A_13 = arith.constant 0 : index
    %get3A_14 = vector.load %arg5[%get3A_12, %get3A_13] : memref<2000x1xf32, #tpu.memory_space<vmem>>, vector<2000x1xf32>
    %add3A_15 = arith.addf %get3A_11, %get3A_14 : vector<2000x1xf32>
    %add3A_16 = arith.constant 1.000000e+00 : f32
    %add3A_17 = vector.broadcast %add3A_16 : f32 to vector<2000x1xf32>
    %add3A_18 = arith.addf %add3A_15, %add3A_17 : vector<2000x1xf32>
    %rsqrt3A = math.rsqrt %add3A_18 : vector<2000x1xf32>
    %mul3A = vector.broadcast %rsqrt3A : vector<2000x1xf32> to vector<2000x128xf32>
    %mul3A_19 = arith.mulf %mul3A, %add3A_8 : vector<2000x128xf32>
    %get3A_20 = arith.constant 0 : index
    %get3A_21 = arith.constant 0 : index
    %get3A_22 = vector.load %arg6[%get3A_20, %get3A_21] : memref<1x128xf32, #tpu.memory_space<vmem>>, vector<1x128xf32>
    %add3A_23 = vector.broadcast %get3A_22 : vector<1x128xf32> to vector<2000x128xf32>
    %add3A_24 = arith.addf %mul3A_19, %add3A_23 : vector<2000x128xf32>
    %max3A = arith.constant 0.000000e+00 : f32
    %max3A_25 = vector.broadcast %max3A : f32 to vector<2000x128xf32>
    %max3A_26 = arith.maximumf %add3A_24, %max3A_25 : vector<2000x128xf32>
    %get3A_27 = arith.constant 0 : index
    %get3A_28 = arith.constant 0 : index
    %get3A_29 = vector.load %arg7[%get3A_27, %get3A_28] : memref<128x2xf32, #tpu.memory_space<vmem>>, vector<128x2xf32>
    %dot_general3A = arith.constant dense<0.000000e+00> : vector<2000x2xf32>
    %dot_general3A_30 = tpu.matmul %max3A_26, %get3A_29, %dot_general3A {dimension_numbers = #tpu.dot_dimension_numbers<[1], [0], [0], [1], [0, 0, 1, 1], [], []>, transpose_lhs_hint = false} : vector<2000x128xf32>, vector<128x2xf32>, vector<2000x2xf32> -> vector<2000x2xf32>
    %get3A_31 = arith.constant 0 : index
    %get3A_32 = arith.constant 0 : index
    %get3A_33 = vector.load %arg8[%get3A_31, %get3A_32] : memref<1x2xf32, #tpu.memory_space<vmem>>, vector<1x2xf32>
    %add3A_34 = vector.broadcast %get3A_33 : vector<1x2xf32> to vector<2000x2xf32>
    %add3A_35 = arith.addf %dot_general3A_30, %add3A_34 : vector<2000x2xf32>
    %swap3A = arith.constant 0 : index
    %swap3A_36 = arith.constant 0 : index
    %swap3A_37 = vector.load %arg9[%swap3A, %swap3A_36] : memref<2000x2xf32, #tpu.memory_space<vmem>>, vector<2000x2xf32>
    tpu.vector_store %arg9[%swap3A, %swap3A_36], %add3A_35 {strides = array<i32>} : memref<2000x2xf32, #tpu.memory_space<vmem>>, vector<2000x2xf32>,
    return
  }
  func.func @transform_0(%arg0: i32) -> (i32, i32) {
    %add3A = arith.constant 0 : i32
    %add3A_0 = arith.addi %arg0, %add3A : i32
    %c0_i32 = arith.constant 0 : i32
    %c0_i32_1 = arith.constant 0 : i32
    return %add3A_0, %c0_i32 : i32, i32
  }
  func.func @transform_1(%arg0: i32) -> (i32, i32) {
    %add3A = arith.constant 5 : i32
    %add3A_0 = arith.addi %arg0, %add3A : i32
    %c0_i32 = arith.constant 0 : i32
    %c0_i32_1 = arith.constant 0 : i32
    return %add3A_0, %c0_i32 : i32, i32
  }
  func.func @transform_2(%arg0: i32) -> (i32, i32) {
    %add3A = arith.constant 0 : i32
    %add3A_0 = arith.addi %arg0, %add3A : i32
    %c0_i32 = arith.constant 0 : i32
    %c0_i32_1 = arith.constant 0 : i32
    return %add3A_0, %c0_i32 : i32, i32
  }
  func.func @transform_3(%arg0: i32) -> (i32, i32) {
    %add3A = arith.constant 0 : i32
    %add3A_0 = arith.addi %arg0, %add3A : i32
    %c0_i32 = arith.constant 0 : i32
    %c0_i32_1 = arith.constant 0 : i32
    return %add3A_0, %c0_i32 : i32, i32
  }
  func.func @transform_4(%arg0: i32) -> (i32, i32) {
    %add3A = arith.constant 5 : i32
    %add3A_0 = arith.addi %arg0, %add3A : i32
    %c0_i32 = arith.constant 0 : i32
    %c0_i32_1 = arith.constant 0 : i32
    return %add3A_0, %c0_i32 : i32, i32
  }
  func.func @transform_5(%arg0: i32) -> (i32, i32) {
    %c0_i32 = arith.constant 0 : i32
    %c0_i32_0 = arith.constant 0 : i32
    %c0_i32_1 = arith.constant 0 : i32
    return %c0_i32, %c0_i32_0 : i32, i32
  }
  func.func @transform_6(%arg0: i32) -> (i32, i32) {
    %c0_i32 = arith.constant 0 : i32
    %c0_i32_0 = arith.constant 0 : i32
    %c0_i32_1 = arith.constant 0 : i32
    return %c0_i32, %c0_i32_0 : i32, i32
  }
  func.func @transform_7(%arg0: i32) -> (i32, i32) {
    %c0_i32 = arith.constant 0 : i32
    %c0_i32_0 = arith.constant 0 : i32
    %c0_i32_1 = arith.constant 0 : i32
    return %c0_i32, %c0_i32_0 : i32, i32
  }
  func.func @transform_8(%arg0: i32) -> (i32, i32) {
    %add3A = arith.constant 0 : i32
    %add3A_0 = arith.addi %arg0, %add3A : i32
    %c0_i32 = arith.constant 0 : i32
    %c0_i32_1 = arith.constant 0 : i32
    return %add3A_0, %c0_i32 : i32, i32
  }
}

</mosaic_0001>

<sc_bundles>
// kernel: kernel.11.cloned.1.call-start
scs
__scs_entry_jumppad:
0x0: {  	(pc) =	sbr.rel $0x88, $3  }
0x1: {  	(tag) =	ssettag $0x0;
	lr =	simm.s32 $0x1  }
0x2: {  	[smem:$0x3F96] =	sst lr;
	_ =	strace $0xD0000000  }
0x3: {  	_ = 	snop  }
0x4: {  	_ = 	snop  }
0x5: {  	_ = 	snop  }
0x6: {  	_ = 	snop  }
0x7: {  	_ = 	snop  }
__scs_overlays_trampoline_lowered:
0x8: {  	[smem:$0x3FA5] =	sst s0  }
0x9: {  	[smem:$0x3FA6] =	sst s1  }
0xa: {  	[smem:$0x3FA7] =	sst s2  }
0xb: {  	[smem:$0x3FA8] =	sst s3  }
0xc: {  	[smem:$0x3FA9] =	sst s4  }
0xd: {  	[smem:$0x3FAA] =	sst s5  }
0xe: {  	[smem:$0x3FAB] =	sst s6  }
0xf: {  	[smem:$0x3FAC] =	sst s7  }
0x10: {  	[smem:$0x3FAD] =	sst s8  }
0x11: {  	[smem:$0x3FAE] =	sst s9;
	s0 =	simm.s32 @!p0 $0x0  }
0x12: {  	s1 =	sld [smem:$0x3F94];
	s0 =	simm.s32 @p0 $0x1  }
0x13: {  	[smem:$0x3FAF] =	sst s0;
	s0 =	simm.s32 @!p1 $0x0  }
0x14: {  	s2 =	sld [smem:$0x3F93];
	s0 =	simm.s32 @p1 $0x1  }
0x15: {  	[smem:$0x3FB0] =	sst s0;
	s0 =	simm.s32 @!p2 $0x0  }
0x16: {  	s3 =	sld [smem:$0x3FDB];
	s0 =	simm.s32 @p2 $0x1  }
0x17: {  	s4 =	simm.s32 $0x1BF5;
	[smem:$0x3FB2] =	sst s0  }
0x18: {  	s0 =	sld [smem:$0x3F95];
	_ =	swait.ge [sflag:s4], $0x0  }
0x19: {  	s7 =	sld [smem:$0x3F96]  }
0x1a: {  	s8 =	sadd.s32 $0xFFFFE003, lr  }
0x1b: {  	s9 =	sadd.s32 $0xFFFFFEF7, lr;
	s5 =	simm.s32 $0xFFFFFFFF;
	p2 =	slt.u32 s8, $0xFFFFF086  }
0x1c: {  	p1 =	slt.u32 s9, $0xF7A;
	s5 =	simm.s32 @!p2 $0x0  }
0x1d: {  	s5 =	simm.s32 @p1 $0x1;
	p0 =	seq.s32 s7, s2  }
0x1e: {  	s7 =	smul.u32 @!p0 $0xF7A, s2;
	p2 =	seq.s32 @!p0 s5, $0x0  }
0x1f: {  	s9 =	smul.u32 $0xF7A, s1;
	s8 =	simm.s32 @!p0 $0x1BF5;
	p2 =	por !p2, p0  }
0x20: {  	[sflag:s8] =	ssyncset.s32 @!p0 $0xFFFFF086;
	s6 =	sadd.s32 @!p0 s3, s7;
	s7 =	simm.s32 @!p0 $0x108  }
0x21: {  	s3 =	sadd.s32 s3, s9;
	s6 =	sadd.s32 @!p0 $0x88, s6;
	s7 =	simm.s32 @p2 $0x1082  }
0x22: {  	[simem:s7], [sflag:s8] =	dma.local @!p0 [hbm:s6], $0xF7A  }
0x23: {  	s9 =	sor.u32 $0xD0000000, s2;
	s6 =	simm.s32 $0x108;
	_ =	swait.ge @!p0 [sflag:s8], $0x0  }
0x24: {  	s3 =	sadd.s32 $0x88, s3;
	s6 =	simm.s32 @!p1 $0x1082;
	[sflag:s4] =	ssyncset.s32 $0xFFFFF086  }
0x25: {  	[simem:s6], [sflag:s4] =	dma.local [hbm:s3], $0xF7A  }
0x26: {  	[smem:$0x3F96] =	sst s1;
	(tag) =	ssettag s2;
	_ =	strace s9  }
0x27: {  	s1 =	sld [smem:$0x3FA6]  }
0x28: {  	s2 =	sld [smem:$0x3FA7]  }
0x29: {  	s4 =	sld [smem:$0x3FA9]  }
0x2a: {  	p0 =	seq.s32 s5, $0x0;
	s5 =	sld [smem:$0x3FAA]  }
0x2b: {  	s6 =	sld [smem:$0x3FAB]  }
0x2c: {  	s7 =	sld [smem:$0x3FAC]  }
0x2d: {  	s3 =	simm.s32 $0x108;
	s8 =	sld [smem:$0x3FAD]  }
0x2e: {  	s3 =	simm.s32 @!p0 $0x1082;
	s9 =	sld [smem:$0x3FAE]  }
0x2f: {  	lr =	sadd.s32 s0, s3;
	s0 =	sld [smem:$0x3FA5]  }
0x30: {  	s3 =	sld [smem:$0x3FA8]  }
0x31: {  	[smem:$0x3FB1] =	sst s10  }
0x32: {  	s10 =	sld [smem:$0x3FAF];
	_ =	sdelay $0x3  }
0x33: {  	p0 =	seq.s32 s10, $0x1;
	s10 =	sld [smem:$0x3FB1];
	_ =	sdelay $0x3  }
0x34: {  	[smem:$0x3FB1] =	sst s10  }
0x35: {  	s10 =	sld [smem:$0x3FB0];
	_ =	sdelay $0x3  }
0x36: {  	p1 =	seq.s32 s10, $0x1;
	s10 =	sld [smem:$0x3FB1];
	_ =	sdelay $0x3  }
0x37: {  	[smem:$0x3FB1] =	sst s10  }
0x38: {  	s10 =	sld [smem:$0x3FB2]  }
0x39: {  	_ = 	snop;
	(pc) =	sbr.ind lr, $3  }
0x3a: {  	_ = 	snop  }
0x3b: {  	_ = 	snop  }
0x3c: {  	p2 =	seq.s32 s10, $0x1;
	s10 =	sld [smem:$0x3FB1]  }
0x3d: {  	_ =	shalt  }
0x3e: {  	_ =	shalt  }
0x3f: {  	_ =	shalt  }
0x40: {  	_ =	shalt  }
0x41: {  	_ =	shalt  }
0x42: {  	_ =	shalt  }
0x43: {  	_ =	shalt  }
0x44: {  	_ =	shalt  }
0x45: {  	_ =	shalt  }
0x46: {  	_ =	shalt  }
0x47: {  	_ =	shalt  }
0x48: {  	_ =	shalt  }
0x49: {  	_ =	shalt  }
0x4a: {  	_ =	shalt  }
0x4b: {  	_ =	shalt  }
0x4c: {  	_ =	shalt  }
0x4d: {  	_ =	shalt  }
0x4e: {  	_ =	shalt  }
0x4f: {  	_ =	shalt  }
0x50: {  	_ =	shalt  }
0x51: {  	_ =	shalt  }
0x52: {  	_ =	shalt  }
0x53: {  	_ =	shalt  }
0x54: {  	_ =	shalt  }
0x55: {  	_ =	shalt  }
0x56: {  	_ =	shalt  }
0x57: {  	_ =	shalt  }
0x58: {  	_ =	shalt  }
0x59: {  	_ =	shalt  }
0x5a: {  	_ =	shalt  }
0x5b: {  	_ =	shalt  }
0x5c: {  	_ =	shalt  }
0x5d: {  	_ =	shalt  }
0x5e: {  	_ =	shalt  }
0x5f: {  	_ =	shalt  }
0x60: {  	_ =	shalt  }
0x61: {  	_ =	shalt  }
0x62: {  	_ =	shalt  }
0x63: {  	_ =	shalt  }
0x64: {  	_ =	shalt  }
0x65: {  	_ =	shalt  }
0x66: {  	_ =	shalt  }
0x67: {  	_ =	shalt  }
0x68: {  	_ =	shalt  }
0x69: {  	_ =	shalt  }
0x6a: {  	_ =	shalt  }
0x6b: {  	_ =	shalt  }
0x6c: {  	_ =	shalt  }
0x6d: {  	_ =	shalt  }
0x6e: {  	_ =	shalt  }
0x6f: {  	_ =	shalt  }
0x70: {  	_ =	shalt  }
0x71: {  	_ =	shalt  }
0x72: {  	_ =	shalt  }
0x73: {  	_ =	shalt  }
0x74: {  	_ =	shalt  }
0x75: {  	_ =	shalt  }
0x76: {  	_ =	shalt  }
0x77: {  	_ =	shalt  }
0x78: {  	_ =	shalt  }
0x79: {  	_ =	shalt  }
0x7a: {  	_ =	shalt  }
0x7b: {  	_ =	shalt  }
0x7c: {  	_ =	shalt  }
0x7d: {  	_ =	shalt  }
0x7e: {  	_ =	shalt  }
0x7f: {  	_ =	shalt  }
0x80: {  	_ =	shalt  }
0x81: {  	_ =	shalt  }
0x82: {  	_ =	shalt  }
0x83: {  	_ =	shalt  }
0x84: {  	_ =	shalt  }
0x85: {  	_ =	shalt  }
0x86: {  	_ =	shalt  }
0x87: {  	_ =	shalt  }
.Lfunc_end0:
.L_simem_size_0:
called_computation.1_lowered:
.L_overlay_start_0:
0x88: {  	s2 =	sld [smem:$0x3FD9]  }
0x89: {  	s3 =	sld [smem:$0x3FFE];
	_ =	sdelay $0x1  }
0x8a: {  	s1 =	srdreg.scid  }
0x8b: {  	s0 =	sand.u32 $0x1, s1  }
0x8c: {  	s16 =	sshll.u32 s0, $0xA;
	s2 =	sadd.s32 s3, s2  }
0x8d: {  	s2 =	sadd.s32 s2, s16  }
0x8e: {  	[smem:$0x3FBD] =	sst s2  }
0x8f: {  	_ = 	snop  }
0x90: {  	(tm) =	ssettm $0x1  }
0x91: {  	s17 =	sld [smem:$0x3FFB];
	_ =	sdelay $0x3  }
0x92: {  	_ =	strace s17  }
0x93: {  	s2 =	sld [smem:$0x3FFC];
	_ =	sdelay $0x3  }
0x94: {  	_ =	strace s2  }
0x95: {  	s2 =	sld [smem:$0x3FFD];
	_ =	sdelay $0x3  }
0x96: {  	_ =	strace s2  }
0x97: {  	_ =	strace $0x8FFFFFFF  }
0x98: {  	s18 =	sld [smem:$0x3FDB];
	_ =	sdelay $0x1  }
0x99: {  	s19 =	simm.s32 $_scs_section_size  }
0x9a: {  	s4 =	simm.s32 $_size__tile_overlayer_lowered;
	s5 =	simm.s32 $_tile_overlayer_lowered  }
0x9b: {  	s22 =	simm.s32 $0x1BFF;
	s21 =	sshll.u32 s5, $0x1;
	s2 =	sadd.s32 s19, s18  }
0x9c: {  	s6 =	simm.s32 $0x0;
	s20 =	sshll.u32 s4, $0x1;
	s4 =	sadd.s32 s21, s2  }
0x9d: {  	[timem:s6], [sflag:s22] =	dma.local [hbm:s4], s20  }
0x9e: {  	_ =	swait.ge [sflag:s22], s20  }
0x9f: {  	s3 =	ssub.s32 $0x0, s20;
	[sflag:s22] =	ssyncset.done $0x0  }
0xa0: {  	[sflag:s22] =	ssyncadd.s32 s3;
	_ =	sdelay $0x1  }
0xa1: {  	s23 =	simm.s32 $0x1B8B  }
0xa2: {  	_ =	swait.ge [sflag:s23], $0x1  }
0xa3: {  	[sflag:s23] =	ssyncset.done $0x0  }
0xa4: {  	s25 =	simm.s32 $0x1B8E;
	s24 =	sld [smem:$0x3FFE];
	[sflag:s23] =	ssyncadd.s32 $0xFFFFFFFF  }
0xa5: {  	s26 =	simm.s32 $execute0_lowered;
	[smem:$0x3FD2] =	sst s25  }
0xa6: {  	s4 =	sshll.u32 s26, $0x1;
	_ =	strace $0x80000049;
	[dreg:$0x1] =	wrdreg $0xFFFFFFFF  }
0xa7: {  	s28 =	simm.s32 $_size_execute0_lowered;
	s2 =	sadd.s32 s2, s4;
	[dreg:$0x0] =	wrdreg $0x0  }
0xa8: {  	s4 =	sshll.u32 s28, $0x1;
	[dreg:$0x2] =	wrdreg s2  }
0xa9: {  	[dreg:$0x3] =	wrdreg s4  }
0xaa: {  	[dreg:$0x4] =	wrdreg $0xC0  }
0xab: {  	_ =	task [dreg:s6], $0x5FFFF  }
0xac: {  	[dreg:$0x1] =	wrdreg $0xFFFFFFFF  }
0xad: {  	[dreg:$0x0] =	wrdreg $0x60  }
0xae: {  	[dreg:$0x2] =	wrdreg s24  }
0xaf: {  	[dreg:$0x3] =	wrdreg $0xA1000  }
0xb0: {  	[dreg:$0x4] =	wrdreg $0x9  }
0xb1: {  	_ =	task.clear_ibuf [dreg:s6], $0x5FFFF;
	_ =	strace $0x90000049  }
0xb2: {  	s29 =	simm.s32 $0x9;
	_ =	strace $0x8000004B  }
0xb3: {  	_ =	swait.ge [sflag:s29], $0x1  }
0xb4: {  	[sflag:s29] =	ssyncadd.s32 $0xFFFFFFFF  }
0xb5: {  	_ =	strace $0x9000004B  }
0xb6: {  	_ =	sfence  }
0xb7: {  	s30 =	sld [smem:$0x0];
	_ =	sdelay $0x2  }
0xb8: {  	s31 =	sshll.u32 s1, $0xD;
	s1 =	sshrl.u32 s1, $0x2  }
0xb9: {  	s3 =	sand.u32 $0x4000, s31;
	s1 =	sadd.s32 s1, s30  }
0xba: {  	s0 =	sor.u32 s3, s0;
	s1 =	sshll.u32 s1, $0x11  }
0xbb: {  	s0 =	sor.u32 s1, s0  }
0xbc: {  	s0 =	sadd.s32 $0x8F2B, s0  }
0xbd: {  	[sflag:s0] =	ssyncadd.remote.s32 $0x1  }
0xbe: {  	_ =	sfence.sel $0xFFFF  }
0xbf: {  	[dreg:$0x0] =	wrdreg $0xFFFFFFFF;
	(pc) =	sbr.abs _section_cstart, $3  }
0xc0: {  	[dreg:$0x1] =	wrdreg $0xFFFFFFFF  }
0xc1: {  	_ =	task.clear_ibuf [dreg:s6], $0x2FFFF;
	_ =	strace $0x9FFFFFFF  }
0xc2: {  	(tm) =	ssettm $0x7FFFFFFF  }
0xc3: {  	_ =	shalt  }
tec
execute0_lowered:
.L_overlay_start_1:
0x0: {  	(tag) =	ssettag $0x1  }
0x1: {  	s0 =	srdreg.scid;
	s12 =	stileid.u32  }
0x2: {  	s1 =	rddreg [dreg:$0x0];
	s6 =	smul.u32 $0x280, s12  }
0x3: {  	s2 =	rddreg [dreg:$0x1];
	s9 =	smul.u32 $0x50000, s12  }
0x4: {  	s0 =	sand.u32 $0x1, s0;
	s3 =	sshll.u32 s12, $0x1;
	s14 =	smul.u32 $0x4E20, s12  }
0x5: {  	s4 =	sor.u32 s0, s3;
	s3 =	simm.s32 $0x0;
	s7 =	smul.u32 $0x2710, s0  }
0x6: {  	s0 =	ssub.s32 $0x2, s0;
	s5 =	smul.u32 $0x2710, s4;
	s9 =	sshrl.u32 s9, $0x2  }
0x7: {  	[smem:$0x7FF] =	sst s3;
	s11 =	sshrl.u32 s0, $0x1;
	s24 =	sadd.s32 s9, s2  }
0x8: {  	_ =	strace $0x8000004A;
	s0 =	ssub.s32 s0, s11;
	s13 =	sadd.s32 $0xC800, s24  }
0x9: {  	s6 =	sadd.s32 s6, s7;
	s0 =	smax.u32 s0, $0x1;
	[dreg:$0x8] =	wrdreg s13  }
0xa: {  	s7 =	sadd.s32 s7, s14;
	s14 =	sadd.s32 $0xF000, s24;
	[dreg:$0x12] =	wrdreg s0  }
0xb: {  	s4 =	sadd.s32 $0x65000, s1;
	s23 =	sadd.s32 $0x2800, s24;
	[dreg:$0x16] =	wrdreg s14  }
0xc: {  	s8 =	sshrl.u32 s5, $0x3;
	s25 =	sadd.s32 $0x5000, s24;
	[dreg:$0x4] =	wrdreg s23  }
0xd: {  	s5 =	sadd.s32 $0x3200, s1;
	s26 =	sadd.s32 $0x7800, s24;
	[dreg:$0x5] =	wrdreg s25  }
0xe: {  	s6 =	sshll.u32 s6, $0x4;
	s28 =	sadd.s32 $0xA000, s24;
	[dreg:$0x6] =	wrdreg s26  }
0xf: {  	s10 =	sadd.s32 s8, s1;
	s13 =	sadd.s32 $0xF0, s7;
	[dreg:$0x7] =	wrdreg s28  }
0x10: {  	s1 =	sadd.s32 s6, s1;
	s6 =	sadd.s32 s5, s8;
	[dreg:$0x15] =	wrdreg s13  }
0x11: {  	s11 =	sadd.s32 $0xD000, s10;
	[dreg:$0x9] =	wrdreg s6  }
0x12: {  	s15 =	sadd.s32 $0x8C200, s1;
	[dreg:$0x3] =	wrdreg s11  }
0x13: {  	s16 =	sadd.s32 $0x8C700, s1;
	[dreg:$0xa] =	wrdreg s15  }
0x14: {  	s17 =	sadd.s32 $0x8CC00, s1;
	[dreg:$0xb] =	wrdreg s16  }
0x15: {  	s29 =	simm.s32 $0x2880;
	s18 =	sadd.s32 $0x8D100, s1;
	[dreg:$0xc] =	wrdreg s17  }
0x16: {  	s30 =	simm.s32 $0x4;
	s19 =	sadd.s32 $0x8D600, s1;
	[dreg:$0xd] =	wrdreg s18  }
0x17: {  	s31 =	simm.s32 $0x2;
	s20 =	sadd.s32 $0x8DB00, s1;
	[dreg:$0xe] =	wrdreg s19  }
0x18: {  	s22 =	sadd.s32 $0x190, s7;
	s21 =	sadd.s32 $0x8E000, s1;
	[dreg:$0xf] =	wrdreg s20  }
0x19: {  	s8 =	sshrl.u32 s22, $0x3;
	s1 =	sadd.s32 $0x8E500, s1;
	[dreg:$0x10] =	wrdreg s21  }
0x1a: {  	p0 =	seq.s32 s12, $0xF;
	s10 =	sadd.s32 s8, s5;
	[dreg:$0x11] =	wrdreg s1  }
0x1b: {  	s9 =	sadd.s32 $0x140, s7;
	s22 =	sadd.s32 $0x4D8, s6;
	[dreg:$0x13] =	wrdreg s10  }
0x1c: {  	s7 =	simm.s32 $0x6;
	s15 =	sadd.s32 $0x11800, s24;
	[dreg:$0x1e] =	wrdreg s22  }
0x1d: {  	s14 =	simm.s32 $0x7;
	s16 =	sadd.s32 $0xA, s6;
	[dreg:$0x17] =	wrdreg s15  }
0x1e: {  	s13 =	simm.s32 $0x8;
	s17 =	sadd.s32 $0x14, s6;
	[dreg:$0x18] =	wrdreg s16  }
0x1f: {  	s8 =	simm.s32 $0x9;
	s18 =	sadd.s32 $0x4B0, s6;
	[dreg:$0x19] =	wrdreg s17  }
0x20: {  	s11 =	sshrl.u32 s9, $0x3;
	s19 =	sadd.s32 $0x4BA, s6;
	[dreg:$0x1a] =	wrdreg s18  }
0x21: {  	s20 =	sadd.s32 $0x4C4, s6;
	s21 =	sadd.s32 $0x4CE, s6;
	[dreg:$0x1b] =	wrdreg s19  }
0x22: {  	s22 =	simm.s32 $0x7900;
	s1 =	simm.s32 $0x5;
	[dreg:$0x1c] =	wrdreg s20  }
0x23: {  	s9 =	simm.s32 $0x0;
	s0 =	sadd.s32 s11, s5;
	[dreg:$0x1d] =	wrdreg s21  }
0x24: {  	s15 =	simm.s32 $0xA;
	s16 =	simm.s32 $0x2900;
	s17 =	simm.s32 $0x1  }
0x25: {  	s18 =	simm.s32 $0x50;
	s19 =	simm.s32 $0x2780;
	s20 =	simm.s32 $0x5100  }
0x26: {  	v0 =	vimm.f32 $0.0e+00;
	s21 =	simm.s32 $0x2800;
	[dreg:$0x14] =	wrdreg s0;
	s0 =	simm.s32 $0x3  }
.LBB2_1:
0x27: {  	s10 =	rddreg [dreg:$0x3]  }
0x28: {  	[tilespmem:s3], [sflag:$0xA] =	stream.linear.gather [hbm4b:s10+s3], $0x2710, $0x38;
	[tilespmem:$0x1E100] =	vst v63  }
0x29: {  	_ =	swait.ge [sflag:s15], $0x2710  }
0x2a: {  	[sflag:s15] =	ssyncset.done $0x0  }
0x2b: {  	s11 =	simm.s32 $0x200;
	s10 =	simm.s32 $0x0;
	[sflag:s15] =	ssyncadd.s32 $0xFFFFD8F0  }
.LBB2_2:
0x2c: {  	p1 =	sne.s32 s11, $0x9E00;
	[tilespmem:s10+$0x2970] =	vst v0  }
0x2d: {  	[tilespmem:s10+$0x2900] =	vst v0  }
0x2e: {  	[tilespmem:s10+$0x2910] =	vst v0  }
.Ltmp0:
0x2f: {  	[tilespmem:s10+$0x2920] =	vst v0;
	(pc) =	sbr.rel @p1 .LBB2_2-.Ltmp0, $4  }
0x30: {  	[tilespmem:s10+$0x2930] =	vst v0  }
0x31: {  	[tilespmem:s10+$0x2940] =	vst v0  }
0x32: {  	[tilespmem:s10+$0x2950] =	vst v0  }
0x33: {  	[tilespmem:s10+$0x2960] =	vst v0;
	s10 =	sshra.s32 s11, $0x2;
	s11 =	sadd.s32 $0x200, s11  }
0x34: {  	[tilespmem:s10+$0x2970] =	vst v0  }
0x35: {  	[tilespmem:s10+$0x2900] =	vst v0  }
0x36: {  	[tilespmem:s10+$0x2910] =	vst v0  }
0x37: {  	[tilespmem:s10+$0x2920] =	vst v0  }
0x38: {  	[tilespmem:s10+$0x2930] =	vst v0  }
0x39: {  	[tilespmem:s10+$0x2940] =	vst v0  }
0x3a: {  	[tilespmem:s10+$0x2950] =	vst v0  }
0x3b: {  	[tilespmem:s10+$0x2960] =	vst v0  }
0x3c: {  	[spmem:s24] =	stream.linear.scatter [tilespmem:s16], [sflag:$0x1], $0x2800, $0x38;
	[tilespmem:$0x1E100] =	vst v63  }
0x3d: {  	_ = 	snop  }
0x3e: {  	[spmem:s23] =	stream.linear.scatter [tilespmem:s16], [sflag:$0x1], $0x2800, $0x38;
	[tilespmem:$0x1E100] =	vst v63  }
0x3f: {  	_ = 	snop  }
0x40: {  	[spmem:s25] =	stream.linear.scatter [tilespmem:s16], [sflag:$0x1], $0x2800, $0x38;
	[tilespmem:$0x1E100] =	vst v63  }
0x41: {  	_ = 	snop  }
0x42: {  	[spmem:s26] =	stream.linear.scatter [tilespmem:s16], [sflag:$0x1], $0x2800, $0x38;
	[tilespmem:$0x1E100] =	vst v63  }
0x43: {  	_ = 	snop  }
0x44: {  	[spmem:s28] =	stream.linear.scatter [tilespmem:s16], [sflag:$0x1], $0x2800, $0x38;
	[tilespmem:$0x1E100] =	vst v63  }
0x45: {  	s11 =	rddreg [dreg:$0x8]  }
0x46: {  	[spmem:s11] =	stream.linear.scatter [tilespmem:s16], [sflag:$0x1], $0x2800, $0x38;
	[tilespmem:$0x1E100] =	vst v63  }
0x47: {  	s12 =	rddreg [dreg:$0x16]  }
0x48: {  	[spmem:s12] =	stream.linear.scatter [tilespmem:s16], [sflag:$0x1], $0x2800, $0x38;
	[tilespmem:$0x1E100] =	vst v63  }
0x49: {  	s23 =	rddreg [dreg:$0x17]  }
0x4a: {  	[spmem:s23] =	stream.linear.scatter [tilespmem:s16], [sflag:$0x1], $0x2800, $0x38;
	[tilespmem:$0x1E100] =	vst v63  }
0x4b: {  	_ =	swait.ge [sflag:s17], $0x2800  }
0x4c: {  	[sflag:s17] =	ssyncset.done $0x0  }
0x4d: {  	[sflag:s17] =	ssyncadd.s32 $0xFFFFD800  }
0x4e: {  	_ =	swait.ge [sflag:s17], $0x2800  }
0x4f: {  	[sflag:s17] =	ssyncset.done $0x0  }
0x50: {  	[sflag:s17] =	ssyncadd.s32 $0xFFFFD800  }
0x51: {  	_ =	swait.ge [sflag:s17], $0x2800  }
0x52: {  	[sflag:s17] =	ssyncset.done $0x0  }
0x53: {  	[sflag:s17] =	ssyncadd.s32 $0xFFFFD800  }
0x54: {  	_ =	swait.ge [sflag:s17], $0x2800  }
0x55: {  	[sflag:s17] =	ssyncset.done $0x0  }
0x56: {  	[sflag:s17] =	ssyncadd.s32 $0xFFFFD800  }
0x57: {  	_ =	swait.ge [sflag:s17], $0x2800  }
0x58: {  	[sflag:s17] =	ssyncset.done $0x0  }
0x59: {  	[sflag:s17] =	ssyncadd.s32 $0xFFFFD800  }
0x5a: {  	_ =	swait.ge [sflag:s17], $0x2800  }
0x5b: {  	[sflag:s17] =	ssyncset.done $0x0  }
0x5c: {  	[sflag:s17] =	ssyncadd.s32 $0xFFFFD800  }
0x5d: {  	_ =	swait.ge [sflag:s17], $0x2800  }
0x5e: {  	[sflag:s17] =	ssyncset.done $0x0  }
0x5f: {  	[sflag:s17] =	ssyncadd.s32 $0xFFFFD800  }
0x60: {  	_ =	swait.ge [sflag:s17], $0x2800  }
0x61: {  	[sflag:s17] =	ssyncset.done $0x0  }
0x62: {  	[sflag:s17] =	ssyncadd.s32 $0xFFFFD800  }
0x63: {  	s6 =	smov.u32 s24;
	s24 =	simm.s32 $0x0;
	[bflag:$0x0] =	sbarrier.arrive $0xFFFF  }
0x64: {  	[tilespmem:s16], [sflag:$0x1] =	stream.indirect.gather [hbm4b:s4+s18], $0x80, s24, s18, $0xb8;
	[tilespmem:$0x1E100] =	vst v63  }
0x65: {  	s11 =	rddreg [dreg:$0x9]  }
0x66: {  	[tilespmem:s19], [sflag:$0x4] =	stream.linear.gather [hbm4b:s11+s24], $0x50, $0x38;
	[tilespmem:$0x1E100] =	vst v63  }
0x67: {  	_ = 	snop  }
0x68: {  	[tilespmem:s20], [sflag:$0x2] =	stream.indirect.gather [hbm4b:s4+s18], $0x80, s18, s18, $0xb8;
	[tilespmem:$0x1E100] =	vst v63  }
0x69: {  	s25 =	rddreg [dreg:$0x18]  }
0x6a: {  	[tilespmem:s21], [sflag:$0x5] =	stream.linear.gather [hbm4b:s25+s24], $0x50, $0x38;
	[tilespmem:$0x1E100] =	vst v63  }
0x6b: {  	s26 =	simm.s32 $0xA0  }
0x6c: {  	[tilespmem:s22], [sflag:$0x3] =	stream.indirect.gather [hbm4b:s4+s18], $0x80, s26, s18, $0xb8;
	[tilespmem:$0x1E100] =	vst v63  }
0x6d: {  	s28 =	rddreg [dreg:$0x19]  }
0x6e: {  	[tilespmem:s29], [sflag:$0x6] =	stream.linear.gather [hbm4b:s28+s24], $0x50, $0x38;
	[tilespmem:$0x1E100] =	vst v63  }
0x6f: {  	_ =	swait.ge [sflag:s17], $0x2800  }
0x70: {  	[sflag:s17] =	ssyncset.done $0x0  }
0x71: {  	[sflag:s17] =	ssyncadd.s32 $0xFFFFD800  }
0x72: {  	_ =	swait.ge [sflag:s30], $0x50  }
0x73: {  	[sflag:s30] =	ssyncset.done $0x0  }
0x74: {  	[sflag:s30] =	ssyncadd.s32 $0xFFFFFFB0  }
0x75: {  	[spmem:s2] =	stream.indirect.scatter.add.f32 [tilespmem:s16], [sflag:$0x7], $0x80, s19, s18, $0xb8;
	[tilespmem:$0x1E100] =	vst v63  }
0x76: {  	_ =	swait.ge [sflag:s31], $0x2800  }
0x77: {  	[sflag:s31] =	ssyncset.done $0x0  }
0x78: {  	[sflag:s31] =	ssyncadd.s32 $0xFFFFD800  }
0x79: {  	_ =	swait.ge [sflag:s1], $0x50  }
0x7a: {  	[sflag:s1] =	ssyncset.done $0x0  }
0x7b: {  	[sflag:s1] =	ssyncadd.s32 $0xFFFFFFB0  }
0x7c: {  	[spmem:s2] =	stream.indirect.scatter.add.f32 [tilespmem:s20], [sflag:$0x8], $0x80, s21, s18, $0xb8;
	[tilespmem:$0x1E100] =	vst v63  }
0x7d: {  	_ =	swait.ge [sflag:s0], $0x2800  }
0x7e: {  	[sflag:s0] =	ssyncset.done $0x0  }
0x7f: {  	[sflag:s0] =	ssyncadd.s32 $0xFFFFD800  }
0x80: {  	_ =	swait.ge [sflag:s7], $0x50  }
0x81: {  	[sflag:s7] =	ssyncset.done $0x0  }
0x82: {  	[sflag:s7] =	ssyncadd.s32 $0xFFFFFFB0  }
0x83: {  	[spmem:s2] =	stream.indirect.scatter.add.f32 [tilespmem:s22], [sflag:$0x9], $0x80, s29, s18, $0xb8;
	[tilespmem:$0x1E100] =	vst v63  }
0x84: {  	_ =	swait.ge [sflag:s14], $0x2800  }
0x85: {  	[sflag:s14] =	ssyncset.done $0x0;
	s24 =	rddreg [dreg:$0x15]  }
0x86: {  	s12 =	simm.s32 $0xF0;
	[sflag:s14] =	ssyncadd.s32 $0xFFFFD800;
	s23 =	sshrl.u32 s24, $0x3  }
0x87: {  	[tilespmem:s16], [sflag:$0x1] =	stream.indirect.gather [hbm4b:s4+s18], $0x80, s12, s18, $0xb8;
	[tilespmem:$0x1E100] =	vst v63  }
0x88: {  	s25 =	sadd.s32 s5, s23  }
0x89: {  	[tilespmem:s19], [sflag:$0x4] =	stream.linear.gather [hbm4b:s25+s3], $0x50, $0x38;
	[tilespmem:$0x1E100] =	vst v63  }
0x8a: {  	_ =	swait.ge [sflag:s13], $0x2800  }
0x8b: {  	[sflag:s13] =	ssyncset.done $0x0  }
0x8c: {  	s26 =	simm.s32 $0x140;
	[sflag:s13] =	ssyncadd.s32 $0xFFFFD800  }
0x8d: {  	[tilespmem:s20], [sflag:$0x2] =	stream.indirect.gather [hbm4b:s4+s18], $0x80, s26, s18, $0xb8;
	[tilespmem:$0x1E100] =	vst v63  }
0x8e: {  	s12 =	rddreg [dreg:$0x14]  }
0x8f: {  	[tilespmem:s21], [sflag:$0x5] =	stream.linear.gather [hbm4b:s12+s3], $0x50, $0x38;
	[tilespmem:$0x1E100] =	vst v63  }
0x90: {  	s10 =	simm.s32 $0x3C0;
	s28 =	simm.s32 $0x190;
	_ =	swait.ge [sflag:s8], $0x2800  }
0x91: {  	s24 =	sadd.s32 $0xF0, s24;
	[sflag:s8] =	ssyncset.done $0x0;
	s23 =	rddreg [dreg:$0x13]  }
0x92: {  	s12 =	sadd.s32 $0x1E, s12;
	[sflag:s8] =	ssyncadd.s32 $0xFFFFD800;
	s11 =	sadd.s32 $0x1E, s23  }
0x93: {  	[tilespmem:s22], [sflag:$0x3] =	stream.indirect.gather [hbm4b:s4+s18], $0x80, s28, s18, $0xb8;
	[tilespmem:$0x1E100] =	vst v63  }
.LBB2_4:
0x94: {  	[tilespmem:s29], [sflag:$0x6] =	stream.linear.gather [hbm4b:s23+s3], $0x50, $0x38;
	[tilespmem:$0x1E100] =	vst v63  }
0x95: {  	s25 =	smov.u32 s10;
	s23 =	smov.u32 s11  }
0x96: {  	p1 =	sne.s32 s10, $0x8E80;
	s10 =	sadd.s32 $0x3C0, s10;
	_ =	swait.ge [sflag:s17], $0x2800  }
0x97: {  	[sflag:s17] =	ssyncset.done $0x0  }
0x98: {  	[sflag:s17] =	ssyncadd.s32 $0xFFFFD800  }
0x99: {  	_ =	swait.ge [sflag:s30], $0x50  }
0x9a: {  	[sflag:s30] =	ssyncset.done $0x0  }
0x9b: {  	[sflag:s30] =	ssyncadd.s32 $0xFFFFFFB0  }
0x9c: {  	[spmem:s2] =	stream.indirect.scatter.add.f32 [tilespmem:s16], [sflag:$0x7], $0x80, s19, s18, $0xb8;
	[tilespmem:$0x1E100] =	vst v63  }
0x9d: {  	_ =	swait.ge [sflag:s31], $0x2800  }
0x9e: {  	[sflag:s31] =	ssyncset.done $0x0  }
0x9f: {  	[sflag:s31] =	ssyncadd.s32 $0xFFFFD800  }
0xa0: {  	_ =	swait.ge [sflag:s1], $0x50  }
0xa1: {  	[sflag:s1] =	ssyncset.done $0x0  }
0xa2: {  	[sflag:s1] =	ssyncadd.s32 $0xFFFFFFB0  }
0xa3: {  	[spmem:s2] =	stream.indirect.scatter.add.f32 [tilespmem:s20], [sflag:$0x8], $0x80, s21, s18, $0xb8;
	[tilespmem:$0x1E100] =	vst v63  }
0xa4: {  	_ =	swait.ge [sflag:s0], $0x2800  }
0xa5: {  	[sflag:s0] =	ssyncset.done $0x0  }
0xa6: {  	[sflag:s0] =	ssyncadd.s32 $0xFFFFD800  }
0xa7: {  	_ =	swait.ge [sflag:s7], $0x50  }
0xa8: {  	[sflag:s7] =	ssyncset.done $0x0  }
0xa9: {  	[sflag:s7] =	ssyncadd.s32 $0xFFFFFFB0  }
0xaa: {  	[spmem:s2] =	stream.indirect.scatter.add.f32 [tilespmem:s22], [sflag:$0x9], $0x80, s29, s18, $0xb8;
	[tilespmem:$0x1E100] =	vst v63  }
0xab: {  	_ =	swait.ge [sflag:s14], $0x2800  }
0xac: {  	s25 =	sshra.s32 s25, $0x2;
	[sflag:s14] =	ssyncset.done $0x0  }
0xad: {  	s28 =	sshrl.u32 s24, $0x3;
	s26 =	sadd.s32 $0xF0, s25;
	[sflag:s14] =	ssyncadd.s32 $0xFFFFD800  }
0xae: {  	[tilespmem:s16], [sflag:$0x1] =	stream.indirect.gather [hbm4b:s4+s18], $0x80, s26, s18, $0xb8;
	[tilespmem:$0x1E100] =	vst v63  }
0xaf: {  	s26 =	sadd.s32 s5, s28  }
0xb0: {  	[tilespmem:s19], [sflag:$0x4] =	stream.linear.gather [hbm4b:s26+s3], $0x50, $0x38;
	[tilespmem:$0x1E100] =	vst v63  }
0xb1: {  	_ =	swait.ge [sflag:s13], $0x2800  }
0xb2: {  	[sflag:s13] =	ssyncset.done $0x0  }
0xb3: {  	s26 =	sadd.s32 $0x140, s25;
	[sflag:s13] =	ssyncadd.s32 $0xFFFFD800  }
0xb4: {  	[tilespmem:s20], [sflag:$0x2] =	stream.indirect.gather [hbm4b:s4+s18], $0x80, s26, s18, $0xb8;
	[tilespmem:$0x1E100] =	vst v63  }
0xb5: {  	_ = 	snop  }
0xb6: {  	[tilespmem:s21], [sflag:$0x5] =	stream.linear.gather [hbm4b:s12+s3], $0x50, $0x38;
	[tilespmem:$0x1E100] =	vst v63  }
.Ltmp1:
0xb7: {  	_ =	swait.ge [sflag:s8], $0x2800;
	(pc) =	sbr.rel @p1 .LBB2_4-.Ltmp1, $4  }
0xb8: {  	[sflag:s8] =	ssyncset.done $0x0  }
0xb9: {  	s25 =	sadd.s32 $0x190, s25;
	[sflag:s8] =	ssyncadd.s32 $0xFFFFD800  }
0xba: {  	[tilespmem:s22], [sflag:$0x3] =	stream.indirect.gather [hbm4b:s4+s18], $0x80, s25, s18, $0xb8;
	[tilespmem:$0x1E100] =	vst v63  }
0xbb: {  	s11 =	sadd.s32 $0x1E, s11;
	s24 =	sadd.s32 $0xF0, s24;
	s12 =	sadd.s32 $0x1E, s12  }
0xbc: {  	[tilespmem:s29], [sflag:$0x6] =	stream.linear.gather [hbm4b:s23+s3], $0x50, $0x38;
	[tilespmem:$0x1E100] =	vst v63  }
0xbd: {  	_ =	swait.ge [sflag:s17], $0x2800  }
0xbe: {  	[sflag:s17] =	ssyncset.done $0x0  }
0xbf: {  	[sflag:s17] =	ssyncadd.s32 $0xFFFFD800  }
0xc0: {  	_ =	swait.ge [sflag:s30], $0x50  }
0xc1: {  	[sflag:s30] =	ssyncset.done $0x0  }
0xc2: {  	[sflag:s30] =	ssyncadd.s32 $0xFFFFFFB0  }
0xc3: {  	[spmem:s2] =	stream.indirect.scatter.add.f32 [tilespmem:s16], [sflag:$0x7], $0x80, s19, s18, $0xb8;
	[tilespmem:$0x1E100] =	vst v63  }
0xc4: {  	_ =	swait.ge [sflag:s31], $0x2800  }
0xc5: {  	[sflag:s31] =	ssyncset.done $0x0  }
0xc6: {  	[sflag:s31] =	ssyncadd.s32 $0xFFFFD800  }
0xc7: {  	_ =	swait.ge [sflag:s1], $0x50  }
0xc8: {  	[sflag:s1] =	ssyncset.done $0x0  }
0xc9: {  	[sflag:s1] =	ssyncadd.s32 $0xFFFFFFB0  }
0xca: {  	[spmem:s2] =	stream.indirect.scatter.add.f32 [tilespmem:s20], [sflag:$0x8], $0x80, s21, s18, $0xb8;
	[tilespmem:$0x1E100] =	vst v63  }
0xcb: {  	_ =	swait.ge [sflag:s0], $0x2800  }
0xcc: {  	[sflag:s0] =	ssyncset.done $0x0  }
0xcd: {  	[sflag:s0] =	ssyncadd.s32 $0xFFFFD800  }
0xce: {  	_ =	swait.ge [sflag:s7], $0x50  }
0xcf: {  	[sflag:s7] =	ssyncset.done $0x0  }
0xd0: {  	[sflag:s7] =	ssyncadd.s32 $0xFFFFFFB0  }
0xd1: {  	[spmem:s2] =	stream.indirect.scatter.add.f32 [tilespmem:s22], [sflag:$0x9], $0x80, s29, s18, $0xb8;
	[tilespmem:$0x1E100] =	vst v63  }
0xd2: {  	_ =	swait.ge [sflag:s14], $0x2800  }
0xd3: {  	[sflag:s14] =	ssyncset.done $0x0  }
0xd4: {  	s10 =	simm.s32 $0x2580;
	[sflag:s14] =	ssyncadd.s32 $0xFFFFD800  }
0xd5: {  	[tilespmem:s16], [sflag:$0x1] =	stream.indirect.gather [hbm4b:s4+s18], $0x80, s10, s18, $0xb8;
	[tilespmem:$0x1E100] =	vst v63  }
0xd6: {  	s26 =	rddreg [dreg:$0x1a]  }
0xd7: {  	[tilespmem:s19], [sflag:$0x4] =	stream.linear.gather [hbm4b:s26+s3], $0x50, $0x38;
	[tilespmem:$0x1E100] =	vst v63  }
0xd8: {  	_ =	swait.ge [sflag:s17], $0x2800  }
0xd9: {  	[sflag:s17] =	ssyncset.done $0x0  }
0xda: {  	[sflag:s17] =	ssyncadd.s32 $0xFFFFD800  }
0xdb: {  	_ =	swait.ge [sflag:s30], $0x50  }
0xdc: {  	[sflag:s30] =	ssyncset.done $0x0  }
0xdd: {  	[sflag:s30] =	ssyncadd.s32 $0xFFFFFFB0  }
0xde: {  	[spmem:s2] =	stream.indirect.scatter.add.f32 [tilespmem:s16], [sflag:$0x7], $0x80, s19, s18, $0xb8;
	[tilespmem:$0x1E100] =	vst v63  }
0xdf: {  	_ =	swait.ge [sflag:s13], $0x2800  }
0xe0: {  	[sflag:s13] =	ssyncset.done $0x0  }
0xe1: {  	s11 =	simm.s32 $0x25D0;
	[sflag:s13] =	ssyncadd.s32 $0xFFFFD800  }
0xe2: {  	[tilespmem:s20], [sflag:$0x2] =	stream.indirect.gather [hbm4b:s4+s18], $0x80, s11, s18, $0xb8;
	[tilespmem:$0x1E100] =	vst v63  }
0xe3: {  	s12 =	rddreg [dreg:$0x1b]  }
0xe4: {  	[tilespmem:s21], [sflag:$0x5] =	stream.linear.gather [hbm4b:s12+s3], $0x50, $0x38;
	[tilespmem:$0x1E100] =	vst v63  }
0xe5: {  	_ =	swait.ge [sflag:s31], $0x2800  }
0xe6: {  	[sflag:s31] =	ssyncset.done $0x0  }
0xe7: {  	[sflag:s31] =	ssyncadd.s32 $0xFFFFD800  }
0xe8: {  	_ =	swait.ge [sflag:s1], $0x50  }
0xe9: {  	[sflag:s1] =	ssyncset.done $0x0  }
0xea: {  	[sflag:s1] =	ssyncadd.s32 $0xFFFFFFB0  }
0xeb: {  	[spmem:s2] =	stream.indirect.scatter.add.f32 [tilespmem:s20], [sflag:$0x8], $0x80, s21, s18, $0xb8;
	[tilespmem:$0x1E100] =	vst v63  }
0xec: {  	_ =	swait.ge [sflag:s8], $0x2800  }
0xed: {  	[sflag:s8] =	ssyncset.done $0x0  }
0xee: {  	s23 =	simm.s32 $0x2620;
	[sflag:s8] =	ssyncadd.s32 $0xFFFFD800  }
0xef: {  	[tilespmem:s22], [sflag:$0x3] =	stream.indirect.gather [hbm4b:s4+s18], $0x80, s23, s18, $0xb8;
	[tilespmem:$0x1E100] =	vst v63  }
0xf0: {  	s24 =	rddreg [dreg:$0x1c]  }
0xf1: {  	[tilespmem:s29], [sflag:$0x6] =	stream.linear.gather [hbm4b:s24+s3], $0x50, $0x38;
	[tilespmem:$0x1E100] =	vst v63  }
0xf2: {  	_ =	swait.ge [sflag:s0], $0x2800  }
0xf3: {  	[sflag:s0] =	ssyncset.done $0x0  }
0xf4: {  	[sflag:s0] =	ssyncadd.s32 $0xFFFFD800  }
0xf5: {  	_ =	swait.ge [sflag:s7], $0x50  }
0xf6: {  	[sflag:s7] =	ssyncset.done $0x0  }
0xf7: {  	[sflag:s7] =	ssyncadd.s32 $0xFFFFFFB0  }
0xf8: {  	[spmem:s2] =	stream.indirect.scatter.add.f32 [tilespmem:s22], [sflag:$0x9], $0x80, s29, s18, $0xb8;
	[tilespmem:$0x1E100] =	vst v63  }
0xf9: {  	_ =	swait.ge [sflag:s14], $0x2800  }
0xfa: {  	[sflag:s14] =	ssyncset.done $0x0  }
0xfb: {  	s25 =	simm.s32 $0x2670;
	[sflag:s14] =	ssyncadd.s32 $0xFFFFD800  }
0xfc: {  	[tilespmem:s16], [sflag:$0x1] =	stream.indirect.gather [hbm4b:s4+s18], $0x80, s25, s18, $0xb8;
	[tilespmem:$0x1E100] =	vst v63  }
0xfd: {  	s26 =	rddreg [dreg:$0x1d]  }
0xfe: {  	[tilespmem:s19], [sflag:$0x4] =	stream.linear.gather [hbm4b:s26+s3], $0x50, $0x38;
	[tilespmem:$0x1E100] =	vst v63  }
0xff: {  	_ =	swait.ge [sflag:s17], $0x2800  }
0x100: {  	[sflag:s17] =	ssyncset.done $0x0  }
0x101: {  	[sflag:s17] =	ssyncadd.s32 $0xFFFFD800  }
0x102: {  	_ =	swait.ge [sflag:s30], $0x50  }
0x103: {  	[sflag:s30] =	ssyncset.done $0x0  }
0x104: {  	[sflag:s30] =	ssyncadd.s32 $0xFFFFFFB0  }
0x105: {  	[spmem:s2] =	stream.indirect.scatter.add.f32 [tilespmem:s16], [sflag:$0x7], $0x80, s19, s18, $0xb8;
	[tilespmem:$0x1E100] =	vst v63  }
0x106: {  	_ =	swait.ge [sflag:s13], $0x2800  }
0x107: {  	[sflag:s13] =	ssyncset.done $0x0  }
0x108: {  	s11 =	simm.s32 $0x26C0;
	[sflag:s13] =	ssyncadd.s32 $0xFFFFD800  }
0x109: {  	[tilespmem:s20], [sflag:$0x2] =	stream.indirect.gather [hbm4b:s4+s18], $0x80, s11, s18, $0xb8;
	[tilespmem:$0x1E100] =	vst v63  }
0x10a: {  	s12 =	rddreg [dreg:$0x1e]  }
0x10b: {  	[tilespmem:s21], [sflag:$0x5] =	stream.linear.gather [hbm4b:s12+s3], $0x50, $0x38;
	[tilespmem:$0x1E100] =	vst v63  }
0x10c: {  	_ =	swait.ge [sflag:s31], $0x2800  }
0x10d: {  	[sflag:s31] =	ssyncset.done $0x0  }
0x10e: {  	[sflag:s31] =	ssyncadd.s32 $0xFFFFD800  }
0x10f: {  	_ =	swait.ge [sflag:s1], $0x50  }
0x110: {  	[sflag:s1] =	ssyncset.done $0x0  }
0x111: {  	[sflag:s1] =	ssyncadd.s32 $0xFFFFFFB0  }
0x112: {  	[spmem:s2] =	stream.indirect.scatter.add.f32 [tilespmem:s20], [sflag:$0x8], $0x80, s21, s18, $0xb8;
	[tilespmem:$0x1E100] =	vst v63  }
0x113: {  	_ =	swait.ge [sflag:s14], $0x2800  }
0x114: {  	[sflag:s14] =	ssyncset.done $0x0  }
0x115: {  	[sflag:s14] =	ssyncadd.s32 $0xFFFFD800  }
0x116: {  	_ =	swait.ge [sflag:s13], $0x2800  }
0x117: {  	[sflag:s13] =	ssyncset.done $0x0  }
0x118: {  	[sflag:s13] =	ssyncadd.s32 $0xFFFFD800  }
0x119: {  	_ =	swait.ge [sflag:s8], $0x2800  }
0x11a: {  	[sflag:s8] =	ssyncset.done $0x0  }
0x11b: {  	[sflag:s8] =	ssyncadd.s32 $0xFFFFD800  }
0x11c: {  	[bflag:$0x0] =	sbarrier.arrive $0xFFFF  }
0x11d: {  	[tilespmem:s16], [sflag:$0xA] =	stream.linear.gather [spmem:s6], $0x2800, $0x38;
	[tilespmem:$0x1E100] =	vst v63  }
0x11e: {  	_ =	swait.ge [sflag:s15], $0x2800  }
0x11f: {  	[sflag:s15] =	ssyncset.done $0x0  }
0x120: {  	s23 =	rddreg [dreg:$0xa];
	[sflag:s15] =	ssyncadd.s32 $0xFFFFD800  }
0x121: {  	[hbm4b:s23+s3] =	stream.linear.scatter [tilespmem:s16], [sflag:$0x4], $0x2800, $0x38;
	[tilespmem:$0x1E100] =	vst v63  }
0x122: {  	s23 =	rddreg [dreg:$0x4]  }
0x123: {  	[tilespmem:s20], [sflag:$0xA] =	stream.linear.gather [spmem:s23], $0x2800, $0x38;
	[tilespmem:$0x1E100] =	vst v63  }
0x124: {  	_ =	swait.ge [sflag:s15], $0x2800  }
0x125: {  	[sflag:s15] =	ssyncset.done $0x0  }
0x126: {  	s25 =	rddreg [dreg:$0xb];
	[sflag:s15] =	ssyncadd.s32 $0xFFFFD800  }
0x127: {  	[hbm4b:s25+s3] =	stream.linear.scatter [tilespmem:s20], [sflag:$0x5], $0x2800, $0x38;
	[tilespmem:$0x1E100] =	vst v63  }
0x128: {  	s25 =	rddreg [dreg:$0x5]  }
0x129: {  	[tilespmem:s22], [sflag:$0xA] =	stream.linear.gather [spmem:s25], $0x2800, $0x38;
	[tilespmem:$0x1E100] =	vst v63  }
0x12a: {  	_ =	swait.ge [sflag:s15], $0x2800  }
0x12b: {  	[sflag:s15] =	ssyncset.done $0x0  }
0x12c: {  	s26 =	rddreg [dreg:$0xc];
	[sflag:s15] =	ssyncadd.s32 $0xFFFFD800  }
0x12d: {  	[hbm4b:s26+s3] =	stream.linear.scatter [tilespmem:s22], [sflag:$0x6], $0x2800, $0x38;
	[tilespmem:$0x1E100] =	vst v63  }
0x12e: {  	_ =	swait.ge [sflag:s30], $0x2800  }
0x12f: {  	[sflag:s30] =	ssyncset.done $0x0  }
0x130: {  	s26 =	rddreg [dreg:$0x6];
	[sflag:s30] =	ssyncadd.s32 $0xFFFFD800  }
0x131: {  	[tilespmem:s16], [sflag:$0xA] =	stream.linear.gather [spmem:s26], $0x2800, $0x38;
	[tilespmem:$0x1E100] =	vst v63  }
0x132: {  	_ =	swait.ge [sflag:s15], $0x2800  }
0x133: {  	[sflag:s15] =	ssyncset.done $0x0  }
0x134: {  	s10 =	rddreg [dreg:$0xd];
	[sflag:s15] =	ssyncadd.s32 $0xFFFFD800  }
0x135: {  	[hbm4b:s10+s3] =	stream.linear.scatter [tilespmem:s16], [sflag:$0x4], $0x2800, $0x38;
	[tilespmem:$0x1E100] =	vst v63  }
0x136: {  	_ =	swait.ge [sflag:s1], $0x2800  }
0x137: {  	[sflag:s1] =	ssyncset.done $0x0  }
0x138: {  	s28 =	rddreg [dreg:$0x7];
	[sflag:s1] =	ssyncadd.s32 $0xFFFFD800  }
0x139: {  	[tilespmem:s20], [sflag:$0xA] =	stream.linear.gather [spmem:s28], $0x2800, $0x38;
	[tilespmem:$0x1E100] =	vst v63  }
0x13a: {  	_ =	swait.ge [sflag:s15], $0x2800  }
0x13b: {  	[sflag:s15] =	ssyncset.done $0x0  }
0x13c: {  	s10 =	simm.s32 @!p0 $0x6;
	s11 =	rddreg [dreg:$0xe];
	[sflag:s15] =	ssyncadd.s32 $0xFFFFD800  }
0x13d: {  	[hbm4b:s11+s3] =	stream.linear.scatter [tilespmem:s20], [sflag:$0x5], $0x2800, $0x38;
	[tilespmem:$0x1E100] =	vst v63  }
0x13e: {  	_ =	swait.ge @!p0 [sflag:s10], $0x2800  }
0x13f: {  	s24 =	smov.u32 s6;
	s11 =	simm.s32 @!p0 $0xA;
	[sflag:s10] =	ssyncset.done @!p0 $0x0  }
0x140: {  	s6 =	rddreg [dreg:$0x8];
	[sflag:s10] =	ssyncadd.s32 @!p0 $0xFFFFD800;
	s10 =	simm.s32 @!p0 $0x7900  }
0x141: {  	[tilespmem:s10], [sflag:$0xA] =	stream.linear.gather @!p0 [spmem:s6], $0x2800, $0x38;
	[tilespmem:$0x1E100] =	vst v63  }
0x142: {  	_ =	swait.ge @!p0 [sflag:s11], $0x2800  }
0x143: {  	[sflag:s11] =	ssyncset.done @!p0 $0x0  }
0x144: {  	s12 =	simm.s32 @!p0 $0x0;
	s6 =	rddreg [dreg:$0xf];
	[sflag:s11] =	ssyncadd.s32 @!p0 $0xFFFFD800  }
0x145: {  	[hbm4b:s6+s12] =	stream.linear.scatter @!p0 [tilespmem:s10], [sflag:$0x6], $0x2800, $0x38;
	[tilespmem:$0x1E100] =	vst v63  }
0x146: {  	s10 =	simm.s32 @!p0 $0x4  }
0x147: {  	_ =	swait.ge @!p0 [sflag:s10], $0x2800  }
0x148: {  	[sflag:s10] =	ssyncset.done @!p0 $0x0  }
0x149: {  	s6 =	rddreg [dreg:$0x16];
	[sflag:s10] =	ssyncadd.s32 @!p0 $0xFFFFD800;
	s10 =	simm.s32 @!p0 $0x2900  }
0x14a: {  	[tilespmem:s10], [sflag:$0xA] =	stream.linear.gather @!p0 [spmem:s6], $0x2800, $0x38;
	[tilespmem:$0x1E100] =	vst v63  }
0x14b: {  	_ =	swait.ge @!p0 [sflag:s11], $0x2800  }
0x14c: {  	[sflag:s11] =	ssyncset.done @!p0 $0x0  }
0x14d: {  	s6 =	rddreg [dreg:$0x10];
	[sflag:s11] =	ssyncadd.s32 @!p0 $0xFFFFD800  }
0x14e: {  	[hbm4b:s6+s12] =	stream.linear.scatter @!p0 [tilespmem:s10], [sflag:$0x4], $0x2800, $0x38;
	[tilespmem:$0x1E100] =	vst v63  }
0x14f: {  	s10 =	simm.s32 @!p0 $0x5  }
0x150: {  	_ =	swait.ge @!p0 [sflag:s10], $0x2800  }
0x151: {  	[sflag:s10] =	ssyncset.done @!p0 $0x0  }
0x152: {  	s6 =	rddreg [dreg:$0x17];
	[sflag:s10] =	ssyncadd.s32 @!p0 $0xFFFFD800;
	s10 =	simm.s32 @!p0 $0x5100  }
0x153: {  	[tilespmem:s10], [sflag:$0xA] =	stream.linear.gather @!p0 [spmem:s6], $0x2800, $0x38;
	[tilespmem:$0x1E100] =	vst v63  }
0x154: {  	_ =	swait.ge @!p0 [sflag:s11], $0x2800  }
0x155: {  	[sflag:s11] =	ssyncset.done @!p0 $0x0  }
0x156: {  	s6 =	rddreg [dreg:$0x11];
	[sflag:s11] =	ssyncadd.s32 @!p0 $0xFFFFD800  }
0x157: {  	[hbm4b:s6+s12] =	stream.linear.scatter @!p0 [tilespmem:s10], [sflag:$0x5], $0x2800, $0x38;
	[tilespmem:$0x1E100] =	vst v63  }
0x158: {  	_ =	swait.ge [sflag:s30], $0x2800  }
0x159: {  	[sflag:s30] =	ssyncset.done $0x0  }
0x15a: {  	[sflag:s30] =	ssyncadd.s32 $0xFFFFD800  }
0x15b: {  	_ =	swait.ge [sflag:s1], $0x2800  }
0x15c: {  	[sflag:s1] =	ssyncset.done $0x0  }
0x15d: {  	[sflag:s1] =	ssyncadd.s32 $0xFFFFD800  }
0x15e: {  	_ =	swait.ge [sflag:s7], $0x2800  }
0x15f: {  	s9 =	sadd.s32 $0x1, s9;
	s12 =	rddreg [dreg:$0x12]  }
0x160: {  	p1 =	sne.s32 s9, s12  }
.Ltmp2:
0x161: {  	_ = 	snop;
	(pc) =	sbr.rel @p1 .LBB2_1-.Ltmp2, $3  }
0x162: {  	_ =	sdelay $0x1  }
0x163: {  	[sflag:s7] =	ssyncset.done $0x0  }
0x164: {  	[sflag:s7] =	ssyncadd.s32 $0xFFFFD800  }
0x165: {  	_ =	sfence.sel $0x180000  }
0x166: {  	[bflag:$0x0] =	sbarrier.arrive $0xFFFF  }
0x167: {  	_ =	strace $0x9000004A  }
0x168: {  	s0 =	stileid.u32;
	[bflag:$0x2] =	sbarrier.arrive $0xFFFF  }
0x169: {  	p0 =	sne.s32 s0, $0x0;
	s0 =	rddreg [dreg:$0x2]  }
0x16a: {  	s0 =	sadd.s32 @!p0 $0x100000, s0  }
0x16b: {  	[sflag:s0] =	ssyncadd.tile.s32 @!p0 $0x1;
	_ =	shalt  }
.Lfunc_end2:
_tile_overlayer_lowered:
.L_overlay_start_2:
0x16c: {  	(tag) =	ssettag $0x2  }
0x16d: {  	s0 =	rddreg [dreg:$0x0];
	s2 =	stileid.u32  }
0x16e: {  	s1 =	rddreg [dreg:$0x1];
	p0 =	sne.s32 s2, $0x0  }
0x16f: {  	s3 =	rddreg [dreg:$0x2];
	[bflag:$0x3] =	sbarrier.arrive $0xFFFF;
	s2 =	simm.s32 @!p0 $0x1C0A  }
0x170: {  	[timem:s3], [sflag:s2] =	dma.local @!p0 [hbm:s0], s1  }
0x171: {  	s0 =	simm.s32 @!p0 $0xA  }
0x172: {  	_ =	swait.ge @!p0 [sflag:s0], s1  }
0x173: {  	s1 =	ssub.s32 @!p0 $0x0, s1;
	[sflag:s0] =	ssyncset.done @!p0 $0x0  }
0x174: {  	[sflag:s0] =	ssyncadd.s32 @!p0 s1  }
0x175: {  	[bflag:$0x3] =	sbarrier.arrive $0xFFFF  }
0x176: {  	_ =	shalt  }

// kernel: kernel.8.cloned.1.call-start
scs
__scs_entry_jumppad:
0x0: {  	(pc) =	sbr.rel $0x88, $3  }
0x1: {  	(tag) =	ssettag $0x0;
	lr =	simm.s32 $0x1  }
0x2: {  	[smem:$0x3F96] =	sst lr;
	_ =	strace $0xD0000000  }
0x3: {  	_ = 	snop  }
0x4: {  	_ = 	snop  }
0x5: {  	_ = 	snop  }
0x6: {  	_ = 	snop  }
0x7: {  	_ = 	snop  }
__scs_overlays_trampoline_lowered:
0x8: {  	[smem:$0x3FA5] =	sst s0  }
0x9: {  	[smem:$0x3FA6] =	sst s1  }
0xa: {  	[smem:$0x3FA7] =	sst s2  }
0xb: {  	[smem:$0x3FA8] =	sst s3  }
0xc: {  	[smem:$0x3FA9] =	sst s4  }
0xd: {  	[smem:$0x3FAA] =	sst s5  }
0xe: {  	[smem:$0x3FAB] =	sst s6  }
0xf: {  	[smem:$0x3FAC] =	sst s7  }
0x10: {  	[smem:$0x3FAD] =	sst s8  }
0x11: {  	[smem:$0x3FAE] =	sst s9;
	s0 =	simm.s32 @!p0 $0x0  }
0x12: {  	s1 =	sld [smem:$0x3F94];
	s0 =	simm.s32 @p0 $0x1  }
0x13: {  	[smem:$0x3FAF] =	sst s0;
	s0 =	simm.s32 @!p1 $0x0  }
0x14: {  	s2 =	sld [smem:$0x3F93];
	s0 =	simm.s32 @p1 $0x1  }
0x15: {  	[smem:$0x3FB0] =	sst s0;
	s0 =	simm.s32 @!p2 $0x0  }
0x16: {  	s3 =	sld [smem:$0x3FDB];
	s0 =	simm.s32 @p2 $0x1  }
0x17: {  	s4 =	simm.s32 $0x1BF5;
	[smem:$0x3FB2] =	sst s0  }
0x18: {  	s0 =	sld [smem:$0x3F95];
	_ =	swait.ge [sflag:s4], $0x0  }
0x19: {  	s7 =	sld [smem:$0x3F96]  }
0x1a: {  	s8 =	sadd.s32 $0xFFFFE003, lr  }
0x1b: {  	s9 =	sadd.s32 $0xFFFFFEF7, lr;
	s5 =	simm.s32 $0xFFFFFFFF;
	p2 =	slt.u32 s8, $0xFFFFF086  }
0x1c: {  	p1 =	slt.u32 s9, $0xF7A;
	s5 =	simm.s32 @!p2 $0x0  }
0x1d: {  	s5 =	simm.s32 @p1 $0x1;
	p0 =	seq.s32 s7, s2  }
0x1e: {  	s7 =	smul.u32 @!p0 $0xF7A, s2;
	p2 =	seq.s32 @!p0 s5, $0x0  }
0x1f: {  	s9 =	smul.u32 $0xF7A, s1;
	s8 =	simm.s32 @!p0 $0x1BF5;
	p2 =	por !p2, p0  }
0x20: {  	[sflag:s8] =	ssyncset.s32 @!p0 $0xFFFFF086;
	s6 =	sadd.s32 @!p0 s3, s7;
	s7 =	simm.s32 @!p0 $0x108  }
0x21: {  	s3 =	sadd.s32 s3, s9;
	s6 =	sadd.s32 @!p0 $0x88, s6;
	s7 =	simm.s32 @p2 $0x1082  }
0x22: {  	[simem:s7], [sflag:s8] =	dma.local @!p0 [hbm:s6], $0xF7A  }
0x23: {  	s9 =	sor.u32 $0xD0000000, s2;
	s6 =	simm.s32 $0x108;
	_ =	swait.ge @!p0 [sflag:s8], $0x0  }
0x24: {  	s3 =	sadd.s32 $0x88, s3;
	s6 =	simm.s32 @!p1 $0x1082;
	[sflag:s4] =	ssyncset.s32 $0xFFFFF086  }
0x25: {  	[simem:s6], [sflag:s4] =	dma.local [hbm:s3], $0xF7A  }
0x26: {  	[smem:$0x3F96] =	sst s1;
	(tag) =	ssettag s2;
	_ =	strace s9  }
0x27: {  	s1 =	sld [smem:$0x3FA6]  }
0x28: {  	s2 =	sld [smem:$0x3FA7]  }
0x29: {  	s4 =	sld [smem:$0x3FA9]  }
0x2a: {  	p0 =	seq.s32 s5, $0x0;
	s5 =	sld [smem:$0x3FAA]  }
0x2b: {  	s6 =	sld [smem:$0x3FAB]  }
0x2c: {  	s7 =	sld [smem:$0x3FAC]  }
0x2d: {  	s3 =	simm.s32 $0x108;
	s8 =	sld [smem:$0x3FAD]  }
0x2e: {  	s3 =	simm.s32 @!p0 $0x1082;
	s9 =	sld [smem:$0x3FAE]  }
0x2f: {  	lr =	sadd.s32 s0, s3;
	s0 =	sld [smem:$0x3FA5]  }
0x30: {  	s3 =	sld [smem:$0x3FA8]  }
0x31: {  	[smem:$0x3FB1] =	sst s10  }
0x32: {  	s10 =	sld [smem:$0x3FAF];
	_ =	sdelay $0x3  }
0x33: {  	p0 =	seq.s32 s10, $0x1;
	s10 =	sld [smem:$0x3FB1];
	_ =	sdelay $0x3  }
0x34: {  	[smem:$0x3FB1] =	sst s10  }
0x35: {  	s10 =	sld [smem:$0x3FB0];
	_ =	sdelay $0x3  }
0x36: {  	p1 =	seq.s32 s10, $0x1;
	s10 =	sld [smem:$0x3FB1];
	_ =	sdelay $0x3  }
0x37: {  	[smem:$0x3FB1] =	sst s10  }
0x38: {  	s10 =	sld [smem:$0x3FB2]  }
0x39: {  	_ = 	snop;
	(pc) =	sbr.ind lr, $3  }
0x3a: {  	_ = 	snop  }
0x3b: {  	_ = 	snop  }
0x3c: {  	p2 =	seq.s32 s10, $0x1;
	s10 =	sld [smem:$0x3FB1]  }
0x3d: {  	_ =	shalt  }
0x3e: {  	_ =	shalt  }
0x3f: {  	_ =	shalt  }
0x40: {  	_ =	shalt  }
0x41: {  	_ =	shalt  }
0x42: {  	_ =	shalt  }
0x43: {  	_ =	shalt  }
0x44: {  	_ =	shalt  }
0x45: {  	_ =	shalt  }
0x46: {  	_ =	shalt  }
0x47: {  	_ =	shalt  }
0x48: {  	_ =	shalt  }
0x49: {  	_ =	shalt  }
0x4a: {  	_ =	shalt  }
0x4b: {  	_ =	shalt  }
0x4c: {  	_ =	shalt  }
0x4d: {  	_ =	shalt  }
0x4e: {  	_ =	shalt  }
0x4f: {  	_ =	shalt  }
0x50: {  	_ =	shalt  }
0x51: {  	_ =	shalt  }
0x52: {  	_ =	shalt  }
0x53: {  	_ =	shalt  }
0x54: {  	_ =	shalt  }
0x55: {  	_ =	shalt  }
0x56: {  	_ =	shalt  }
0x57: {  	_ =	shalt  }
0x58: {  	_ =	shalt  }
0x59: {  	_ =	shalt  }
0x5a: {  	_ =	shalt  }
0x5b: {  	_ =	shalt  }
0x5c: {  	_ =	shalt  }
0x5d: {  	_ =	shalt  }
0x5e: {  	_ =	shalt  }
0x5f: {  	_ =	shalt  }
0x60: {  	_ =	shalt  }
0x61: {  	_ =	shalt  }
0x62: {  	_ =	shalt  }
0x63: {  	_ =	shalt  }
0x64: {  	_ =	shalt  }
0x65: {  	_ =	shalt  }
0x66: {  	_ =	shalt  }
0x67: {  	_ =	shalt  }
0x68: {  	_ =	shalt  }
0x69: {  	_ =	shalt  }
0x6a: {  	_ =	shalt  }
0x6b: {  	_ =	shalt  }
0x6c: {  	_ =	shalt  }
0x6d: {  	_ =	shalt  }
0x6e: {  	_ =	shalt  }
0x6f: {  	_ =	shalt  }
0x70: {  	_ =	shalt  }
0x71: {  	_ =	shalt  }
0x72: {  	_ =	shalt  }
0x73: {  	_ =	shalt  }
0x74: {  	_ =	shalt  }
0x75: {  	_ =	shalt  }
0x76: {  	_ =	shalt  }
0x77: {  	_ =	shalt  }
0x78: {  	_ =	shalt  }
0x79: {  	_ =	shalt  }
0x7a: {  	_ =	shalt  }
0x7b: {  	_ =	shalt  }
0x7c: {  	_ =	shalt  }
0x7d: {  	_ =	shalt  }
0x7e: {  	_ =	shalt  }
0x7f: {  	_ =	shalt  }
0x80: {  	_ =	shalt  }
0x81: {  	_ =	shalt  }
0x82: {  	_ =	shalt  }
0x83: {  	_ =	shalt  }
0x84: {  	_ =	shalt  }
0x85: {  	_ =	shalt  }
0x86: {  	_ =	shalt  }
0x87: {  	_ =	shalt  }
.Lfunc_end0:
.L_simem_size_0:
called_computation_lowered:
.L_overlay_start_0:
0x88: {  	s2 =	sld [smem:$0x3FD9]  }
0x89: {  	s3 =	sld [smem:$0x3FFE];
	_ =	sdelay $0x1  }
0x8a: {  	s1 =	srdreg.scid  }
0x8b: {  	s0 =	sand.u32 $0x1, s1  }
0x8c: {  	s16 =	sshll.u32 s0, $0xA;
	s2 =	sadd.s32 s3, s2  }
0x8d: {  	s2 =	sadd.s32 s2, s16  }
0x8e: {  	[smem:$0x3FBD] =	sst s2  }
0x8f: {  	_ = 	snop  }
0x90: {  	(tm) =	ssettm $0x1  }
0x91: {  	s17 =	sld [smem:$0x3FFB];
	_ =	sdelay $0x3  }
0x92: {  	_ =	strace s17  }
0x93: {  	s2 =	sld [smem:$0x3FFC];
	_ =	sdelay $0x3  }
0x94: {  	_ =	strace s2  }
0x95: {  	s2 =	sld [smem:$0x3FFD];
	_ =	sdelay $0x3  }
0x96: {  	_ =	strace s2  }
0x97: {  	_ =	strace $0x8FFFFFFF  }
0x98: {  	s18 =	sld [smem:$0x3FDB];
	_ =	sdelay $0x1  }
0x99: {  	s19 =	simm.s32 $_scs_section_size  }
0x9a: {  	s4 =	simm.s32 $_size__tile_overlayer_lowered;
	s5 =	simm.s32 $_tile_overlayer_lowered  }
0x9b: {  	s22 =	simm.s32 $0x1BFF;
	s21 =	sshll.u32 s5, $0x1;
	s2 =	sadd.s32 s19, s18  }
0x9c: {  	s6 =	simm.s32 $0x0;
	s20 =	sshll.u32 s4, $0x1;
	s4 =	sadd.s32 s21, s2  }
0x9d: {  	[timem:s6], [sflag:s22] =	dma.local [hbm:s4], s20  }
0x9e: {  	_ =	swait.ge [sflag:s22], s20  }
0x9f: {  	s3 =	ssub.s32 $0x0, s20;
	[sflag:s22] =	ssyncset.done $0x0  }
0xa0: {  	[sflag:s22] =	ssyncadd.s32 s3;
	_ =	sdelay $0x1  }
0xa1: {  	s23 =	simm.s32 $0x1B8B  }
0xa2: {  	_ =	swait.ge [sflag:s23], $0x1  }
0xa3: {  	[sflag:s23] =	ssyncset.done $0x0  }
0xa4: {  	s25 =	simm.s32 $0x1B8E;
	s24 =	sld [smem:$0x3FFE];
	[sflag:s23] =	ssyncadd.s32 $0xFFFFFFFF  }
0xa5: {  	s26 =	simm.s32 $execute0_lowered;
	[smem:$0x3FD2] =	sst s25  }
0xa6: {  	s4 =	sshll.u32 s26, $0x1;
	_ =	strace $0x80000046;
	[dreg:$0x1] =	wrdreg $0xFFFFFFFF  }
0xa7: {  	s28 =	simm.s32 $_size_execute0_lowered;
	s2 =	sadd.s32 s2, s4;
	[dreg:$0x0] =	wrdreg $0x0  }
0xa8: {  	s4 =	sshll.u32 s28, $0x1;
	[dreg:$0x2] =	wrdreg s2  }
0xa9: {  	[dreg:$0x3] =	wrdreg s4  }
0xaa: {  	[dreg:$0x4] =	wrdreg $0xC0  }
0xab: {  	_ =	task [dreg:s6], $0x5FFFF  }
0xac: {  	[dreg:$0x1] =	wrdreg $0xFFFFFFFF  }
0xad: {  	[dreg:$0x0] =	wrdreg $0x60  }
0xae: {  	[dreg:$0x2] =	wrdreg s24  }
0xaf: {  	[dreg:$0x3] =	wrdreg $0x5800  }
0xb0: {  	[dreg:$0x4] =	wrdreg $0x9  }
0xb1: {  	_ =	task.clear_ibuf [dreg:s6], $0x5FFFF;
	_ =	strace $0x90000046  }
0xb2: {  	s29 =	simm.s32 $0x9;
	_ =	strace $0x80000048  }
0xb3: {  	_ =	swait.ge [sflag:s29], $0x1  }
0xb4: {  	[sflag:s29] =	ssyncadd.s32 $0xFFFFFFFF  }
0xb5: {  	_ =	strace $0x90000048  }
0xb6: {  	_ =	sfence  }
0xb7: {  	s30 =	sld [smem:$0x0];
	_ =	sdelay $0x2  }
0xb8: {  	s31 =	sshll.u32 s1, $0xD;
	s1 =	sshrl.u32 s1, $0x2  }
0xb9: {  	s3 =	sand.u32 $0x4000, s31;
	s1 =	sadd.s32 s1, s30  }
0xba: {  	s0 =	sor.u32 s3, s0;
	s1 =	sshll.u32 s1, $0x11  }
0xbb: {  	s0 =	sor.u32 s1, s0  }
0xbc: {  	s0 =	sadd.s32 $0x8F2B, s0  }
0xbd: {  	[sflag:s0] =	ssyncadd.remote.s32 $0x1  }
0xbe: {  	_ =	sfence.sel $0xFFFF  }
0xbf: {  	[dreg:$0x0] =	wrdreg $0xFFFFFFFF;
	(pc) =	sbr.abs _section_cstart, $3  }
0xc0: {  	[dreg:$0x1] =	wrdreg $0xFFFFFFFF  }
0xc1: {  	_ =	task.clear_ibuf [dreg:s6], $0x2FFFF;
	_ =	strace $0x9FFFFFFF  }
0xc2: {  	(tm) =	ssettm $0x7FFFFFFF  }
0xc3: {  	_ =	shalt  }
tec
execute0_lowered:
.L_overlay_start_1:
0x0: {  	(tag) =	ssettag $0x1  }
0x1: {  	s0 =	rddreg [dreg:$0x0]  }
0x2: {  	s2 =	rddreg [dreg:$0x1];
	s3 =	simm.s32 $0x0;
	s1 =	srdreg.scid  }
0x3: {  	s11 =	stileid.u32;
	s28 =	simm.s32 $0x50;
	s29 =	simm.s32 $0x2  }
0x4: {  	s30 =	simm.s32 $0x3;
	s31 =	simm.s32 $0x4;
	[smem:$0x7FF] =	sst s3  }
0x5: {  	s1 =	sand.u32 $0x1, s1;
	s4 =	sshll.u32 s11, $0x1;
	s8 =	smul.u32 $0x280, s11  }
0x6: {  	s9 =	smul.u32 $0x4E20, s11;
	p0 =	seq.s32 s11, $0xF;
	s11 =	simm.s32 $0x0  }
0x7: {  	s5 =	sor.u32 s1, s4;
	s6 =	ssub.s32 $0x2, s1;
	s1 =	smul.u32 $0x2710, s1  }
0x8: {  	_ =	strace $0x80000047;
	s5 =	smul.u32 $0x2710, s5;
	s7 =	sshrl.u32 s6, $0x1  }
0x9: {  	s4 =	sadd.s32 $0x3200, s0;
	s0 =	sadd.s32 $0x16E00, s0;
	s7 =	ssub.s32 s6, s7  }
0xa: {  	s9 =	sadd.s32 s1, s9;
	s17 =	sshrl.u32 s5, $0x3;
	s5 =	sadd.s32 s8, s2  }
0xb: {  	s8 =	sadd.s32 s8, s1;
	s1 =	sshrl.u32 s1, $0x3;
	s20 =	sadd.s32 $0x2D0, s9  }
0xc: {  	s23 =	smax.u32 s7, $0x1;
	s24 =	sadd.s32 $0x280, s9;
	s25 =	sadd.s32 $0x230, s9  }
0xd: {  	s26 =	sadd.s32 $0x1E0, s9;
	s12 =	sadd.s32 $0x190, s9;
	s9 =	simm.s32 $0x9  }
0xe: {  	s6 =	sadd.s32 s4, s17;
	s8 =	sshrl.u32 s8, $0x3;
	s22 =	sshrl.u32 s20, $0x3  }
0xf: {  	[dreg:$0xa] =	wrdreg s23;
	s7 =	sshrl.u32 s26, $0x3;
	s20 =	simm.s32 $0xB  }
0x10: {  	s23 =	simm.s32 $0x400;
	s26 =	simm.s32 $0x1;
	s10 =	sadd.s32 $0xA, s6  }
0x11: {  	s18 =	sadd.s32 $0x14, s6;
	s19 =	sadd.s32 $0x1E, s6;
	[dreg:$0x3] =	wrdreg s6  }
0x12: {  	s6 =	sadd.s32 $0x28, s6;
	s21 =	sadd.s32 s0, s8;
	s0 =	sadd.s32 s0, s1  }
0x13: {  	s14 =	sadd.s32 s22, s4;
	s1 =	sshrl.u32 s25, $0x3;
	[dreg:$0x4] =	wrdreg s10  }
0x14: {  	s17 =	sadd.s32 s7, s4;
	s22 =	simm.s32 $0x380;
	[dreg:$0x5] =	wrdreg s18  }
0x15: {  	s25 =	simm.s32 $0x500;
	s7 =	simm.s32 $0x7;
	[dreg:$0x6] =	wrdreg s19  }
.Ltmp0:
0x16: {  	s8 =	simm.s32 $0x8;
	[dreg:$0x7] =	wrdreg s6;
	(pc) =	sbr.rel .LBB2_1-.Ltmp0, $4  }
0x17: {  	[dreg:$0x8] =	wrdreg s21;
	s0 =	sadd.s32 $0x4B0, s0;
	s16 =	sadd.s32 s1, s4  }
0x18: {  	s19 =	simm.s32 $0x80;
	s21 =	simm.s32 $0x300;
	s1 =	simm.s32 $0x6  }
0x19: {  	s10 =	simm.s32 $0xA;
	[dreg:$0x9] =	wrdreg s0;
	s0 =	sshrl.u32 s24, $0x3  }
0x1a: {  	v0 =	vimm.f32 $1.000000000e+00;
	v1 =	vimm.f32 $0.0e+00;
	s24 =	simm.s32 $0x480;
	s15 =	sadd.s32 s0, s4;
	s0 =	simm.s32 $0x5  }
.LBB2_4:
0x1b: {  	_ =	swait.ge [sflag:s7], $0x50  }
0x1c: {  	[sflag:s7] =	ssyncset.done $0x0  }
0x1d: {  	[sflag:s7] =	ssyncadd.s32 $0xFFFFFFB0  }
0x1e: {  	_ =	swait.ge [sflag:s8], $0x50  }
0x1f: {  	[sflag:s8] =	ssyncset.done $0x0  }
0x20: {  	[sflag:s8] =	ssyncadd.s32 $0xFFFFFFB0  }
0x21: {  	_ =	swait.ge [sflag:s9], $0x50  }
0x22: {  	[sflag:s9] =	ssyncset.done $0x0  }
0x23: {  	[sflag:s9] =	ssyncadd.s32 $0xFFFFFFB0  }
0x24: {  	_ =	swait.ge [sflag:s10], $0x50  }
0x25: {  	[sflag:s10] =	ssyncset.done $0x0  }
0x26: {  	[sflag:s10] =	ssyncadd.s32 $0xFFFFFFB0  }
0x27: {  	[bflag:$0x0] =	sbarrier.arrive $0xFFFF  }
0x28: {  	[tilespmem:s19], [sflag:$0xB] =	stream.linear.gather [spmem:s5], $0x280, $0x38;
	[tilespmem:$0x800] =	vst v63  }
0x29: {  	_ =	swait.ge [sflag:s20], $0x280  }
0x2a: {  	s6 =	simm.s32 @p0 $0x0;
	[sflag:s20] =	ssyncset.done $0x0  }
0x2b: {  	s13 =	simm.s32 @p0 $0x80;
	s18 =	rddreg [dreg:$0x9];
	[sflag:s20] =	ssyncadd.s32 $0xFFFFFD80  }
0x2c: {  	[hbm4b:s18+s6] =	stream.linear.scatter @p0 [tilespmem:s13], [sflag:$0xB], $0x190, $0x38;
	[tilespmem:$0x800] =	vst v63  }
0x2d: {  	s6 =	simm.s32 @p0 $0xB  }
0x2e: {  	_ =	swait.ge @p0 [sflag:s6], $0x190  }
0x2f: {  	s13 =	simm.s32 @!p0 $0x80;
	[sflag:s6] =	ssyncset.done @p0 $0x0  }
0x30: {  	s18 =	rddreg [dreg:$0x8];
	[sflag:s6] =	ssyncadd.s32 @p0 $0xFFFFFE70;
	s6 =	simm.s32 @!p0 $0x0  }
0x31: {  	[hbm4b:s18+s6] =	stream.linear.scatter @!p0 [tilespmem:s13], [sflag:$0xB], $0x280, $0x38;
	[tilespmem:$0x800] =	vst v63  }
0x32: {  	s6 =	simm.s32 @!p0 $0xB  }
0x33: {  	_ =	swait.ge @!p0 [sflag:s6], $0x280  }
0x34: {  	s11 =	sadd.s32 $0x1, s11;
	s18 =	rddreg [dreg:$0xa]  }
0x35: {  	p1 =	sne.s32 s11, s18  }
.Ltmp1:
0x36: {  	_ = 	snop;
	(pc) =	sbr.rel @!p1 .LBB2_5-.Ltmp1, $3  }
0x37: {  	_ =	sdelay $0x1  }
0x38: {  	[sflag:s6] =	ssyncset.done @!p0 $0x0  }
0x39: {  	[sflag:s6] =	ssyncadd.s32 @!p0 $0xFFFFFD80  }
.LBB2_1:
0x3a: {  	[tilespmem:$0x0] =	vst v0  }
0x3b: {  	[tilespmem:$0x10] =	vst v0  }
0x3c: {  	[tilespmem:$0x20] =	vst v0  }
0x3d: {  	[tilespmem:$0x30] =	vst v0  }
0x3e: {  	[tilespmem:$0x40] =	vst v0  }
0x3f: {  	[tilespmem:$0x80] =	vst v1  }
0x40: {  	[tilespmem:$0x90] =	vst v1  }
0x41: {  	[tilespmem:$0xA0] =	vst v1  }
0x42: {  	[tilespmem:$0xB0] =	vst v1  }
0x43: {  	[tilespmem:$0xC0] =	vst v1  }
0x44: {  	[tilespmem:$0xD0] =	vst v1  }
0x45: {  	[tilespmem:$0xE0] =	vst v1  }
0x46: {  	[tilespmem:$0xF0] =	vst v1  }
0x47: {  	[tilespmem:$0x100] =	vst v1  }
0x48: {  	[tilespmem:$0x110] =	vst v1  }
0x49: {  	[tilespmem:$0x120] =	vst v1  }
0x4a: {  	[tilespmem:$0x130] =	vst v1  }
0x4b: {  	[tilespmem:$0x140] =	vst v1  }
0x4c: {  	[tilespmem:$0x150] =	vst v1  }
0x4d: {  	[tilespmem:$0x160] =	vst v1  }
0x4e: {  	[tilespmem:$0x170] =	vst v1  }
0x4f: {  	[tilespmem:$0x180] =	vst v1  }
0x50: {  	[tilespmem:$0x190] =	vst v1  }
0x51: {  	[tilespmem:$0x1A0] =	vst v1  }
0x52: {  	[tilespmem:$0x1B0] =	vst v1  }
0x53: {  	[tilespmem:$0x1C0] =	vst v1  }
0x54: {  	[tilespmem:$0x1D0] =	vst v1  }
0x55: {  	[tilespmem:$0x1E0] =	vst v1  }
0x56: {  	[tilespmem:$0x1F0] =	vst v1  }
0x57: {  	[tilespmem:$0x200] =	vst v1  }
0x58: {  	[tilespmem:$0x210] =	vst v1  }
0x59: {  	[tilespmem:$0x220] =	vst v1  }
0x5a: {  	[tilespmem:$0x230] =	vst v1  }
0x5b: {  	[tilespmem:$0x240] =	vst v1  }
0x5c: {  	[tilespmem:$0x250] =	vst v1  }
0x5d: {  	[tilespmem:$0x260] =	vst v1  }
0x5e: {  	[tilespmem:$0x270] =	vst v1  }
0x5f: {  	[tilespmem:$0x280] =	vst v1  }
0x60: {  	[tilespmem:$0x290] =	vst v1  }
0x61: {  	[tilespmem:$0x2A0] =	vst v1  }
0x62: {  	[tilespmem:$0x2B0] =	vst v1  }
0x63: {  	[tilespmem:$0x2C0] =	vst v1  }
0x64: {  	[tilespmem:$0x2D0] =	vst v1  }
0x65: {  	[tilespmem:$0x2E0] =	vst v1  }
0x66: {  	[tilespmem:$0x2F0] =	vst v1  }
0x67: {  	[spmem:s5] =	stream.linear.scatter [tilespmem:s19], [sflag:$0xB], $0x280, $0x38;
	[tilespmem:$0x800] =	vst v63  }
0x68: {  	_ =	swait.ge [sflag:s20], $0x280  }
0x69: {  	[sflag:s20] =	ssyncset.done $0x0  }
0x6a: {  	[sflag:s20] =	ssyncadd.s32 $0xFFFFFD80  }
0x6b: {  	[bflag:$0x0] =	sbarrier.arrive $0xFFFF  }
0x6c: {  	s6 =	rddreg [dreg:$0x3]  }
0x6d: {  	[tilespmem:s21], [sflag:$0x1] =	stream.linear.gather [hbm4b:s6+s3], $0x50, $0x38;
	[tilespmem:$0x800] =	vst v63  }
0x6e: {  	s13 =	rddreg [dreg:$0x4]  }
0x6f: {  	[tilespmem:s22], [sflag:$0x2] =	stream.linear.gather [hbm4b:s13+s3], $0x50, $0x38;
	[tilespmem:$0x800] =	vst v63  }
0x70: {  	s18 =	rddreg [dreg:$0x5]  }
0x71: {  	[tilespmem:s23], [sflag:$0x3] =	stream.linear.gather [hbm4b:s18+s3], $0x50, $0x38;
	[tilespmem:$0x800] =	vst v63  }
0x72: {  	s13 =	rddreg [dreg:$0x6]  }
0x73: {  	[tilespmem:s24], [sflag:$0x4] =	stream.linear.gather [hbm4b:s13+s3], $0x50, $0x38;
	[tilespmem:$0x800] =	vst v63  }
0x74: {  	s18 =	rddreg [dreg:$0x7]  }
0x75: {  	[tilespmem:s25], [sflag:$0x5] =	stream.linear.gather [hbm4b:s18+s3], $0x50, $0x38;
	[tilespmem:$0x800] =	vst v63  }
0x76: {  	s13 =	simm.s32 $0x0;
	s18 =	smov.u32 s12  }
.LBB2_2:
0x77: {  	_ =	swait.ge [sflag:s26], $0x50  }
0x78: {  	[sflag:s26] =	ssyncset.done $0x0  }
0x79: {  	[sflag:s26] =	ssyncadd.s32 $0xFFFFFFB0  }
0x7a: {  	[spmem:s2] =	stream.indirect.scatter.add.f32 [tilespmem:s3], [sflag:$0x6], $0x1, s21, s28, $0xb8;
	[tilespmem:$0x800] =	vst v63  }
0x7b: {  	_ =	swait.ge [sflag:s29], $0x50  }
0x7c: {  	[sflag:s29] =	ssyncset.done $0x0  }
0x7d: {  	[sflag:s29] =	ssyncadd.s32 $0xFFFFFFB0  }
0x7e: {  	[spmem:s2] =	stream.indirect.scatter.add.f32 [tilespmem:s3], [sflag:$0x7], $0x1, s22, s28, $0xb8;
	[tilespmem:$0x800] =	vst v63  }
0x7f: {  	_ =	swait.ge [sflag:s30], $0x50  }
0x80: {  	[sflag:s30] =	ssyncset.done $0x0  }
0x81: {  	[sflag:s30] =	ssyncadd.s32 $0xFFFFFFB0  }
0x82: {  	[spmem:s2] =	stream.indirect.scatter.add.f32 [tilespmem:s3], [sflag:$0x8], $0x1, s23, s28, $0xb8;
	[tilespmem:$0x800] =	vst v63  }
0x83: {  	_ =	swait.ge [sflag:s31], $0x50  }
0x84: {  	[sflag:s31] =	ssyncset.done $0x0  }
0x85: {  	[sflag:s31] =	ssyncadd.s32 $0xFFFFFFB0  }
0x86: {  	[spmem:s2] =	stream.indirect.scatter.add.f32 [tilespmem:s3], [sflag:$0x9], $0x1, s24, s28, $0xb8;
	[tilespmem:$0x800] =	vst v63  }
0x87: {  	_ =	swait.ge [sflag:s0], $0x50  }
0x88: {  	p1 =	seq.s32 s13, $0x4B0;
	[sflag:s0] =	ssyncset.done $0x0  }
.Ltmp2:
0x89: {  	[sflag:s0] =	ssyncadd.s32 $0xFFFFFFB0;
	(pc) =	sbr.rel @p1 .LBB2_4-.Ltmp2, $4  }
0x8a: {  	[spmem:s2] =	stream.indirect.scatter.add.f32 [tilespmem:s3], [sflag:$0xA], $0x1, s25, s28, $0xb8;
	[tilespmem:$0x800] =	vst v63  }
0x8b: {  	_ =	swait.ge [sflag:s1], $0x50  }
0x8c: {  	[sflag:s1] =	ssyncset.done $0x0  }
0x8d: {  	[sflag:s1] =	ssyncadd.s32 $0xFFFFFFB0  }
0x8e: {  	s6 =	sshrl.u32 s18, $0x3  }
0x8f: {  	s6 =	sadd.s32 s4, s6  }
0x90: {  	[tilespmem:s21], [sflag:$0x1] =	stream.linear.gather [hbm4b:s6+s3], $0x50, $0x38;
	[tilespmem:$0x800] =	vst v63  }
0x91: {  	_ =	swait.ge [sflag:s7], $0x50  }
0x92: {  	[sflag:s7] =	ssyncset.done $0x0  }
0x93: {  	s6 =	sadd.s32 s13, s17;
	[sflag:s7] =	ssyncadd.s32 $0xFFFFFFB0  }
0x94: {  	[tilespmem:s22], [sflag:$0x2] =	stream.linear.gather [hbm4b:s6+s3], $0x50, $0x38;
	[tilespmem:$0x800] =	vst v63  }
0x95: {  	_ =	swait.ge [sflag:s8], $0x50  }
0x96: {  	[sflag:s8] =	ssyncset.done $0x0  }
0x97: {  	s6 =	sadd.s32 s13, s16;
	[sflag:s8] =	ssyncadd.s32 $0xFFFFFFB0  }
0x98: {  	[tilespmem:s23], [sflag:$0x3] =	stream.linear.gather [hbm4b:s6+s3], $0x50, $0x38;
	[tilespmem:$0x800] =	vst v63  }
0x99: {  	_ =	swait.ge [sflag:s9], $0x50  }
0x9a: {  	[sflag:s9] =	ssyncset.done $0x0  }
0x9b: {  	s6 =	sadd.s32 s13, s15;
	[sflag:s9] =	ssyncadd.s32 $0xFFFFFFB0  }
0x9c: {  	[tilespmem:s24], [sflag:$0x4] =	stream.linear.gather [hbm4b:s6+s3], $0x50, $0x38;
	[tilespmem:$0x800] =	vst v63  }
.Ltmp3:
0x9d: {  	_ = 	snop;
	(pc) =	sbr.rel .LBB2_2-.Ltmp3, $4  }
0x9e: {  	_ =	swait.ge [sflag:s10], $0x50  }
0x9f: {  	s18 =	sadd.s32 $0x190, s18;
	[sflag:s10] =	ssyncset.done $0x0  }
0xa0: {  	s6 =	sadd.s32 s13, s14;
	s13 =	sadd.s32 $0x32, s13;
	[sflag:s10] =	ssyncadd.s32 $0xFFFFFFB0  }
0xa1: {  	[tilespmem:s25], [sflag:$0x5] =	stream.linear.gather [hbm4b:s6+s3], $0x50, $0x38;
	[tilespmem:$0x800] =	vst v63  }
.LBB2_5:
0xa2: {  	_ =	sfence.sel $0x180000  }
0xa3: {  	[bflag:$0x0] =	sbarrier.arrive $0xFFFF  }
0xa4: {  	_ =	strace $0x90000047  }
0xa5: {  	s0 =	stileid.u32;
	[bflag:$0x2] =	sbarrier.arrive $0xFFFF  }
0xa6: {  	p0 =	sne.s32 s0, $0x0;
	s0 =	rddreg [dreg:$0x2]  }
0xa7: {  	s0 =	sadd.s32 @!p0 $0x100000, s0  }
0xa8: {  	[sflag:s0] =	ssyncadd.tile.s32 @!p0 $0x1;
	_ =	shalt  }
.Lfunc_end2:
_tile_overlayer_lowered:
.L_overlay_start_2:
0xa9: {  	(tag) =	ssettag $0x2  }
0xaa: {  	s0 =	rddreg [dreg:$0x0];
	s2 =	stileid.u32  }
0xab: {  	s1 =	rddreg [dreg:$0x1];
	p0 =	sne.s32 s2, $0x0  }
0xac: {  	s3 =	rddreg [dreg:$0x2];
	[bflag:$0x3] =	sbarrier.arrive $0xFFFF;
	s2 =	simm.s32 @!p0 $0x1C0B  }
0xad: {  	[timem:s3], [sflag:s2] =	dma.local @!p0 [hbm:s0], s1  }
0xae: {  	s0 =	simm.s32 @!p0 $0xB  }
0xaf: {  	_ =	swait.ge @!p0 [sflag:s0], s1  }
0xb0: {  	s1 =	ssub.s32 @!p0 $0x0, s1;
	[sflag:s0] =	ssyncset.done @!p0 $0x0  }
0xb1: {  	[sflag:s0] =	ssyncadd.s32 @!p0 s1  }
0xb2: {  	[bflag:$0x3] =	sbarrier.arrive $0xFFFF  }
0xb3: {  	_ =	shalt  }

</sc_bundles>
